<compile_context>
chip_gen: v7x
topology: tpu7x:2x2x1
jax: 0.10.2.dev20260603
libtpu: 0.0.44.dev20260713+nightly
codegen_flags: <defaults>
</compile_context>

<pallas_src>
import jax
import jax.numpy as jnp
from jax import lax
from jax.experimental import pallas as pl
from jax.experimental.pallas import tpu as pltpu
from jax.experimental.pallas import tpu_sc as plsc

N = 10000
E = 320000
F_IN = 128
NC = 2
NS = 16
NW = NC * NS
L = 16
SPAN = E // NW
ACH = 80
NCH = SPAN // ACH
NBUF = 2
NP = 10240
SLAB = NP // NS
ZROWS = 128
R_TC = 2048
F32 = jnp.float32


def _sc_mesh():
    return plsc.VectorSubcoreMesh(
        core_axis_name="c", subcore_axis_name="s", num_cores=NC, num_subcores=NS)



def _deg_body(src_hbm, dst_hbm, zeros_hbm, deg_hbm,
              srcall_v, dstall_v, acc_src, acc_dst, sem0, sem1):
    c = lax.axis_index("c")
    s = lax.axis_index("s")
    w = c * NS + s
    pltpu.async_copy(src_hbm.at[pl.ds(w * SPAN, SPAN)], srcall_v, sem0)
    pltpu.async_copy(dst_hbm.at[pl.ds(w * SPAN, SPAN)], dstall_v, sem1)
    pltpu.sync_copy(zeros_hbm, acc_src)
    pltpu.sync_copy(zeros_hbm, acc_dst)
    pltpu.make_async_copy(src_hbm.at[pl.ds(w * SPAN, SPAN)], srcall_v, sem0).wait()
    pltpu.make_async_copy(dst_hbm.at[pl.ds(w * SPAN, SPAN)], dstall_v, sem1).wait()

    def group(k):
        sl = pl.ds(k * L, L)
        sv = srcall_v[sl]
        cnt_s, last_s = plsc.scan_count(sv)
        plsc.addupdate_scatter(acc_src, [sv], cnt_s.astype(F32), mask=last_s)
        dv = dstall_v[sl]
        cnt_d, last_d = plsc.scan_count(dv)
        plsc.addupdate_scatter(acc_dst, [dv], cnt_d.astype(F32), mask=last_d)

    def group2(k, carry):
        group(2 * k)
        group(2 * k + 1)
        return carry

    lax.fori_loop(0, SPAN // L // 2, group2, 0)
    group(SPAN // L - 1)
    pltpu.sync_copy(acc_src, deg_hbm.at[0, w, 0])
    pltpu.sync_copy(acc_dst, deg_hbm.at[1, w, 0])


def _agg_body(z_hbm, src_hbm, dst_hbm, zeros_hbm, out_hbm,
              srcall_v, dstall_v, sidxs, didxs, rowss, gsems, ssems, accum_sh):
    c = lax.axis_index("c")
    s = lax.axis_index("s")
    w = c * NS + s
    pltpu.async_copy(src_hbm.at[pl.ds(w * SPAN, SPAN)], srcall_v, gsems[0])
    pltpu.async_copy(dst_hbm.at[pl.ds(w * SPAN, SPAN)], dstall_v, gsems[1])
    for j in range(SLAB // ZROWS):
        pltpu.async_copy(zeros_hbm, accum_sh.at[pl.ds(s * SLAB + j * ZROWS, ZROWS)],
                         ssems[0])
    pltpu.make_async_copy(src_hbm.at[pl.ds(w * SPAN, SPAN)], srcall_v, gsems[0]).wait()
    pltpu.make_async_copy(dst_hbm.at[pl.ds(w * SPAN, SPAN)], dstall_v, gsems[1]).wait()
    for j in range(SLAB // ZROWS):
        pltpu.make_async_copy(zeros_hbm,
                              accum_sh.at[pl.ds(s * SLAB + j * ZROWS, ZROWS)],
                              ssems[0]).wait()
    plsc.subcore_barrier()

    def build(b, k):
        for j in range(ACH // L):
            sl = pl.ds(k * ACH + j * L, L)
            sidxs[b][pl.ds(j * L, L)] = srcall_v[sl]
            didxs[b][pl.ds(j * L, L)] = dstall_v[sl]

    def gather_start(b):
        pltpu.async_copy(z_hbm.at[sidxs[b]], rowss[b], gsems[b])

    def gather_wait(b):
        pltpu.make_async_copy(z_hbm.at[sidxs[b]], rowss[b], gsems[b]).wait()

    def scat_start(b):
        pltpu.async_copy(rowss[b], accum_sh.at[didxs[b]], ssems[b], add=True)

    def scat_wait(b):
        pltpu.make_async_copy(rowss[b], accum_sh.at[didxs[b]], ssems[b]).wait()

    for b in range(NBUF):
        build(b, b)
        gather_start(b)

    def body(i, carry):
        for b in range(NBUF):
            k = i * NBUF + b

            @pl.when(k < NCH)
            def _():
                gather_wait(b)
                scat_start(b)
        for b in range(NBUF):
            kn = i * NBUF + b + NBUF

            @pl.when(kn < NCH)
            def _():
                scat_wait(b)
                build(b, kn)
                gather_start(b)
        return carry

    lax.fori_loop(0, (NCH + NBUF - 1) // NBUF, body, 0)
    for b in range(NBUF):
        scat_wait(b)
    plsc.subcore_barrier()
    pltpu.sync_copy(
        accum_sh.at[pl.ds(s * SLAB, SLAB)],
        out_hbm.at[pl.ds(c * NP + s * SLAB, SLAB)])



def _norm(d):
    return jnp.where(d > 0, lax.rsqrt(d), 0.0)


def _prep_body(x_ref, deg_ref, z_ref, no_ref, ni_ref):
    deg = deg_ref[...]
    no = _norm(jnp.sum(deg[:NW], axis=0))[:, None]
    ni = _norm(jnp.sum(deg[NW:], axis=0))[:, None]
    no_ref[...] = no
    ni_ref[...] = ni
    z_ref[...] = x_ref[...] * no


def _mid_body(aggp_ref, no_ref, ni_ref, w1_ref, b1_ref, w2_ref, z_ref):
    agg = (aggp_ref[0] + aggp_ref[1]) * ni_ref[...]
    h1 = jnp.maximum(
        jnp.dot(agg, w1_ref[...], preferred_element_type=F32) + b1_ref[...], 0.0)
    z_ref[...] = jnp.dot(h1, w2_ref[...], preferred_element_type=F32) * no_ref[...]


def _head_body(aggp_ref, ni_ref, b2_ref, w3_ref, b3_ref, w4_ref, b4_ref, o_ref):
    hidden = (aggp_ref[0] + aggp_ref[1]) * ni_ref[...] + b2_ref[...]
    h = jnp.maximum(
        jnp.dot(hidden, w3_ref[...], preferred_element_type=F32) + b3_ref[...], 0.0)
    o_ref[...] = jnp.dot(h, w4_ref[...], preferred_element_type=F32) + b4_ref[...]


def _whole(shape):
    return pl.BlockSpec(shape, lambda i: tuple(0 for _ in shape))


def kernel(features, edge_index, W1, b1, W2, b2, W3, b3, W4, b4):
    x = features.reshape(N, F_IN).astype(F32)
    ei = edge_index.astype(jnp.int32)
    src = ei[0]
    dst = ei[1]
    zeros_np = jnp.zeros((NP,), F32)
    zeros_slab = jnp.zeros((ZROWS, F_IN), F32)

    mesh = _sc_mesh()
    deg_call = pl.kernel(
        _deg_body,
        out_type=jax.ShapeDtypeStruct((2, NW, 1, NP), F32),
        mesh=mesh,
        compiler_params=pltpu.CompilerParams(needs_layout_passes=False),
        scratch_types=[
            pltpu.VMEM((SPAN,), jnp.int32),
            pltpu.VMEM((SPAN,), jnp.int32),
            pltpu.VMEM((NP,), F32),
            pltpu.VMEM((NP,), F32),
            pltpu.SemaphoreType.DMA,
            pltpu.SemaphoreType.DMA,
        ],
    )
    agg_call = pl.kernel(
        _agg_body,
        out_type=jax.ShapeDtypeStruct((NC * NP, F_IN), F32),
        mesh=mesh,
        scratch_types=[
            pltpu.VMEM((SPAN,), jnp.int32),
            pltpu.VMEM((SPAN,), jnp.int32),
            [pltpu.VMEM((ACH,), jnp.int32) for _ in range(NBUF)],
            [pltpu.VMEM((ACH,), jnp.int32) for _ in range(NBUF)],
            [pltpu.VMEM((ACH, F_IN), F32) for _ in range(NBUF)],
            [pltpu.SemaphoreType.DMA for _ in range(NBUF)],
            [pltpu.SemaphoreType.DMA for _ in range(NBUF)],
            pltpu.VMEM_SHARED((NP, F_IN), F32),
        ],
    )

    grid = ((N + R_TC - 1) // R_TC,)
    row_spec = lambda w: pl.BlockSpec((R_TC, w), lambda i: (i, 0))
    deg_spec = pl.BlockSpec((2 * NW, R_TC), lambda i: (0, i))
    aggp_spec = pl.BlockSpec((NC, R_TC, F_IN), lambda i: (0, i, 0))

    prep_call = pl.pallas_call(
        _prep_body, grid=grid,
        in_specs=[row_spec(F_IN), deg_spec],
        out_specs=(row_spec(F_IN), row_spec(1), row_spec(1)),
        out_shape=(jax.ShapeDtypeStruct((N, F_IN), F32),
                   jax.ShapeDtypeStruct((N, 1), F32),
                   jax.ShapeDtypeStruct((N, 1), F32)),
    )
    mid_call = pl.pallas_call(
        _mid_body, grid=grid,
        in_specs=[aggp_spec, row_spec(1), row_spec(1),
                  _whole((F_IN, 256)), _whole((1, 256)), _whole((256, F_IN))],
        out_specs=row_spec(F_IN),
        out_shape=jax.ShapeDtypeStruct((N, F_IN), F32),
    )
    head_call = pl.pallas_call(
        _head_body, grid=grid,
        in_specs=[aggp_spec, row_spec(1), _whole((1, F_IN)),
                  _whole((F_IN, 64)), _whole((1, 64)),
                  _whole((64, 1)), _whole((1, 1))],
        out_specs=row_spec(1),
        out_shape=jax.ShapeDtypeStruct((N, 1), F32),
    )

    deg = deg_call(src, dst, zeros_np).reshape(2 * NW, NP)
    z1, normo, normi = prep_call(x, deg)
    agg1 = agg_call(z1, src, dst, zeros_slab).reshape(NC, NP, F_IN)
    z2 = mid_call(agg1, normo, normi, W1, b1.reshape(1, -1), W2)
    agg2 = agg_call(z2, src, dst, zeros_slab).reshape(NC, NP, F_IN)
    out = head_call(agg2, normi, b2.reshape(1, -1), W3,
                    b3.reshape(1, -1), W4, b4.reshape(1, -1))
    return out

# --- scband reference (transcript-rebuilt; emitter-appended) ---
"""Pipeline reference for scband-net-gcn-60301340836173 (READ-ONLY COPY).

The authoritative reference and input builder live on the scoring server;
editing this copy changes nothing except your own understanding.
"""

import jax, jax.numpy as jnp
import numpy as np

N_NODES = 10000
N_EDGES = 320000
IN_DIM = 16
N_SEQ = 8
HID1 = 256
HID2 = 128
ENDC = 64
OUTC = 1


def _glorot(key, shape):
    fan_in, fan_out = shape[0], shape[1]
    lim = (6.0 / (fan_in + fan_out)) ** 0.5
    return jax.random.uniform(key, shape, jnp.float32, -lim, lim)


def setup_inputs(seed: int = 0) -> dict:
    key = jax.random.key(seed)
    ks = jax.random.split(key, 8)
    features = jax.random.normal(ks[0], (N_NODES, IN_DIM, N_SEQ), dtype=jnp.float32)
    edge_index = jax.random.randint(ks[1], (2, N_EDGES), 0, N_NODES, dtype=jnp.int64)
    W1 = _glorot(ks[2], (IN_DIM * N_SEQ, HID1))
    b1 = jnp.zeros((HID1,), jnp.float32)
    W2 = _glorot(ks[3], (HID1, HID2))
    b2 = jnp.zeros((HID2,), jnp.float32)
    W3 = _glorot(ks[4], (HID2, ENDC))
    b3 = jnp.zeros((ENDC,), jnp.float32)
    W4 = _glorot(ks[5], (ENDC, OUTC))
    b4 = jnp.zeros((OUTC,), jnp.float32)
    return {"features": features, "edge_index": edge_index,
            "W1": W1, "b1": b1, "W2": W2, "b2": b2,
            "W3": W3, "b3": b3, "W4": W4, "b4": b4}


def _gcn_conv(x, W, b, src, dst, n_nodes):
    # DGL GraphConv with norm='both': D_out^{-1/2} on source, D_in^{-1/2} on dest
    ones = jnp.ones((src.shape[0],), jnp.float32)
    deg_out = jax.ops.segment_sum(ones, src, num_segments=n_nodes)
    deg_in = jax.ops.segment_sum(ones, dst, num_segments=n_nodes)
    norm_out = jnp.where(deg_out > 0, deg_out ** -0.5, 0.0)
    norm_in = jnp.where(deg_in > 0, deg_in ** -0.5, 0.0)
    h = x @ W
    h = h * norm_out[:, None]
    msg = jnp.take(h, src, axis=0)
    agg = jax.ops.segment_sum(msg, dst, num_segments=n_nodes)
    return agg * norm_in[:, None] + b


def reference(features, edge_index, W1, b1, W2, b2, W3, b3, W4, b4):
    src = edge_index[0]
    dst = edge_index[1]
    x = features.reshape(features.shape[0], features.shape[1] * N_SEQ)
    x = jax.nn.relu(_gcn_conv(x, W1, b1, src, dst, N_NODES))
    hidden = _gcn_conv(x, W2, b2, src, dst, N_NODES)
    # OutputLayer: MLP with relu activation, regression head (no softmax)
    h = jax.nn.relu(hidden @ W3 + b3)
    out = h @ W4 + b4
    return out

if __name__ == "__main__":
    import jax
    _d = setup_inputs()
    print(jax.jit(kernel)(*tuple(_d.values())))

</pallas_src>

<mosaic_0001>
#map = affine_map<(d0, d1) -> (0, 0)>
#map1 = affine_map<(d0, d1) -> (0)>
module attributes {stable_mosaic.version = 14 : i64} {
  func.func @_agg_body(%arg0: i32, %arg1: i32, %arg2: memref<10000x128xf32, #tpu.memory_space<hbm>>, %arg3: memref<320000xi32, #tpu.memory_space<hbm>>, %arg4: memref<320000xi32, #tpu.memory_space<hbm>>, %arg5: memref<128x128xf32, #tpu.memory_space<hbm>>, %arg6: memref<20480x128xf32, #tpu.memory_space<hbm>>, %arg7: memref<10000xi32, #tpu.memory_space<vmem>>, %arg8: memref<10000xi32, #tpu.memory_space<vmem>>, %arg9: memref<80xi32, #tpu.memory_space<vmem>>, %arg10: memref<80xi32, #tpu.memory_space<vmem>>, %arg11: memref<80xi32, #tpu.memory_space<vmem>>, %arg12: memref<80xi32, #tpu.memory_space<vmem>>, %arg13: memref<80x128xf32, #tpu.memory_space<vmem>>, %arg14: memref<80x128xf32, #tpu.memory_space<vmem>>, %arg15: memref<!tpu.dma_semaphore, #tpu.memory_space<semaphore_mem>>, %arg16: memref<!tpu.dma_semaphore, #tpu.memory_space<semaphore_mem>>, %arg17: memref<!tpu.dma_semaphore, #tpu.memory_space<semaphore_mem>>, %arg18: memref<!tpu.dma_semaphore, #tpu.memory_space<semaphore_mem>>, %arg19: memref<10240x128xf32, #tpu.memory_space<vmem_shared>>) attributes {dimension_semantics = [#tpu.dimension_semantics<core_parallel>, #tpu.dimension_semantics<subcore_parallel>], iteration_bounds = array<i64: 2, 16>, scalar_prefetch = 0 : i64, scratch_operands = 13 : i64, tpu.core_type = #tpu.core_type<sc_vector_subcore>, window_params = [{transform_indices = #map}, {transform_indices = #map1}, {transform_indices = #map1}, {transform_indices = #map}, {transform_indices = #map}]} {
    %mul3A = arith.constant 16 : i32
    %mul3A_0 = arith.muli %arg0, %mul3A : i32
    %add3A = arith.addi %mul3A_0, %arg1 : i32
    %mul3A_1 = arith.constant 10000 : i32
    %mul3A_2 = arith.muli %add3A, %mul3A_1 : i32
    %dma_start3A = tpu.memref_slice %arg3[%mul3A_2] : memref<320000xi32, #tpu.memory_space<hbm>> -> memref<10000xi32, #tpu.memory_space<hbm>>
    %dma_start3A_3 = tpu.memref_slice %arg3[%mul3A_2] : memref<320000xi32, #tpu.memory_space<hbm>> -> memref<10000xi32, #tpu.memory_space<hbm>>
    tpu.enqueue_dma source(%dma_start3A_3 : memref<10000xi32, #tpu.memory_space<hbm>>) target(%arg7 : memref<10000xi32, #tpu.memory_space<vmem>>) target_semaphore(%arg15 : memref<!tpu.dma_semaphore, #tpu.memory_space<semaphore_mem>>)
    %mul3A_4 = arith.constant 10000 : i32
    %mul3A_5 = arith.muli %add3A, %mul3A_4 : i32
    %dma_start3A_6 = tpu.memref_slice %arg4[%mul3A_5] : memref<320000xi32, #tpu.memory_space<hbm>> -> memref<10000xi32, #tpu.memory_space<hbm>>
    %dma_start3A_7 = tpu.memref_slice %arg4[%mul3A_5] : memref<320000xi32, #tpu.memory_space<hbm>> -> memref<10000xi32, #tpu.memory_space<hbm>>
    tpu.enqueue_dma source(%dma_start3A_7 : memref<10000xi32, #tpu.memory_space<hbm>>) target(%arg8 : memref<10000xi32, #tpu.memory_space<vmem>>) target_semaphore(%arg16 : memref<!tpu.dma_semaphore, #tpu.memory_space<semaphore_mem>>)
    %mul3A_8 = arith.constant 640 : i32
    %mul3A_9 = arith.muli %arg1, %mul3A_8 : i32
    %add3A_10 = arith.constant 0 : i32
    %add3A_11 = arith.addi %mul3A_9, %add3A_10 : i32
    %dma_start3A_12 = arith.constant 0 : i32
    %dma_start3A_13 = tpu.memref_slice %arg19[%add3A_11, %dma_start3A_12] : memref<10240x128xf32, #tpu.memory_space<vmem_shared>> -> memref<128x128xf32, #tpu.memory_space<vmem_shared>>
    tpu.enqueue_dma source(%arg5 : memref<128x128xf32, #tpu.memory_space<hbm>>) target(%dma_start3A_13 : memref<128x128xf32, #tpu.memory_space<vmem_shared>>) target_semaphore(%arg17 : memref<!tpu.dma_semaphore, #tpu.memory_space<semaphore_mem>>)
    %mul3A_14 = arith.constant 640 : i32
    %mul3A_15 = arith.muli %arg1, %mul3A_14 : i32
    %add3A_16 = arith.constant 128 : i32
    %add3A_17 = arith.addi %mul3A_15, %add3A_16 : i32
    %dma_start3A_18 = arith.constant 0 : i32
    %dma_start3A_19 = tpu.memref_slice %arg19[%add3A_17, %dma_start3A_18] : memref<10240x128xf32, #tpu.memory_space<vmem_shared>> -> memref<128x128xf32, #tpu.memory_space<vmem_shared>>
    tpu.enqueue_dma source(%arg5 : memref<128x128xf32, #tpu.memory_space<hbm>>) target(%dma_start3A_19 : memref<128x128xf32, #tpu.memory_space<vmem_shared>>) target_semaphore(%arg17 : memref<!tpu.dma_semaphore, #tpu.memory_space<semaphore_mem>>)
    %mul3A_20 = arith.constant 640 : i32
    %mul3A_21 = arith.muli %arg1, %mul3A_20 : i32
    %add3A_22 = arith.constant 256 : i32
    %add3A_23 = arith.addi %mul3A_21, %add3A_22 : i32
    %dma_start3A_24 = arith.constant 0 : i32
    %dma_start3A_25 = tpu.memref_slice %arg19[%add3A_23, %dma_start3A_24] : memref<10240x128xf32, #tpu.memory_space<vmem_shared>> -> memref<128x128xf32, #tpu.memory_space<vmem_shared>>
    tpu.enqueue_dma source(%arg5 : memref<128x128xf32, #tpu.memory_space<hbm>>) target(%dma_start3A_25 : memref<128x128xf32, #tpu.memory_space<vmem_shared>>) target_semaphore(%arg17 : memref<!tpu.dma_semaphore, #tpu.memory_space<semaphore_mem>>)
    %mul3A_26 = arith.constant 640 : i32
    %mul3A_27 = arith.muli %arg1, %mul3A_26 : i32
    %add3A_28 = arith.constant 384 : i32
    %add3A_29 = arith.addi %mul3A_27, %add3A_28 : i32
    %dma_start3A_30 = arith.constant 0 : i32
    %dma_start3A_31 = tpu.memref_slice %arg19[%add3A_29, %dma_start3A_30] : memref<10240x128xf32, #tpu.memory_space<vmem_shared>> -> memref<128x128xf32, #tpu.memory_space<vmem_shared>>
    tpu.enqueue_dma source(%arg5 : memref<128x128xf32, #tpu.memory_space<hbm>>) target(%dma_start3A_31 : memref<128x128xf32, #tpu.memory_space<vmem_shared>>) target_semaphore(%arg17 : memref<!tpu.dma_semaphore, #tpu.memory_space<semaphore_mem>>)
    %mul3A_32 = arith.constant 640 : i32
    %mul3A_33 = arith.muli %arg1, %mul3A_32 : i32
    %add3A_34 = arith.constant 512 : i32
    %add3A_35 = arith.addi %mul3A_33, %add3A_34 : i32
    %dma_start3A_36 = arith.constant 0 : i32
    %dma_start3A_37 = tpu.memref_slice %arg19[%add3A_35, %dma_start3A_36] : memref<10240x128xf32, #tpu.memory_space<vmem_shared>> -> memref<128x128xf32, #tpu.memory_space<vmem_shared>>
    tpu.enqueue_dma source(%arg5 : memref<128x128xf32, #tpu.memory_space<hbm>>) target(%dma_start3A_37 : memref<128x128xf32, #tpu.memory_space<vmem_shared>>) target_semaphore(%arg17 : memref<!tpu.dma_semaphore, #tpu.memory_space<semaphore_mem>>)
    %mul3A_38 = arith.constant 10000 : i32
    %mul3A_39 = arith.muli %add3A, %mul3A_38 : i32
    %dma_wait3A = tpu.memref_slice %arg3[%mul3A_39] : memref<320000xi32, #tpu.memory_space<hbm>> -> memref<10000xi32, #tpu.memory_space<hbm>>
    %dma_wait3A_40 = tpu.memref_slice %arg3[%mul3A_39] : memref<320000xi32, #tpu.memory_space<hbm>> -> memref<10000xi32, #tpu.memory_space<hbm>>
    tpu.wait_dma2 semaphore(%arg15 : memref<!tpu.dma_semaphore, #tpu.memory_space<semaphore_mem>>) src(%dma_wait3A_40 : memref<10000xi32, #tpu.memory_space<hbm>>) dst(%arg7 : memref<10000xi32, #tpu.memory_space<vmem>>)
    %mul3A_41 = arith.constant 10000 : i32
    %mul3A_42 = arith.muli %add3A, %mul3A_41 : i32
    %dma_wait3A_43 = tpu.memref_slice %arg4[%mul3A_42] : memref<320000xi32, #tpu.memory_space<hbm>> -> memref<10000xi32, #tpu.memory_space<hbm>>
    %dma_wait3A_44 = tpu.memref_slice %arg4[%mul3A_42] : memref<320000xi32, #tpu.memory_space<hbm>> -> memref<10000xi32, #tpu.memory_space<hbm>>
    tpu.wait_dma2 semaphore(%arg16 : memref<!tpu.dma_semaphore, #tpu.memory_space<semaphore_mem>>) src(%dma_wait3A_44 : memref<10000xi32, #tpu.memory_space<hbm>>) dst(%arg8 : memref<10000xi32, #tpu.memory_space<vmem>>)
    %mul3A_45 = arith.constant 640 : i32
    %mul3A_46 = arith.muli %arg1, %mul3A_45 : i32
    %add3A_47 = arith.constant 0 : i32
    %add3A_48 = arith.addi %mul3A_46, %add3A_47 : i32
    %dma_wait3A_49 = arith.constant 0 : i32
    %dma_wait3A_50 = tpu.memref_slice %arg19[%add3A_48, %dma_wait3A_49] : memref<10240x128xf32, #tpu.memory_space<vmem_shared>> -> memref<128x128xf32, #tpu.memory_space<vmem_shared>>
    tpu.wait_dma2 semaphore(%arg17 : memref<!tpu.dma_semaphore, #tpu.memory_space<semaphore_mem>>) src(%arg5 : memref<128x128xf32, #tpu.memory_space<hbm>>) dst(%dma_wait3A_50 : memref<128x128xf32, #tpu.memory_space<vmem_shared>>)
    %mul3A_51 = arith.constant 640 : i32
    %mul3A_52 = arith.muli %arg1, %mul3A_51 : i32
    %add3A_53 = arith.constant 128 : i32
    %add3A_54 = arith.addi %mul3A_52, %add3A_53 : i32
    %dma_wait3A_55 = arith.constant 0 : i32
    %dma_wait3A_56 = tpu.memref_slice %arg19[%add3A_54, %dma_wait3A_55] : memref<10240x128xf32, #tpu.memory_space<vmem_shared>> -> memref<128x128xf32, #tpu.memory_space<vmem_shared>>
    tpu.wait_dma2 semaphore(%arg17 : memref<!tpu.dma_semaphore, #tpu.memory_space<semaphore_mem>>) src(%arg5 : memref<128x128xf32, #tpu.memory_space<hbm>>) dst(%dma_wait3A_56 : memref<128x128xf32, #tpu.memory_space<vmem_shared>>)
    %mul3A_57 = arith.constant 640 : i32
    %mul3A_58 = arith.muli %arg1, %mul3A_57 : i32
    %add3A_59 = arith.constant 256 : i32
    %add3A_60 = arith.addi %mul3A_58, %add3A_59 : i32
    %dma_wait3A_61 = arith.constant 0 : i32
    %dma_wait3A_62 = tpu.memref_slice %arg19[%add3A_60, %dma_wait3A_61] : memref<10240x128xf32, #tpu.memory_space<vmem_shared>> -> memref<128x128xf32, #tpu.memory_space<vmem_shared>>
    tpu.wait_dma2 semaphore(%arg17 : memref<!tpu.dma_semaphore, #tpu.memory_space<semaphore_mem>>) src(%arg5 : memref<128x128xf32, #tpu.memory_space<hbm>>) dst(%dma_wait3A_62 : memref<128x128xf32, #tpu.memory_space<vmem_shared>>)
    %mul3A_63 = arith.constant 640 : i32
    %mul3A_64 = arith.muli %arg1, %mul3A_63 : i32
    %add3A_65 = arith.constant 384 : i32
    %add3A_66 = arith.addi %mul3A_64, %add3A_65 : i32
    %dma_wait3A_67 = arith.constant 0 : i32
    %dma_wait3A_68 = tpu.memref_slice %arg19[%add3A_66, %dma_wait3A_67] : memref<10240x128xf32, #tpu.memory_space<vmem_shared>> -> memref<128x128xf32, #tpu.memory_space<vmem_shared>>
    tpu.wait_dma2 semaphore(%arg17 : memref<!tpu.dma_semaphore, #tpu.memory_space<semaphore_mem>>) src(%arg5 : memref<128x128xf32, #tpu.memory_space<hbm>>) dst(%dma_wait3A_68 : memref<128x128xf32, #tpu.memory_space<vmem_shared>>)
    %mul3A_69 = arith.constant 640 : i32
    %mul3A_70 = arith.muli %arg1, %mul3A_69 : i32
    %add3A_71 = arith.constant 512 : i32
    %add3A_72 = arith.addi %mul3A_70, %add3A_71 : i32
    %dma_wait3A_73 = arith.constant 0 : i32
    %dma_wait3A_74 = tpu.memref_slice %arg19[%add3A_72, %dma_wait3A_73] : memref<10240x128xf32, #tpu.memory_space<vmem_shared>> -> memref<128x128xf32, #tpu.memory_space<vmem_shared>>
    tpu.wait_dma2 semaphore(%arg17 : memref<!tpu.dma_semaphore, #tpu.memory_space<semaphore_mem>>) src(%arg5 : memref<128x128xf32, #tpu.memory_space<hbm>>) dst(%dma_wait3A_74 : memref<128x128xf32, #tpu.memory_space<vmem_shared>>)
    %barrier3A = arith.constant 0 : index
    tpu.barrier barrier_id(%barrier3A)
    %get3A = arith.constant 0 : index
    %get3A_75 = tpu.vector_load %arg7[%get3A] {strides = array<i32>} : memref<10000xi32, #tpu.memory_space<vmem>>, vector<16xi32>,
    %get3A_76 = vector.shape_cast %get3A_75 : vector<16xi32> to vector<16xi32>
    %swap3A = arith.constant 0 : index
    %swap3A_77 = tpu.vector_load %arg9[%swap3A] {strides = array<i32>} : memref<80xi32, #tpu.memory_space<vmem>>, vector<16xi32>,
    %swap3A_78 = vector.shape_cast %swap3A_77 : vector<16xi32> to vector<16xi32>
    %swap3A_79 = vector.shape_cast %get3A_76 : vector<16xi32> to vector<16xi32>
    tpu.vector_store %arg9[%swap3A], %swap3A_79 {strides = array<i32>} : memref<80xi32, #tpu.memory_space<vmem>>, vector<16xi32>,
    %get3A_80 = arith.constant 0 : index
    %get3A_81 = tpu.vector_load %arg8[%get3A_80] {strides = array<i32>} : memref<10000xi32, #tpu.memory_space<vmem>>, vector<16xi32>,
    %get3A_82 = vector.shape_cast %get3A_81 : vector<16xi32> to vector<16xi32>
    %swap3A_83 = arith.constant 0 : index
    %swap3A_84 = tpu.vector_load %arg11[%swap3A_83] {strides = array<i32>} : memref<80xi32, #tpu.memory_space<vmem>>, vector<16xi32>,
    %swap3A_85 = vector.shape_cast %swap3A_84 : vector<16xi32> to vector<16xi32>
    %swap3A_86 = vector.shape_cast %get3A_82 : vector<16xi32> to vector<16xi32>
    tpu.vector_store %arg11[%swap3A_83], %swap3A_86 {strides = array<i32>} : memref<80xi32, #tpu.memory_space<vmem>>, vector<16xi32>,
    %get3A_87 = arith.constant 16 : index
    %get3A_88 = tpu.vector_load %arg7[%get3A_87] {strides = array<i32>} : memref<10000xi32, #tpu.memory_space<vmem>>, vector<16xi32>,
    %get3A_89 = vector.shape_cast %get3A_88 : vector<16xi32> to vector<16xi32>
    %swap3A_90 = arith.constant 16 : index
    %swap3A_91 = tpu.vector_load %arg9[%swap3A_90] {strides = array<i32>} : memref<80xi32, #tpu.memory_space<vmem>>, vector<16xi32>,
    %swap3A_92 = vector.shape_cast %swap3A_91 : vector<16xi32> to vector<16xi32>
    %swap3A_93 = vector.shape_cast %get3A_89 : vector<16xi32> to vector<16xi32>
    tpu.vector_store %arg9[%swap3A_90], %swap3A_93 {strides = array<i32>} : memref<80xi32, #tpu.memory_space<vmem>>, vector<16xi32>,
    %get3A_94 = arith.constant 16 : index
    %get3A_95 = tpu.vector_load %arg8[%get3A_94] {strides = array<i32>} : memref<10000xi32, #tpu.memory_space<vmem>>, vector<16xi32>,
    %get3A_96 = vector.shape_cast %get3A_95 : vector<16xi32> to vector<16xi32>
    %swap3A_97 = arith.constant 16 : index
    %swap3A_98 = tpu.vector_load %arg11[%swap3A_97] {strides = array<i32>} : memref<80xi32, #tpu.memory_space<vmem>>, vector<16xi32>,
    %swap3A_99 = vector.shape_cast %swap3A_98 : vector<16xi32> to vector<16xi32>
    %swap3A_100 = vector.shape_cast %get3A_96 : vector<16xi32> to vector<16xi32>
    tpu.vector_store %arg11[%swap3A_97], %swap3A_100 {strides = array<i32>} : memref<80xi32, #tpu.memory_space<vmem>>, vector<16xi32>,
    %get3A_101 = arith.constant 32 : index
    %get3A_102 = tpu.vector_load %arg7[%get3A_101] {strides = array<i32>} : memref<10000xi32, #tpu.memory_space<vmem>>, vector<16xi32>,
    %get3A_103 = vector.shape_cast %get3A_102 : vector<16xi32> to vector<16xi32>
    %swap3A_104 = arith.constant 32 : index
    %swap3A_105 = tpu.vector_load %arg9[%swap3A_104] {strides = array<i32>} : memref<80xi32, #tpu.memory_space<vmem>>, vector<16xi32>,
    %swap3A_106 = vector.shape_cast %swap3A_105 : vector<16xi32> to vector<16xi32>
    %swap3A_107 = vector.shape_cast %get3A_103 : vector<16xi32> to vector<16xi32>
    tpu.vector_store %arg9[%swap3A_104], %swap3A_107 {strides = array<i32>} : memref<80xi32, #tpu.memory_space<vmem>>, vector<16xi32>,
    %get3A_108 = arith.constant 32 : index
    %get3A_109 = tpu.vector_load %arg8[%get3A_108] {strides = array<i32>} : memref<10000xi32, #tpu.memory_space<vmem>>, vector<16xi32>,
    %get3A_110 = vector.shape_cast %get3A_109 : vector<16xi32> to vector<16xi32>
    %swap3A_111 = arith.constant 32 : index
    %swap3A_112 = tpu.vector_load %arg11[%swap3A_111] {strides = array<i32>} : memref<80xi32, #tpu.memory_space<vmem>>, vector<16xi32>,
    %swap3A_113 = vector.shape_cast %swap3A_112 : vector<16xi32> to vector<16xi32>
    %swap3A_114 = vector.shape_cast %get3A_110 : vector<16xi32> to vector<16xi32>
    tpu.vector_store %arg11[%swap3A_111], %swap3A_114 {strides = array<i32>} : memref<80xi32, #tpu.memory_space<vmem>>, vector<16xi32>,
    %get3A_115 = arith.constant 48 : index
    %get3A_116 = tpu.vector_load %arg7[%get3A_115] {strides = array<i32>} : memref<10000xi32, #tpu.memory_space<vmem>>, vector<16xi32>,
    %get3A_117 = vector.shape_cast %get3A_116 : vector<16xi32> to vector<16xi32>
    %swap3A_118 = arith.constant 48 : index
    %swap3A_119 = tpu.vector_load %arg9[%swap3A_118] {strides = array<i32>} : memref<80xi32, #tpu.memory_space<vmem>>, vector<16xi32>,
    %swap3A_120 = vector.shape_cast %swap3A_119 : vector<16xi32> to vector<16xi32>
    %swap3A_121 = vector.shape_cast %get3A_117 : vector<16xi32> to vector<16xi32>
    tpu.vector_store %arg9[%swap3A_118], %swap3A_121 {strides = array<i32>} : memref<80xi32, #tpu.memory_space<vmem>>, vector<16xi32>,
    %get3A_122 = arith.constant 48 : index
    %get3A_123 = tpu.vector_load %arg8[%get3A_122] {strides = array<i32>} : memref<10000xi32, #tpu.memory_space<vmem>>, vector<16xi32>,
    %get3A_124 = vector.shape_cast %get3A_123 : vector<16xi32> to vector<16xi32>
    %swap3A_125 = arith.constant 48 : index
    %swap3A_126 = tpu.vector_load %arg11[%swap3A_125] {strides = array<i32>} : memref<80xi32, #tpu.memory_space<vmem>>, vector<16xi32>,
    %swap3A_127 = vector.shape_cast %swap3A_126 : vector<16xi32> to vector<16xi32>
    %swap3A_128 = vector.shape_cast %get3A_124 : vector<16xi32> to vector<16xi32>
    tpu.vector_store %arg11[%swap3A_125], %swap3A_128 {strides = array<i32>} : memref<80xi32, #tpu.memory_space<vmem>>, vector<16xi32>,
    %get3A_129 = arith.constant 64 : index
    %get3A_130 = tpu.vector_load %arg7[%get3A_129] {strides = array<i32>} : memref<10000xi32, #tpu.memory_space<vmem>>, vector<16xi32>,
    %get3A_131 = vector.shape_cast %get3A_130 : vector<16xi32> to vector<16xi32>
    %swap3A_132 = arith.constant 64 : index
    %swap3A_133 = tpu.vector_load %arg9[%swap3A_132] {strides = array<i32>} : memref<80xi32, #tpu.memory_space<vmem>>, vector<16xi32>,
    %swap3A_134 = vector.shape_cast %swap3A_133 : vector<16xi32> to vector<16xi32>
    %swap3A_135 = vector.shape_cast %get3A_131 : vector<16xi32> to vector<16xi32>
    tpu.vector_store %arg9[%swap3A_132], %swap3A_135 {strides = array<i32>} : memref<80xi32, #tpu.memory_space<vmem>>, vector<16xi32>,
    %get3A_136 = arith.constant 64 : index
    %get3A_137 = tpu.vector_load %arg8[%get3A_136] {strides = array<i32>} : memref<10000xi32, #tpu.memory_space<vmem>>, vector<16xi32>,
    %get3A_138 = vector.shape_cast %get3A_137 : vector<16xi32> to vector<16xi32>
    %swap3A_139 = arith.constant 64 : index
    %swap3A_140 = tpu.vector_load %arg11[%swap3A_139] {strides = array<i32>} : memref<80xi32, #tpu.memory_space<vmem>>, vector<16xi32>,
    %swap3A_141 = vector.shape_cast %swap3A_140 : vector<16xi32> to vector<16xi32>
    %swap3A_142 = vector.shape_cast %get3A_138 : vector<16xi32> to vector<16xi32>
    tpu.vector_store %arg11[%swap3A_139], %swap3A_142 {strides = array<i32>} : memref<80xi32, #tpu.memory_space<vmem>>, vector<16xi32>,
    %dma_start3A_143 = arith.constant 0 : i32
    %dma_start3A_144 = arith.constant 0 : i32
    %dma_start3A_145 = tpu.memref_slice %arg2[%dma_start3A_143, %dma_start3A_144] : memref<10000x128xf32, #tpu.memory_space<hbm>> -> memref<10000x128xf32, #tpu.memory_space<hbm>>
    tpu.enqueue_indirect_dma source(%dma_start3A_145 : memref<10000x128xf32, #tpu.memory_space<hbm>>) target(%arg13 : memref<80x128xf32, #tpu.memory_space<vmem>>) offsets(%arg9 : memref<80xi32, #tpu.memory_space<vmem>>) semaphore(%arg15 : memref<!tpu.dma_semaphore, #tpu.memory_space<semaphore_mem>>)
    %get3A_146 = arith.constant 80 : index
    %get3A_147 = tpu.vector_load %arg7[%get3A_146] {strides = array<i32>} : memref<10000xi32, #tpu.memory_space<vmem>>, vector<16xi32>,
    %get3A_148 = vector.shape_cast %get3A_147 : vector<16xi32> to vector<16xi32>
    %swap3A_149 = arith.constant 0 : index
    %swap3A_150 = tpu.vector_load %arg10[%swap3A_149] {strides = array<i32>} : memref<80xi32, #tpu.memory_space<vmem>>, vector<16xi32>,
    %swap3A_151 = vector.shape_cast %swap3A_150 : vector<16xi32> to vector<16xi32>
    %swap3A_152 = vector.shape_cast %get3A_148 : vector<16xi32> to vector<16xi32>
    tpu.vector_store %arg10[%swap3A_149], %swap3A_152 {strides = array<i32>} : memref<80xi32, #tpu.memory_space<vmem>>, vector<16xi32>,
    %get3A_153 = arith.constant 80 : index
    %get3A_154 = tpu.vector_load %arg8[%get3A_153] {strides = array<i32>} : memref<10000xi32, #tpu.memory_space<vmem>>, vector<16xi32>,
    %get3A_155 = vector.shape_cast %get3A_154 : vector<16xi32> to vector<16xi32>
    %swap3A_156 = arith.constant 0 : index
    %swap3A_157 = tpu.vector_load %arg12[%swap3A_156] {strides = array<i32>} : memref<80xi32, #tpu.memory_space<vmem>>, vector<16xi32>,
    %swap3A_158 = vector.shape_cast %swap3A_157 : vector<16xi32> to vector<16xi32>
    %swap3A_159 = vector.shape_cast %get3A_155 : vector<16xi32> to vector<16xi32>
    tpu.vector_store %arg12[%swap3A_156], %swap3A_159 {strides = array<i32>} : memref<80xi32, #tpu.memory_space<vmem>>, vector<16xi32>,
    %get3A_160 = arith.constant 96 : index
    %get3A_161 = tpu.vector_load %arg7[%get3A_160] {strides = array<i32>} : memref<10000xi32, #tpu.memory_space<vmem>>, vector<16xi32>,
    %get3A_162 = vector.shape_cast %get3A_161 : vector<16xi32> to vector<16xi32>
    %swap3A_163 = arith.constant 16 : index
    %swap3A_164 = tpu.vector_load %arg10[%swap3A_163] {strides = array<i32>} : memref<80xi32, #tpu.memory_space<vmem>>, vector<16xi32>,
    %swap3A_165 = vector.shape_cast %swap3A_164 : vector<16xi32> to vector<16xi32>
    %swap3A_166 = vector.shape_cast %get3A_162 : vector<16xi32> to vector<16xi32>
    tpu.vector_store %arg10[%swap3A_163], %swap3A_166 {strides = array<i32>} : memref<80xi32, #tpu.memory_space<vmem>>, vector<16xi32>,
    %get3A_167 = arith.constant 96 : index
    %get3A_168 = tpu.vector_load %arg8[%get3A_167] {strides = array<i32>} : memref<10000xi32, #tpu.memory_space<vmem>>, vector<16xi32>,
    %get3A_169 = vector.shape_cast %get3A_168 : vector<16xi32> to vector<16xi32>
    %swap3A_170 = arith.constant 16 : index
    %swap3A_171 = tpu.vector_load %arg12[%swap3A_170] {strides = array<i32>} : memref<80xi32, #tpu.memory_space<vmem>>, vector<16xi32>,
    %swap3A_172 = vector.shape_cast %swap3A_171 : vector<16xi32> to vector<16xi32>
    %swap3A_173 = vector.shape_cast %get3A_169 : vector<16xi32> to vector<16xi32>
    tpu.vector_store %arg12[%swap3A_170], %swap3A_173 {strides = array<i32>} : memref<80xi32, #tpu.memory_space<vmem>>, vector<16xi32>,
    %get3A_174 = arith.constant 112 : index
    %get3A_175 = tpu.vector_load %arg7[%get3A_174] {strides = array<i32>} : memref<10000xi32, #tpu.memory_space<vmem>>, vector<16xi32>,
    %get3A_176 = vector.shape_cast %get3A_175 : vector<16xi32> to vector<16xi32>
    %swap3A_177 = arith.constant 32 : index
    %swap3A_178 = tpu.vector_load %arg10[%swap3A_177] {strides = array<i32>} : memref<80xi32, #tpu.memory_space<vmem>>, vector<16xi32>,
    %swap3A_179 = vector.shape_cast %swap3A_178 : vector<16xi32> to vector<16xi32>
    %swap3A_180 = vector.shape_cast %get3A_176 : vector<16xi32> to vector<16xi32>
    tpu.vector_store %arg10[%swap3A_177], %swap3A_180 {strides = array<i32>} : memref<80xi32, #tpu.memory_space<vmem>>, vector<16xi32>,
    %get3A_181 = arith.constant 112 : index
    %get3A_182 = tpu.vector_load %arg8[%get3A_181] {strides = array<i32>} : memref<10000xi32, #tpu.memory_space<vmem>>, vector<16xi32>,
    %get3A_183 = vector.shape_cast %get3A_182 : vector<16xi32> to vector<16xi32>
    %swap3A_184 = arith.constant 32 : index
    %swap3A_185 = tpu.vector_load %arg12[%swap3A_184] {strides = array<i32>} : memref<80xi32, #tpu.memory_space<vmem>>, vector<16xi32>,
    %swap3A_186 = vector.shape_cast %swap3A_185 : vector<16xi32> to vector<16xi32>
    %swap3A_187 = vector.shape_cast %get3A_183 : vector<16xi32> to vector<16xi32>
    tpu.vector_store %arg12[%swap3A_184], %swap3A_187 {strides = array<i32>} : memref<80xi32, #tpu.memory_space<vmem>>, vector<16xi32>,
    %get3A_188 = arith.constant 128 : index
    %get3A_189 = tpu.vector_load %arg7[%get3A_188] {strides = array<i32>} : memref<10000xi32, #tpu.memory_space<vmem>>, vector<16xi32>,
    %get3A_190 = vector.shape_cast %get3A_189 : vector<16xi32> to vector<16xi32>
    %swap3A_191 = arith.constant 48 : index
    %swap3A_192 = tpu.vector_load %arg10[%swap3A_191] {strides = array<i32>} : memref<80xi32, #tpu.memory_space<vmem>>, vector<16xi32>,
    %swap3A_193 = vector.shape_cast %swap3A_192 : vector<16xi32> to vector<16xi32>
    %swap3A_194 = vector.shape_cast %get3A_190 : vector<16xi32> to vector<16xi32>
    tpu.vector_store %arg10[%swap3A_191], %swap3A_194 {strides = array<i32>} : memref<80xi32, #tpu.memory_space<vmem>>, vector<16xi32>,
    %get3A_195 = arith.constant 128 : index
    %get3A_196 = tpu.vector_load %arg8[%get3A_195] {strides = array<i32>} : memref<10000xi32, #tpu.memory_space<vmem>>, vector<16xi32>,
    %get3A_197 = vector.shape_cast %get3A_196 : vector<16xi32> to vector<16xi32>
    %swap3A_198 = arith.constant 48 : index
    %swap3A_199 = tpu.vector_load %arg12[%swap3A_198] {strides = array<i32>} : memref<80xi32, #tpu.memory_space<vmem>>, vector<16xi32>,
    %swap3A_200 = vector.shape_cast %swap3A_199 : vector<16xi32> to vector<16xi32>
    %swap3A_201 = vector.shape_cast %get3A_197 : vector<16xi32> to vector<16xi32>
    tpu.vector_store %arg12[%swap3A_198], %swap3A_201 {strides = array<i32>} : memref<80xi32, #tpu.memory_space<vmem>>, vector<16xi32>,
    %get3A_202 = arith.constant 144 : index
    %get3A_203 = tpu.vector_load %arg7[%get3A_202] {strides = array<i32>} : memref<10000xi32, #tpu.memory_space<vmem>>, vector<16xi32>,
    %get3A_204 = vector.shape_cast %get3A_203 : vector<16xi32> to vector<16xi32>
    %swap3A_205 = arith.constant 64 : index
    %swap3A_206 = tpu.vector_load %arg10[%swap3A_205] {strides = array<i32>} : memref<80xi32, #tpu.memory_space<vmem>>, vector<16xi32>,
    %swap3A_207 = vector.shape_cast %swap3A_206 : vector<16xi32> to vector<16xi32>
    %swap3A_208 = vector.shape_cast %get3A_204 : vector<16xi32> to vector<16xi32>
    tpu.vector_store %arg10[%swap3A_205], %swap3A_208 {strides = array<i32>} : memref<80xi32, #tpu.memory_space<vmem>>, vector<16xi32>,
    %get3A_209 = arith.constant 144 : index
    %get3A_210 = tpu.vector_load %arg8[%get3A_209] {strides = array<i32>} : memref<10000xi32, #tpu.memory_space<vmem>>, vector<16xi32>,
    %get3A_211 = vector.shape_cast %get3A_210 : vector<16xi32> to vector<16xi32>
    %swap3A_212 = arith.constant 64 : index
    %swap3A_213 = tpu.vector_load %arg12[%swap3A_212] {strides = array<i32>} : memref<80xi32, #tpu.memory_space<vmem>>, vector<16xi32>,
    %swap3A_214 = vector.shape_cast %swap3A_213 : vector<16xi32> to vector<16xi32>
    %swap3A_215 = vector.shape_cast %get3A_211 : vector<16xi32> to vector<16xi32>
    tpu.vector_store %arg12[%swap3A_212], %swap3A_215 {strides = array<i32>} : memref<80xi32, #tpu.memory_space<vmem>>, vector<16xi32>,
    %dma_start3A_216 = arith.constant 0 : i32
    %dma_start3A_217 = arith.constant 0 : i32
    %dma_start3A_218 = tpu.memref_slice %arg2[%dma_start3A_216, %dma_start3A_217] : memref<10000x128xf32, #tpu.memory_space<hbm>> -> memref<10000x128xf32, #tpu.memory_space<hbm>>
    tpu.enqueue_indirect_dma source(%dma_start3A_218 : memref<10000x128xf32, #tpu.memory_space<hbm>>) target(%arg14 : memref<80x128xf32, #tpu.memory_space<vmem>>) offsets(%arg10 : memref<80xi32, #tpu.memory_space<vmem>>) semaphore(%arg16 : memref<!tpu.dma_semaphore, #tpu.memory_space<semaphore_mem>>)
    %scan3A = arith.constant 0 : i32
    %scan3A_219 = arith.constant 0 : i32
    %scan3A_220 = arith.constant 63 : i32
    %scan3A_221 = arith.addi %scan3A_219, %scan3A_220 : i32
    %scan3A_222 = arith.constant 1 : i32
    scf.for %scan3A_238 = %scan3A_219 to %scan3A_221 step %scan3A_222  : i32 {
      %mul3A_239 = arith.constant 2 : i32
      %mul3A_240 = arith.muli %scan3A_238, %mul3A_239 : i32
      %add3A_241 = arith.constant 0 : i32
      %add3A_242 = arith.addi %mul3A_240, %add3A_241 : i32
      %lt3A = arith.constant 125 : i32
      %lt3A_243 = arith.cmpi slt, %add3A_242, %lt3A : i32
      %convert_element_type3A = arith.extui %lt3A_243 : i1 to i32
      %cond3A = arith.constant 0 : i32
      %cond3A_244 = arith.cmpi ne, %convert_element_type3A, %cond3A : i32
      scf.if %cond3A_244 {
        %dma_wait3A_276 = arith.constant 0 : i32
        %dma_wait3A_277 = arith.constant 0 : i32
        %dma_wait3A_278 = tpu.memref_slice %arg2[%dma_wait3A_276, %dma_wait3A_277] : memref<10000x128xf32, #tpu.memory_space<hbm>> -> memref<10000x128xf32, #tpu.memory_space<hbm>>
        tpu.wait_indirect_dma semaphore(%arg15 : memref<!tpu.dma_semaphore, #tpu.memory_space<semaphore_mem>>) src(%dma_wait3A_278 : memref<10000x128xf32, #tpu.memory_space<hbm>>) dst(%arg13 : memref<80x128xf32, #tpu.memory_space<vmem>>)
        %dma_start3A_279 = arith.constant 0 : i32
        %dma_start3A_280 = arith.constant 0 : i32
        %dma_start3A_281 = tpu.memref_slice %arg19[%dma_start3A_279, %dma_start3A_280] : memref<10240x128xf32, #tpu.memory_space<vmem_shared>> -> memref<10240x128xf32, #tpu.memory_space<vmem_shared>>
        tpu.enqueue_indirect_dma source(%arg13 : memref<80x128xf32, #tpu.memory_space<vmem>>) target(%dma_start3A_281 : memref<10240x128xf32, #tpu.memory_space<vmem_shared>>) offsets(%arg11 : memref<80xi32, #tpu.memory_space<vmem>>) semaphore(%arg17 : memref<!tpu.dma_semaphore, #tpu.memory_space<semaphore_mem>>) {add = true}
      } else {
      }
      %mul3A_245 = arith.constant 2 : i32
      %mul3A_246 = arith.muli %scan3A_238, %mul3A_245 : i32
      %add3A_247 = arith.constant 1 : i32
      %add3A_248 = arith.addi %mul3A_246, %add3A_247 : i32
      %lt3A_249 = arith.constant 125 : i32
      %lt3A_250 = arith.cmpi slt, %add3A_248, %lt3A_249 : i32
      %convert_element_type3A_251 = arith.extui %lt3A_250 : i1 to i32
      %cond3A_252 = arith.constant 0 : i32
      %cond3A_253 = arith.cmpi ne, %convert_element_type3A_251, %cond3A_252 : i32
      scf.if %cond3A_253 {
        %dma_wait3A_276 = arith.constant 0 : i32
        %dma_wait3A_277 = arith.constant 0 : i32
        %dma_wait3A_278 = tpu.memref_slice %arg2[%dma_wait3A_276, %dma_wait3A_277] : memref<10000x128xf32, #tpu.memory_space<hbm>> -> memref<10000x128xf32, #tpu.memory_space<hbm>>
        tpu.wait_indirect_dma semaphore(%arg16 : memref<!tpu.dma_semaphore, #tpu.memory_space<semaphore_mem>>) src(%dma_wait3A_278 : memref<10000x128xf32, #tpu.memory_space<hbm>>) dst(%arg14 : memref<80x128xf32, #tpu.memory_space<vmem>>)
        %dma_start3A_279 = arith.constant 0 : i32
        %dma_start3A_280 = arith.constant 0 : i32
        %dma_start3A_281 = tpu.memref_slice %arg19[%dma_start3A_279, %dma_start3A_280] : memref<10240x128xf32, #tpu.memory_space<vmem_shared>> -> memref<10240x128xf32, #tpu.memory_space<vmem_shared>>
        tpu.enqueue_indirect_dma source(%arg14 : memref<80x128xf32, #tpu.memory_space<vmem>>) target(%dma_start3A_281 : memref<10240x128xf32, #tpu.memory_space<vmem_shared>>) offsets(%arg12 : memref<80xi32, #tpu.memory_space<vmem>>) semaphore(%arg18 : memref<!tpu.dma_semaphore, #tpu.memory_space<semaphore_mem>>) {add = true}
      } else {
      }
      %mul3A_254 = arith.constant 2 : i32
      %mul3A_255 = arith.muli %scan3A_238, %mul3A_254 : i32
      %add3A_256 = arith.constant 0 : i32
      %add3A_257 = arith.addi %mul3A_255, %add3A_256 : i32
      %add3A_258 = arith.constant 2 : i32
      %add3A_259 = arith.addi %add3A_257, %add3A_258 : i32
      %lt3A_260 = arith.constant 125 : i32
      %lt3A_261 = arith.cmpi slt, %add3A_259, %lt3A_260 : i32
      %convert_element_type3A_262 = arith.extui %lt3A_261 : i1 to i32
      %cond3A_263 = arith.constant 0 : i32
      %cond3A_264 = arith.cmpi ne, %convert_element_type3A_262, %cond3A_263 : i32
      scf.if %cond3A_264 {
        %dma_wait3A_276 = arith.constant 0 : i32
        %dma_wait3A_277 = arith.constant 0 : i32
        %dma_wait3A_278 = tpu.memref_slice %arg19[%dma_wait3A_276, %dma_wait3A_277] : memref<10240x128xf32, #tpu.memory_space<vmem_shared>> -> memref<10240x128xf32, #tpu.memory_space<vmem_shared>>
        tpu.wait_indirect_dma semaphore(%arg17 : memref<!tpu.dma_semaphore, #tpu.memory_space<semaphore_mem>>) src(%arg13 : memref<80x128xf32, #tpu.memory_space<vmem>>) dst(%dma_wait3A_278 : memref<10240x128xf32, #tpu.memory_space<vmem_shared>>)
        %mul3A_279 = arith.constant 80 : i32
        %mul3A_280 = arith.muli %add3A_259, %mul3A_279 : i32
        %add3A_281 = arith.constant 0 : i32
        %add3A_282 = arith.addi %mul3A_280, %add3A_281 : i32
        %get3A_283 = arith.index_cast %add3A_282 : i32 to index
        %get3A_284 = tpu.vector_load %arg7[%get3A_283] {strides = array<i32>} : memref<10000xi32, #tpu.memory_space<vmem>>, vector<16xi32>,
        %swap3A_285 = arith.constant 0 : index
        %swap3A_286 = tpu.vector_load %arg9[%swap3A_285] {strides = array<i32>} : memref<80xi32, #tpu.memory_space<vmem>>, vector<16xi32>,
        %swap3A_287 = vector.shape_cast %swap3A_286 : vector<16xi32> to vector<16xi32>
        %swap3A_288 = vector.shape_cast %get3A_284 : vector<16xi32> to vector<16xi32>
        tpu.vector_store %arg9[%swap3A_285], %swap3A_288 {strides = array<i32>} : memref<80xi32, #tpu.memory_space<vmem>>, vector<16xi32>,
        %get3A_289 = arith.index_cast %add3A_282 : i32 to index
        %get3A_290 = tpu.vector_load %arg8[%get3A_289] {strides = array<i32>} : memref<10000xi32, #tpu.memory_space<vmem>>, vector<16xi32>,
        %swap3A_291 = arith.constant 0 : index
        %swap3A_292 = tpu.vector_load %arg11[%swap3A_291] {strides = array<i32>} : memref<80xi32, #tpu.memory_space<vmem>>, vector<16xi32>,
        %swap3A_293 = vector.shape_cast %swap3A_292 : vector<16xi32> to vector<16xi32>
        %swap3A_294 = vector.shape_cast %get3A_290 : vector<16xi32> to vector<16xi32>
        tpu.vector_store %arg11[%swap3A_291], %swap3A_294 {strides = array<i32>} : memref<80xi32, #tpu.memory_space<vmem>>, vector<16xi32>,
        %mul3A_295 = arith.constant 80 : i32
        %mul3A_296 = arith.muli %add3A_259, %mul3A_295 : i32
        %add3A_297 = arith.constant 16 : i32
        %add3A_298 = arith.addi %mul3A_296, %add3A_297 : i32
        %get3A_299 = arith.index_cast %add3A_298 : i32 to index
        %get3A_300 = tpu.vector_load %arg7[%get3A_299] {strides = array<i32>} : memref<10000xi32, #tpu.memory_space<vmem>>, vector<16xi32>,
        %swap3A_301 = arith.constant 16 : index
        %swap3A_302 = tpu.vector_load %arg9[%swap3A_301] {strides = array<i32>} : memref<80xi32, #tpu.memory_space<vmem>>, vector<16xi32>,
        %swap3A_303 = vector.shape_cast %swap3A_302 : vector<16xi32> to vector<16xi32>
        %swap3A_304 = vector.shape_cast %get3A_300 : vector<16xi32> to vector<16xi32>
        tpu.vector_store %arg9[%swap3A_301], %swap3A_304 {strides = array<i32>} : memref<80xi32, #tpu.memory_space<vmem>>, vector<16xi32>,
        %get3A_305 = arith.index_cast %add3A_298 : i32 to index
        %get3A_306 = tpu.vector_load %arg8[%get3A_305] {strides = array<i32>} : memref<10000xi32, #tpu.memory_space<vmem>>, vector<16xi32>,
        %swap3A_307 = arith.constant 16 : index
        %swap3A_308 = tpu.vector_load %arg11[%swap3A_307] {strides = array<i32>} : memref<80xi32, #tpu.memory_space<vmem>>, vector<16xi32>,
        %swap3A_309 = vector.shape_cast %swap3A_308 : vector<16xi32> to vector<16xi32>
        %swap3A_310 = vector.shape_cast %get3A_306 : vector<16xi32> to vector<16xi32>
        tpu.vector_store %arg11[%swap3A_307], %swap3A_310 {strides = array<i32>} : memref<80xi32, #tpu.memory_space<vmem>>, vector<16xi32>,
        %mul3A_311 = arith.constant 80 : i32
        %mul3A_312 = arith.muli %add3A_259, %mul3A_311 : i32
        %add3A_313 = arith.constant 32 : i32
        %add3A_314 = arith.addi %mul3A_312, %add3A_313 : i32
        %get3A_315 = arith.index_cast %add3A_314 : i32 to index
        %get3A_316 = tpu.vector_load %arg7[%get3A_315] {strides = array<i32>} : memref<10000xi32, #tpu.memory_space<vmem>>, vector<16xi32>,
        %swap3A_317 = arith.constant 32 : index
        %swap3A_318 = tpu.vector_load %arg9[%swap3A_317] {strides = array<i32>} : memref<80xi32, #tpu.memory_space<vmem>>, vector<16xi32>,
        %swap3A_319 = vector.shape_cast %swap3A_318 : vector<16xi32> to vector<16xi32>
        %swap3A_320 = vector.shape_cast %get3A_316 : vector<16xi32> to vector<16xi32>
        tpu.vector_store %arg9[%swap3A_317], %swap3A_320 {strides = array<i32>} : memref<80xi32, #tpu.memory_space<vmem>>, vector<16xi32>,
        %get3A_321 = arith.index_cast %add3A_314 : i32 to index
        %get3A_322 = tpu.vector_load %arg8[%get3A_321] {strides = array<i32>} : memref<10000xi32, #tpu.memory_space<vmem>>, vector<16xi32>,
        %swap3A_323 = arith.constant 32 : index
        %swap3A_324 = tpu.vector_load %arg11[%swap3A_323] {strides = array<i32>} : memref<80xi32, #tpu.memory_space<vmem>>, vector<16xi32>,
        %swap3A_325 = vector.shape_cast %swap3A_324 : vector<16xi32> to vector<16xi32>
        %swap3A_326 = vector.shape_cast %get3A_322 : vector<16xi32> to vector<16xi32>
        tpu.vector_store %arg11[%swap3A_323], %swap3A_326 {strides = array<i32>} : memref<80xi32, #tpu.memory_space<vmem>>, vector<16xi32>,
        %mul3A_327 = arith.constant 80 : i32
        %mul3A_328 = arith.muli %add3A_259, %mul3A_327 : i32
        %add3A_329 = arith.constant 48 : i32
        %add3A_330 = arith.addi %mul3A_328, %add3A_329 : i32
        %get3A_331 = arith.index_cast %add3A_330 : i32 to index
        %get3A_332 = tpu.vector_load %arg7[%get3A_331] {strides = array<i32>} : memref<10000xi32, #tpu.memory_space<vmem>>, vector<16xi32>,
        %swap3A_333 = arith.constant 48 : index
        %swap3A_334 = tpu.vector_load %arg9[%swap3A_333] {strides = array<i32>} : memref<80xi32, #tpu.memory_space<vmem>>, vector<16xi32>,
        %swap3A_335 = vector.shape_cast %swap3A_334 : vector<16xi32> to vector<16xi32>
        %swap3A_336 = vector.shape_cast %get3A_332 : vector<16xi32> to vector<16xi32>
        tpu.vector_store %arg9[%swap3A_333], %swap3A_336 {strides = array<i32>} : memref<80xi32, #tpu.memory_space<vmem>>, vector<16xi32>,
        %get3A_337 = arith.index_cast %add3A_330 : i32 to index
        %get3A_338 = tpu.vector_load %arg8[%get3A_337] {strides = array<i32>} : memref<10000xi32, #tpu.memory_space<vmem>>, vector<16xi32>,
        %swap3A_339 = arith.constant 48 : index
        %swap3A_340 = tpu.vector_load %arg11[%swap3A_339] {strides = array<i32>} : memref<80xi32, #tpu.memory_space<vmem>>, vector<16xi32>,
        %swap3A_341 = vector.shape_cast %swap3A_340 : vector<16xi32> to vector<16xi32>
        %swap3A_342 = vector.shape_cast %get3A_338 : vector<16xi32> to vector<16xi32>
        tpu.vector_store %arg11[%swap3A_339], %swap3A_342 {strides = array<i32>} : memref<80xi32, #tpu.memory_space<vmem>>, vector<16xi32>,
        %mul3A_343 = arith.constant 80 : i32
        %mul3A_344 = arith.muli %add3A_259, %mul3A_343 : i32
        %add3A_345 = arith.constant 64 : i32
        %add3A_346 = arith.addi %mul3A_344, %add3A_345 : i32
        %get3A_347 = arith.index_cast %add3A_346 : i32 to index
        %get3A_348 = tpu.vector_load %arg7[%get3A_347] {strides = array<i32>} : memref<10000xi32, #tpu.memory_space<vmem>>, vector<16xi32>,
        %swap3A_349 = arith.constant 64 : index
        %swap3A_350 = tpu.vector_load %arg9[%swap3A_349] {strides = array<i32>} : memref<80xi32, #tpu.memory_space<vmem>>, vector<16xi32>,
        %swap3A_351 = vector.shape_cast %swap3A_350 : vector<16xi32> to vector<16xi32>
        %swap3A_352 = vector.shape_cast %get3A_348 : vector<16xi32> to vector<16xi32>
        tpu.vector_store %arg9[%swap3A_349], %swap3A_352 {strides = array<i32>} : memref<80xi32, #tpu.memory_space<vmem>>, vector<16xi32>,
        %get3A_353 = arith.index_cast %add3A_346 : i32 to index
        %get3A_354 = tpu.vector_load %arg8[%get3A_353] {strides = array<i32>} : memref<10000xi32, #tpu.memory_space<vmem>>, vector<16xi32>,
        %swap3A_355 = arith.constant 64 : index
        %swap3A_356 = tpu.vector_load %arg11[%swap3A_355] {strides = array<i32>} : memref<80xi32, #tpu.memory_space<vmem>>, vector<16xi32>,
        %swap3A_357 = vector.shape_cast %swap3A_356 : vector<16xi32> to vector<16xi32>
        %swap3A_358 = vector.shape_cast %get3A_354 : vector<16xi32> to vector<16xi32>
        tpu.vector_store %arg11[%swap3A_355], %swap3A_358 {strides = array<i32>} : memref<80xi32, #tpu.memory_space<vmem>>, vector<16xi32>,
        %dma_start3A_359 = arith.constant 0 : i32
        %dma_start3A_360 = arith.constant 0 : i32
        %dma_start3A_361 = tpu.memref_slice %arg2[%dma_start3A_359, %dma_start3A_360] : memref<10000x128xf32, #tpu.memory_space<hbm>> -> memref<10000x128xf32, #tpu.memory_space<hbm>>
        tpu.enqueue_indirect_dma source(%dma_start3A_361 : memref<10000x128xf32, #tpu.memory_space<hbm>>) target(%arg13 : memref<80x128xf32, #tpu.memory_space<vmem>>) offsets(%arg9 : memref<80xi32, #tpu.memory_space<vmem>>) semaphore(%arg15 : memref<!tpu.dma_semaphore, #tpu.memory_space<semaphore_mem>>)
      } else {
      }
      %mul3A_265 = arith.constant 2 : i32
      %mul3A_266 = arith.muli %scan3A_238, %mul3A_265 : i32
      %add3A_267 = arith.constant 1 : i32
      %add3A_268 = arith.addi %mul3A_266, %add3A_267 : i32
      %add3A_269 = arith.constant 2 : i32
      %add3A_270 = arith.addi %add3A_268, %add3A_269 : i32
      %lt3A_271 = arith.constant 125 : i32
      %lt3A_272 = arith.cmpi slt, %add3A_270, %lt3A_271 : i32
      %convert_element_type3A_273 = arith.extui %lt3A_272 : i1 to i32
      %cond3A_274 = arith.constant 0 : i32
      %cond3A_275 = arith.cmpi ne, %convert_element_type3A_273, %cond3A_274 : i32
      scf.if %cond3A_275 {
        %dma_wait3A_276 = arith.constant 0 : i32
        %dma_wait3A_277 = arith.constant 0 : i32
        %dma_wait3A_278 = tpu.memref_slice %arg19[%dma_wait3A_276, %dma_wait3A_277] : memref<10240x128xf32, #tpu.memory_space<vmem_shared>> -> memref<10240x128xf32, #tpu.memory_space<vmem_shared>>
        tpu.wait_indirect_dma semaphore(%arg18 : memref<!tpu.dma_semaphore, #tpu.memory_space<semaphore_mem>>) src(%arg14 : memref<80x128xf32, #tpu.memory_space<vmem>>) dst(%dma_wait3A_278 : memref<10240x128xf32, #tpu.memory_space<vmem_shared>>)
        %mul3A_279 = arith.constant 80 : i32
        %mul3A_280 = arith.muli %add3A_270, %mul3A_279 : i32
        %add3A_281 = arith.constant 0 : i32
        %add3A_282 = arith.addi %mul3A_280, %add3A_281 : i32
        %get3A_283 = arith.index_cast %add3A_282 : i32 to index
        %get3A_284 = tpu.vector_load %arg7[%get3A_283] {strides = array<i32>} : memref<10000xi32, #tpu.memory_space<vmem>>, vector<16xi32>,
        %swap3A_285 = arith.constant 0 : index
        %swap3A_286 = tpu.vector_load %arg10[%swap3A_285] {strides = array<i32>} : memref<80xi32, #tpu.memory_space<vmem>>, vector<16xi32>,
        %swap3A_287 = vector.shape_cast %swap3A_286 : vector<16xi32> to vector<16xi32>
        %swap3A_288 = vector.shape_cast %get3A_284 : vector<16xi32> to vector<16xi32>
        tpu.vector_store %arg10[%swap3A_285], %swap3A_288 {strides = array<i32>} : memref<80xi32, #tpu.memory_space<vmem>>, vector<16xi32>,
        %get3A_289 = arith.index_cast %add3A_282 : i32 to index
        %get3A_290 = tpu.vector_load %arg8[%get3A_289] {strides = array<i32>} : memref<10000xi32, #tpu.memory_space<vmem>>, vector<16xi32>,
        %swap3A_291 = arith.constant 0 : index
        %swap3A_292 = tpu.vector_load %arg12[%swap3A_291] {strides = array<i32>} : memref<80xi32, #tpu.memory_space<vmem>>, vector<16xi32>,
        %swap3A_293 = vector.shape_cast %swap3A_292 : vector<16xi32> to vector<16xi32>
        %swap3A_294 = vector.shape_cast %get3A_290 : vector<16xi32> to vector<16xi32>
        tpu.vector_store %arg12[%swap3A_291], %swap3A_294 {strides = array<i32>} : memref<80xi32, #tpu.memory_space<vmem>>, vector<16xi32>,
        %mul3A_295 = arith.constant 80 : i32
        %mul3A_296 = arith.muli %add3A_270, %mul3A_295 : i32
        %add3A_297 = arith.constant 16 : i32
        %add3A_298 = arith.addi %mul3A_296, %add3A_297 : i32
        %get3A_299 = arith.index_cast %add3A_298 : i32 to index
        %get3A_300 = tpu.vector_load %arg7[%get3A_299] {strides = array<i32>} : memref<10000xi32, #tpu.memory_space<vmem>>, vector<16xi32>,
        %swap3A_301 = arith.constant 16 : index
        %swap3A_302 = tpu.vector_load %arg10[%swap3A_301] {strides = array<i32>} : memref<80xi32, #tpu.memory_space<vmem>>, vector<16xi32>,
        %swap3A_303 = vector.shape_cast %swap3A_302 : vector<16xi32> to vector<16xi32>
        %swap3A_304 = vector.shape_cast %get3A_300 : vector<16xi32> to vector<16xi32>
        tpu.vector_store %arg10[%swap3A_301], %swap3A_304 {strides = array<i32>} : memref<80xi32, #tpu.memory_space<vmem>>, vector<16xi32>,
        %get3A_305 = arith.index_cast %add3A_298 : i32 to index
        %get3A_306 = tpu.vector_load %arg8[%get3A_305] {strides = array<i32>} : memref<10000xi32, #tpu.memory_space<vmem>>, vector<16xi32>,
        %swap3A_307 = arith.constant 16 : index
        %swap3A_308 = tpu.vector_load %arg12[%swap3A_307] {strides = array<i32>} : memref<80xi32, #tpu.memory_space<vmem>>, vector<16xi32>,
        %swap3A_309 = vector.shape_cast %swap3A_308 : vector<16xi32> to vector<16xi32>
        %swap3A_310 = vector.shape_cast %get3A_306 : vector<16xi32> to vector<16xi32>
        tpu.vector_store %arg12[%swap3A_307], %swap3A_310 {strides = array<i32>} : memref<80xi32, #tpu.memory_space<vmem>>, vector<16xi32>,
        %mul3A_311 = arith.constant 80 : i32
        %mul3A_312 = arith.muli %add3A_270, %mul3A_311 : i32
        %add3A_313 = arith.constant 32 : i32
        %add3A_314 = arith.addi %mul3A_312, %add3A_313 : i32
        %get3A_315 = arith.index_cast %add3A_314 : i32 to index
        %get3A_316 = tpu.vector_load %arg7[%get3A_315] {strides = array<i32>} : memref<10000xi32, #tpu.memory_space<vmem>>, vector<16xi32>,
        %swap3A_317 = arith.constant 32 : index
        %swap3A_318 = tpu.vector_load %arg10[%swap3A_317] {strides = array<i32>} : memref<80xi32, #tpu.memory_space<vmem>>, vector<16xi32>,
        %swap3A_319 = vector.shape_cast %swap3A_318 : vector<16xi32> to vector<16xi32>
        %swap3A_320 = vector.shape_cast %get3A_316 : vector<16xi32> to vector<16xi32>
        tpu.vector_store %arg10[%swap3A_317], %swap3A_320 {strides = array<i32>} : memref<80xi32, #tpu.memory_space<vmem>>, vector<16xi32>,
        %get3A_321 = arith.index_cast %add3A_314 : i32 to index
        %get3A_322 = tpu.vector_load %arg8[%get3A_321] {strides = array<i32>} : memref<10000xi32, #tpu.memory_space<vmem>>, vector<16xi32>,
        %swap3A_323 = arith.constant 32 : index
        %swap3A_324 = tpu.vector_load %arg12[%swap3A_323] {strides = array<i32>} : memref<80xi32, #tpu.memory_space<vmem>>, vector<16xi32>,
        %swap3A_325 = vector.shape_cast %swap3A_324 : vector<16xi32> to vector<16xi32>
        %swap3A_326 = vector.shape_cast %get3A_322 : vector<16xi32> to vector<16xi32>
        tpu.vector_store %arg12[%swap3A_323], %swap3A_326 {strides = array<i32>} : memref<80xi32, #tpu.memory_space<vmem>>, vector<16xi32>,
        %mul3A_327 = arith.constant 80 : i32
        %mul3A_328 = arith.muli %add3A_270, %mul3A_327 : i32
        %add3A_329 = arith.constant 48 : i32
        %add3A_330 = arith.addi %mul3A_328, %add3A_329 : i32
        %get3A_331 = arith.index_cast %add3A_330 : i32 to index
        %get3A_332 = tpu.vector_load %arg7[%get3A_331] {strides = array<i32>} : memref<10000xi32, #tpu.memory_space<vmem>>, vector<16xi32>,
        %swap3A_333 = arith.constant 48 : index
        %swap3A_334 = tpu.vector_load %arg10[%swap3A_333] {strides = array<i32>} : memref<80xi32, #tpu.memory_space<vmem>>, vector<16xi32>,
        %swap3A_335 = vector.shape_cast %swap3A_334 : vector<16xi32> to vector<16xi32>
        %swap3A_336 = vector.shape_cast %get3A_332 : vector<16xi32> to vector<16xi32>
        tpu.vector_store %arg10[%swap3A_333], %swap3A_336 {strides = array<i32>} : memref<80xi32, #tpu.memory_space<vmem>>, vector<16xi32>,
        %get3A_337 = arith.index_cast %add3A_330 : i32 to index
        %get3A_338 = tpu.vector_load %arg8[%get3A_337] {strides = array<i32>} : memref<10000xi32, #tpu.memory_space<vmem>>, vector<16xi32>,
        %swap3A_339 = arith.constant 48 : index
        %swap3A_340 = tpu.vector_load %arg12[%swap3A_339] {strides = array<i32>} : memref<80xi32, #tpu.memory_space<vmem>>, vector<16xi32>,
        %swap3A_341 = vector.shape_cast %swap3A_340 : vector<16xi32> to vector<16xi32>
        %swap3A_342 = vector.shape_cast %get3A_338 : vector<16xi32> to vector<16xi32>
        tpu.vector_store %arg12[%swap3A_339], %swap3A_342 {strides = array<i32>} : memref<80xi32, #tpu.memory_space<vmem>>, vector<16xi32>,
        %mul3A_343 = arith.constant 80 : i32
        %mul3A_344 = arith.muli %add3A_270, %mul3A_343 : i32
        %add3A_345 = arith.constant 64 : i32
        %add3A_346 = arith.addi %mul3A_344, %add3A_345 : i32
        %get3A_347 = arith.index_cast %add3A_346 : i32 to index
        %get3A_348 = tpu.vector_load %arg7[%get3A_347] {strides = array<i32>} : memref<10000xi32, #tpu.memory_space<vmem>>, vector<16xi32>,
        %swap3A_349 = arith.constant 64 : index
        %swap3A_350 = tpu.vector_load %arg10[%swap3A_349] {strides = array<i32>} : memref<80xi32, #tpu.memory_space<vmem>>, vector<16xi32>,
        %swap3A_351 = vector.shape_cast %swap3A_350 : vector<16xi32> to vector<16xi32>
        %swap3A_352 = vector.shape_cast %get3A_348 : vector<16xi32> to vector<16xi32>
        tpu.vector_store %arg10[%swap3A_349], %swap3A_352 {strides = array<i32>} : memref<80xi32, #tpu.memory_space<vmem>>, vector<16xi32>,
        %get3A_353 = arith.index_cast %add3A_346 : i32 to index
        %get3A_354 = tpu.vector_load %arg8[%get3A_353] {strides = array<i32>} : memref<10000xi32, #tpu.memory_space<vmem>>, vector<16xi32>,
        %swap3A_355 = arith.constant 64 : index
        %swap3A_356 = tpu.vector_load %arg12[%swap3A_355] {strides = array<i32>} : memref<80xi32, #tpu.memory_space<vmem>>, vector<16xi32>,
        %swap3A_357 = vector.shape_cast %swap3A_356 : vector<16xi32> to vector<16xi32>
        %swap3A_358 = vector.shape_cast %get3A_354 : vector<16xi32> to vector<16xi32>
        tpu.vector_store %arg12[%swap3A_355], %swap3A_358 {strides = array<i32>} : memref<80xi32, #tpu.memory_space<vmem>>, vector<16xi32>,
        %dma_start3A_359 = arith.constant 0 : i32
        %dma_start3A_360 = arith.constant 0 : i32
        %dma_start3A_361 = tpu.memref_slice %arg2[%dma_start3A_359, %dma_start3A_360] : memref<10000x128xf32, #tpu.memory_space<hbm>> -> memref<10000x128xf32, #tpu.memory_space<hbm>>
        tpu.enqueue_indirect_dma source(%dma_start3A_361 : memref<10000x128xf32, #tpu.memory_space<hbm>>) target(%arg14 : memref<80x128xf32, #tpu.memory_space<vmem>>) offsets(%arg10 : memref<80xi32, #tpu.memory_space<vmem>>) semaphore(%arg16 : memref<!tpu.dma_semaphore, #tpu.memory_space<semaphore_mem>>)
      } else {
      }
    }
    %scan3A_223 = arith.constant 63 : i32
    %dma_wait3A_224 = arith.constant 0 : i32
    %dma_wait3A_225 = arith.constant 0 : i32
    %dma_wait3A_226 = tpu.memref_slice %arg19[%dma_wait3A_224, %dma_wait3A_225] : memref<10240x128xf32, #tpu.memory_space<vmem_shared>> -> memref<10240x128xf32, #tpu.memory_space<vmem_shared>>
    tpu.wait_indirect_dma semaphore(%arg17 : memref<!tpu.dma_semaphore, #tpu.memory_space<semaphore_mem>>) src(%arg13 : memref<80x128xf32, #tpu.memory_space<vmem>>) dst(%dma_wait3A_226 : memref<10240x128xf32, #tpu.memory_space<vmem_shared>>)
    %dma_wait3A_227 = arith.constant 0 : i32
    %dma_wait3A_228 = arith.constant 0 : i32
    %dma_wait3A_229 = tpu.memref_slice %arg19[%dma_wait3A_227, %dma_wait3A_228] : memref<10240x128xf32, #tpu.memory_space<vmem_shared>> -> memref<10240x128xf32, #tpu.memory_space<vmem_shared>>
    tpu.wait_indirect_dma semaphore(%arg18 : memref<!tpu.dma_semaphore, #tpu.memory_space<semaphore_mem>>) src(%arg14 : memref<80x128xf32, #tpu.memory_space<vmem>>) dst(%dma_wait3A_229 : memref<10240x128xf32, #tpu.memory_space<vmem_shared>>)
    %barrier3A_230 = arith.constant 0 : index
    tpu.barrier barrier_id(%barrier3A_230)
    %mul3A_231 = arith.constant 640 : i32
    %mul3A_232 = arith.muli %arg1, %mul3A_231 : i32
    %mul3A_233 = arith.constant 10240 : i32
    %mul3A_234 = arith.muli %arg0, %mul3A_233 : i32
    %mul3A_235 = arith.constant 640 : i32
    %mul3A_236 = arith.muli %arg1, %mul3A_235 : i32
    %add3A_237 = arith.addi %mul3A_234, %mul3A_236 : i32
    "tpu.region"() ({
      %run_scoped3A = tpu.sem_alloc : memref<!tpu.dma_semaphore, #tpu.memory_space<semaphore_mem>>
      %dma_start3A_238 = arith.constant 0 : i32
      %dma_start3A_239 = tpu.memref_slice %arg6[%add3A_237, %dma_start3A_238] : memref<20480x128xf32, #tpu.memory_space<hbm>> -> memref<640x128xf32, #tpu.memory_space<hbm>>
      %dma_start3A_240 = arith.constant 0 : i32
      %dma_start3A_241 = tpu.memref_slice %arg19[%mul3A_232, %dma_start3A_240] : memref<10240x128xf32, #tpu.memory_space<vmem_shared>> -> memref<640x128xf32, #tpu.memory_space<vmem_shared>>
      tpu.enqueue_dma source(%dma_start3A_241 : memref<640x128xf32, #tpu.memory_space<vmem_shared>>) target(%dma_start3A_239 : memref<640x128xf32, #tpu.memory_space<hbm>>) target_semaphore(%run_scoped3A : memref<!tpu.dma_semaphore, #tpu.memory_space<semaphore_mem>>)
      %dma_wait3A_242 = arith.constant 0 : i32
      %dma_wait3A_243 = tpu.memref_slice %arg6[%add3A_237, %dma_wait3A_242] : memref<20480x128xf32, #tpu.memory_space<hbm>> -> memref<640x128xf32, #tpu.memory_space<hbm>>
      %dma_wait3A_244 = arith.constant 0 : i32
      %dma_wait3A_245 = tpu.memref_slice %arg19[%mul3A_232, %dma_wait3A_244] : memref<10240x128xf32, #tpu.memory_space<vmem_shared>> -> memref<640x128xf32, #tpu.memory_space<vmem_shared>>
      tpu.wait_dma2 semaphore(%run_scoped3A : memref<!tpu.dma_semaphore, #tpu.memory_space<semaphore_mem>>) src(%dma_wait3A_245 : memref<640x128xf32, #tpu.memory_space<vmem_shared>>) dst(%dma_wait3A_243 : memref<640x128xf32, #tpu.memory_space<hbm>>)
      tpu.yield
    }) : () -> ()
    return
  }
}

#map = affine_map<(d0, d1) -> (0, 0)>
#map1 = affine_map<(d0, d1) -> (0)>
module attributes {stable_mosaic.version = 14 : i64} {
  func.func @_agg_body(%arg0: i32, %arg1: i32, %arg2: memref<10000x128xf32, #tpu.memory_space<hbm>>, %arg3: memref<320000xi32, #tpu.memory_space<hbm>>, %arg4: memref<320000xi32, #tpu.memory_space<hbm>>, %arg5: memref<128x128xf32, #tpu.memory_space<hbm>>, %arg6: memref<20480x128xf32, #tpu.memory_space<hbm>>, %arg7: memref<10000xi32, #tpu.memory_space<vmem>>, %arg8: memref<10000xi32, #tpu.memory_space<vmem>>, %arg9: memref<80xi32, #tpu.memory_space<vmem>>, %arg10: memref<80xi32, #tpu.memory_space<vmem>>, %arg11: memref<80xi32, #tpu.memory_space<vmem>>, %arg12: memref<80xi32, #tpu.memory_space<vmem>>, %arg13: memref<80x128xf32, #tpu.memory_space<vmem>>, %arg14: memref<80x128xf32, #tpu.memory_space<vmem>>, %arg15: memref<!tpu.dma_semaphore, #tpu.memory_space<semaphore_mem>>, %arg16: memref<!tpu.dma_semaphore, #tpu.memory_space<semaphore_mem>>, %arg17: memref<!tpu.dma_semaphore, #tpu.memory_space<semaphore_mem>>, %arg18: memref<!tpu.dma_semaphore, #tpu.memory_space<semaphore_mem>>, %arg19: memref<10240x128xf32, #tpu.memory_space<vmem_shared>>) attributes {dimension_semantics = [#tpu.dimension_semantics<core_parallel>, #tpu.dimension_semantics<subcore_parallel>], iteration_bounds = array<i64: 2, 16>, scalar_prefetch = 0 : i64, scratch_operands = 13 : i64, tpu.core_type = #tpu.core_type<sc_vector_subcore>, window_params = [{transform_indices = #map}, {transform_indices = #map1}, {transform_indices = #map1}, {transform_indices = #map}, {transform_indices = #map}]} {
    %mul3A = arith.constant 16 : i32
    %mul3A_0 = arith.muli %arg0, %mul3A : i32
    %add3A = arith.addi %mul3A_0, %arg1 : i32
    %mul3A_1 = arith.constant 10000 : i32
    %mul3A_2 = arith.muli %add3A, %mul3A_1 : i32
    %dma_start3A = tpu.memref_slice %arg3[%mul3A_2] : memref<320000xi32, #tpu.memory_space<hbm>> -> memref<10000xi32, #tpu.memory_space<hbm>>
    %dma_start3A_3 = tpu.memref_slice %arg3[%mul3A_2] : memref<320000xi32, #tpu.memory_space<hbm>> -> memref<10000xi32, #tpu.memory_space<hbm>>
    tpu.enqueue_dma source(%dma_start3A_3 : memref<10000xi32, #tpu.memory_space<hbm>>) target(%arg7 : memref<10000xi32, #tpu.memory_space<vmem>>) target_semaphore(%arg15 : memref<!tpu.dma_semaphore, #tpu.memory_space<semaphore_mem>>)
    %mul3A_4 = arith.constant 10000 : i32
    %mul3A_5 = arith.muli %add3A, %mul3A_4 : i32
    %dma_start3A_6 = tpu.memref_slice %arg4[%mul3A_5] : memref<320000xi32, #tpu.memory_space<hbm>> -> memref<10000xi32, #tpu.memory_space<hbm>>
    %dma_start3A_7 = tpu.memref_slice %arg4[%mul3A_5] : memref<320000xi32, #tpu.memory_space<hbm>> -> memref<10000xi32, #tpu.memory_space<hbm>>
    tpu.enqueue_dma source(%dma_start3A_7 : memref<10000xi32, #tpu.memory_space<hbm>>) target(%arg8 : memref<10000xi32, #tpu.memory_space<vmem>>) target_semaphore(%arg16 : memref<!tpu.dma_semaphore, #tpu.memory_space<semaphore_mem>>)
    %mul3A_8 = arith.constant 640 : i32
    %mul3A_9 = arith.muli %arg1, %mul3A_8 : i32
    %add3A_10 = arith.constant 0 : i32
    %add3A_11 = arith.addi %mul3A_9, %add3A_10 : i32
    %dma_start3A_12 = arith.constant 0 : i32
    %dma_start3A_13 = tpu.memref_slice %arg19[%add3A_11, %dma_start3A_12] : memref<10240x128xf32, #tpu.memory_space<vmem_shared>> -> memref<128x128xf32, #tpu.memory_space<vmem_shared>>
    tpu.enqueue_dma source(%arg5 : memref<128x128xf32, #tpu.memory_space<hbm>>) target(%dma_start3A_13 : memref<128x128xf32, #tpu.memory_space<vmem_shared>>) target_semaphore(%arg17 : memref<!tpu.dma_semaphore, #tpu.memory_space<semaphore_mem>>)
    %mul3A_14 = arith.constant 640 : i32
    %mul3A_15 = arith.muli %arg1, %mul3A_14 : i32
    %add3A_16 = arith.constant 128 : i32
    %add3A_17 = arith.addi %mul3A_15, %add3A_16 : i32
    %dma_start3A_18 = arith.constant 0 : i32
    %dma_start3A_19 = tpu.memref_slice %arg19[%add3A_17, %dma_start3A_18] : memref<10240x128xf32, #tpu.memory_space<vmem_shared>> -> memref<128x128xf32, #tpu.memory_space<vmem_shared>>
    tpu.enqueue_dma source(%arg5 : memref<128x128xf32, #tpu.memory_space<hbm>>) target(%dma_start3A_19 : memref<128x128xf32, #tpu.memory_space<vmem_shared>>) target_semaphore(%arg17 : memref<!tpu.dma_semaphore, #tpu.memory_space<semaphore_mem>>)
    %mul3A_20 = arith.constant 640 : i32
    %mul3A_21 = arith.muli %arg1, %mul3A_20 : i32
    %add3A_22 = arith.constant 256 : i32
    %add3A_23 = arith.addi %mul3A_21, %add3A_22 : i32
    %dma_start3A_24 = arith.constant 0 : i32
    %dma_start3A_25 = tpu.memref_slice %arg19[%add3A_23, %dma_start3A_24] : memref<10240x128xf32, #tpu.memory_space<vmem_shared>> -> memref<128x128xf32, #tpu.memory_space<vmem_shared>>
    tpu.enqueue_dma source(%arg5 : memref<128x128xf32, #tpu.memory_space<hbm>>) target(%dma_start3A_25 : memref<128x128xf32, #tpu.memory_space<vmem_shared>>) target_semaphore(%arg17 : memref<!tpu.dma_semaphore, #tpu.memory_space<semaphore_mem>>)
    %mul3A_26 = arith.constant 640 : i32
    %mul3A_27 = arith.muli %arg1, %mul3A_26 : i32
    %add3A_28 = arith.constant 384 : i32
    %add3A_29 = arith.addi %mul3A_27, %add3A_28 : i32
    %dma_start3A_30 = arith.constant 0 : i32
    %dma_start3A_31 = tpu.memref_slice %arg19[%add3A_29, %dma_start3A_30] : memref<10240x128xf32, #tpu.memory_space<vmem_shared>> -> memref<128x128xf32, #tpu.memory_space<vmem_shared>>
    tpu.enqueue_dma source(%arg5 : memref<128x128xf32, #tpu.memory_space<hbm>>) target(%dma_start3A_31 : memref<128x128xf32, #tpu.memory_space<vmem_shared>>) target_semaphore(%arg17 : memref<!tpu.dma_semaphore, #tpu.memory_space<semaphore_mem>>)
    %mul3A_32 = arith.constant 640 : i32
    %mul3A_33 = arith.muli %arg1, %mul3A_32 : i32
    %add3A_34 = arith.constant 512 : i32
    %add3A_35 = arith.addi %mul3A_33, %add3A_34 : i32
    %dma_start3A_36 = arith.constant 0 : i32
    %dma_start3A_37 = tpu.memref_slice %arg19[%add3A_35, %dma_start3A_36] : memref<10240x128xf32, #tpu.memory_space<vmem_shared>> -> memref<128x128xf32, #tpu.memory_space<vmem_shared>>
    tpu.enqueue_dma source(%arg5 : memref<128x128xf32, #tpu.memory_space<hbm>>) target(%dma_start3A_37 : memref<128x128xf32, #tpu.memory_space<vmem_shared>>) target_semaphore(%arg17 : memref<!tpu.dma_semaphore, #tpu.memory_space<semaphore_mem>>)
    %mul3A_38 = arith.constant 10000 : i32
    %mul3A_39 = arith.muli %add3A, %mul3A_38 : i32
    %dma_wait3A = tpu.memref_slice %arg3[%mul3A_39] : memref<320000xi32, #tpu.memory_space<hbm>> -> memref<10000xi32, #tpu.memory_space<hbm>>
    %dma_wait3A_40 = tpu.memref_slice %arg3[%mul3A_39] : memref<320000xi32, #tpu.memory_space<hbm>> -> memref<10000xi32, #tpu.memory_space<hbm>>
    tpu.wait_dma2 semaphore(%arg15 : memref<!tpu.dma_semaphore, #tpu.memory_space<semaphore_mem>>) src(%dma_wait3A_40 : memref<10000xi32, #tpu.memory_space<hbm>>) dst(%arg7 : memref<10000xi32, #tpu.memory_space<vmem>>)
    %mul3A_41 = arith.constant 10000 : i32
    %mul3A_42 = arith.muli %add3A, %mul3A_41 : i32
    %dma_wait3A_43 = tpu.memref_slice %arg4[%mul3A_42] : memref<320000xi32, #tpu.memory_space<hbm>> -> memref<10000xi32, #tpu.memory_space<hbm>>
    %dma_wait3A_44 = tpu.memref_slice %arg4[%mul3A_42] : memref<320000xi32, #tpu.memory_space<hbm>> -> memref<10000xi32, #tpu.memory_space<hbm>>
    tpu.wait_dma2 semaphore(%arg16 : memref<!tpu.dma_semaphore, #tpu.memory_space<semaphore_mem>>) src(%dma_wait3A_44 : memref<10000xi32, #tpu.memory_space<hbm>>) dst(%arg8 : memref<10000xi32, #tpu.memory_space<vmem>>)
    %mul3A_45 = arith.constant 640 : i32
    %mul3A_46 = arith.muli %arg1, %mul3A_45 : i32
    %add3A_47 = arith.constant 0 : i32
    %add3A_48 = arith.addi %mul3A_46, %add3A_47 : i32
    %dma_wait3A_49 = arith.constant 0 : i32
    %dma_wait3A_50 = tpu.memref_slice %arg19[%add3A_48, %dma_wait3A_49] : memref<10240x128xf32, #tpu.memory_space<vmem_shared>> -> memref<128x128xf32, #tpu.memory_space<vmem_shared>>
    tpu.wait_dma2 semaphore(%arg17 : memref<!tpu.dma_semaphore, #tpu.memory_space<semaphore_mem>>) src(%arg5 : memref<128x128xf32, #tpu.memory_space<hbm>>) dst(%dma_wait3A_50 : memref<128x128xf32, #tpu.memory_space<vmem_shared>>)
    %mul3A_51 = arith.constant 640 : i32
    %mul3A_52 = arith.muli %arg1, %mul3A_51 : i32
    %add3A_53 = arith.constant 128 : i32
    %add3A_54 = arith.addi %mul3A_52, %add3A_53 : i32
    %dma_wait3A_55 = arith.constant 0 : i32
    %dma_wait3A_56 = tpu.memref_slice %arg19[%add3A_54, %dma_wait3A_55] : memref<10240x128xf32, #tpu.memory_space<vmem_shared>> -> memref<128x128xf32, #tpu.memory_space<vmem_shared>>
    tpu.wait_dma2 semaphore(%arg17 : memref<!tpu.dma_semaphore, #tpu.memory_space<semaphore_mem>>) src(%arg5 : memref<128x128xf32, #tpu.memory_space<hbm>>) dst(%dma_wait3A_56 : memref<128x128xf32, #tpu.memory_space<vmem_shared>>)
    %mul3A_57 = arith.constant 640 : i32
    %mul3A_58 = arith.muli %arg1, %mul3A_57 : i32
    %add3A_59 = arith.constant 256 : i32
    %add3A_60 = arith.addi %mul3A_58, %add3A_59 : i32
    %dma_wait3A_61 = arith.constant 0 : i32
    %dma_wait3A_62 = tpu.memref_slice %arg19[%add3A_60, %dma_wait3A_61] : memref<10240x128xf32, #tpu.memory_space<vmem_shared>> -> memref<128x128xf32, #tpu.memory_space<vmem_shared>>
    tpu.wait_dma2 semaphore(%arg17 : memref<!tpu.dma_semaphore, #tpu.memory_space<semaphore_mem>>) src(%arg5 : memref<128x128xf32, #tpu.memory_space<hbm>>) dst(%dma_wait3A_62 : memref<128x128xf32, #tpu.memory_space<vmem_shared>>)
    %mul3A_63 = arith.constant 640 : i32
    %mul3A_64 = arith.muli %arg1, %mul3A_63 : i32
    %add3A_65 = arith.constant 384 : i32
    %add3A_66 = arith.addi %mul3A_64, %add3A_65 : i32
    %dma_wait3A_67 = arith.constant 0 : i32
    %dma_wait3A_68 = tpu.memref_slice %arg19[%add3A_66, %dma_wait3A_67] : memref<10240x128xf32, #tpu.memory_space<vmem_shared>> -> memref<128x128xf32, #tpu.memory_space<vmem_shared>>
    tpu.wait_dma2 semaphore(%arg17 : memref<!tpu.dma_semaphore, #tpu.memory_space<semaphore_mem>>) src(%arg5 : memref<128x128xf32, #tpu.memory_space<hbm>>) dst(%dma_wait3A_68 : memref<128x128xf32, #tpu.memory_space<vmem_shared>>)
    %mul3A_69 = arith.constant 640 : i32
    %mul3A_70 = arith.muli %arg1, %mul3A_69 : i32
    %add3A_71 = arith.constant 512 : i32
    %add3A_72 = arith.addi %mul3A_70, %add3A_71 : i32
    %dma_wait3A_73 = arith.constant 0 : i32
    %dma_wait3A_74 = tpu.memref_slice %arg19[%add3A_72, %dma_wait3A_73] : memref<10240x128xf32, #tpu.memory_space<vmem_shared>> -> memref<128x128xf32, #tpu.memory_space<vmem_shared>>
    tpu.wait_dma2 semaphore(%arg17 : memref<!tpu.dma_semaphore, #tpu.memory_space<semaphore_mem>>) src(%arg5 : memref<128x128xf32, #tpu.memory_space<hbm>>) dst(%dma_wait3A_74 : memref<128x128xf32, #tpu.memory_space<vmem_shared>>)
    %barrier3A = arith.constant 0 : index
    tpu.barrier barrier_id(%barrier3A)
    %get3A = arith.constant 0 : index
    %get3A_75 = tpu.vector_load %arg7[%get3A] {strides = array<i32>} : memref<10000xi32, #tpu.memory_space<vmem>>, vector<16xi32>,
    %get3A_76 = vector.shape_cast %get3A_75 : vector<16xi32> to vector<16xi32>
    %swap3A = arith.constant 0 : index
    %swap3A_77 = tpu.vector_load %arg9[%swap3A] {strides = array<i32>} : memref<80xi32, #tpu.memory_space<vmem>>, vector<16xi32>,
    %swap3A_78 = vector.shape_cast %swap3A_77 : vector<16xi32> to vector<16xi32>
    %swap3A_79 = vector.shape_cast %get3A_76 : vector<16xi32> to vector<16xi32>
    tpu.vector_store %arg9[%swap3A], %swap3A_79 {strides = array<i32>} : memref<80xi32, #tpu.memory_space<vmem>>, vector<16xi32>,
    %get3A_80 = arith.constant 0 : index
    %get3A_81 = tpu.vector_load %arg8[%get3A_80] {strides = array<i32>} : memref<10000xi32, #tpu.memory_space<vmem>>, vector<16xi32>,
    %get3A_82 = vector.shape_cast %get3A_81 : vector<16xi32> to vector<16xi32>
    %swap3A_83 = arith.constant 0 : index
    %swap3A_84 = tpu.vector_load %arg11[%swap3A_83] {strides = array<i32>} : memref<80xi32, #tpu.memory_space<vmem>>, vector<16xi32>,
    %swap3A_85 = vector.shape_cast %swap3A_84 : vector<16xi32> to vector<16xi32>
    %swap3A_86 = vector.shape_cast %get3A_82 : vector<16xi32> to vector<16xi32>
    tpu.vector_store %arg11[%swap3A_83], %swap3A_86 {strides = array<i32>} : memref<80xi32, #tpu.memory_space<vmem>>, vector<16xi32>,
    %get3A_87 = arith.constant 16 : index
    %get3A_88 = tpu.vector_load %arg7[%get3A_87] {strides = array<i32>} : memref<10000xi32, #tpu.memory_space<vmem>>, vector<16xi32>,
    %get3A_89 = vector.shape_cast %get3A_88 : vector<16xi32> to vector<16xi32>
    %swap3A_90 = arith.constant 16 : index
    %swap3A_91 = tpu.vector_load %arg9[%swap3A_90] {strides = array<i32>} : memref<80xi32, #tpu.memory_space<vmem>>, vector<16xi32>,
    %swap3A_92 = vector.shape_cast %swap3A_91 : vector<16xi32> to vector<16xi32>
    %swap3A_93 = vector.shape_cast %get3A_89 : vector<16xi32> to vector<16xi32>
    tpu.vector_store %arg9[%swap3A_90], %swap3A_93 {strides = array<i32>} : memref<80xi32, #tpu.memory_space<vmem>>, vector<16xi32>,
    %get3A_94 = arith.constant 16 : index
    %get3A_95 = tpu.vector_load %arg8[%get3A_94] {strides = array<i32>} : memref<10000xi32, #tpu.memory_space<vmem>>, vector<16xi32>,
    %get3A_96 = vector.shape_cast %get3A_95 : vector<16xi32> to vector<16xi32>
    %swap3A_97 = arith.constant 16 : index
    %swap3A_98 = tpu.vector_load %arg11[%swap3A_97] {strides = array<i32>} : memref<80xi32, #tpu.memory_space<vmem>>, vector<16xi32>,
    %swap3A_99 = vector.shape_cast %swap3A_98 : vector<16xi32> to vector<16xi32>
    %swap3A_100 = vector.shape_cast %get3A_96 : vector<16xi32> to vector<16xi32>
    tpu.vector_store %arg11[%swap3A_97], %swap3A_100 {strides = array<i32>} : memref<80xi32, #tpu.memory_space<vmem>>, vector<16xi32>,
    %get3A_101 = arith.constant 32 : index
    %get3A_102 = tpu.vector_load %arg7[%get3A_101] {strides = array<i32>} : memref<10000xi32, #tpu.memory_space<vmem>>, vector<16xi32>,
    %get3A_103 = vector.shape_cast %get3A_102 : vector<16xi32> to vector<16xi32>
    %swap3A_104 = arith.constant 32 : index
    %swap3A_105 = tpu.vector_load %arg9[%swap3A_104] {strides = array<i32>} : memref<80xi32, #tpu.memory_space<vmem>>, vector<16xi32>,
    %swap3A_106 = vector.shape_cast %swap3A_105 : vector<16xi32> to vector<16xi32>
    %swap3A_107 = vector.shape_cast %get3A_103 : vector<16xi32> to vector<16xi32>
    tpu.vector_store %arg9[%swap3A_104], %swap3A_107 {strides = array<i32>} : memref<80xi32, #tpu.memory_space<vmem>>, vector<16xi32>,
    %get3A_108 = arith.constant 32 : index
    %get3A_109 = tpu.vector_load %arg8[%get3A_108] {strides = array<i32>} : memref<10000xi32, #tpu.memory_space<vmem>>, vector<16xi32>,
    %get3A_110 = vector.shape_cast %get3A_109 : vector<16xi32> to vector<16xi32>
    %swap3A_111 = arith.constant 32 : index
    %swap3A_112 = tpu.vector_load %arg11[%swap3A_111] {strides = array<i32>} : memref<80xi32, #tpu.memory_space<vmem>>, vector<16xi32>,
    %swap3A_113 = vector.shape_cast %swap3A_112 : vector<16xi32> to vector<16xi32>
    %swap3A_114 = vector.shape_cast %get3A_110 : vector<16xi32> to vector<16xi32>
    tpu.vector_store %arg11[%swap3A_111], %swap3A_114 {strides = array<i32>} : memref<80xi32, #tpu.memory_space<vmem>>, vector<16xi32>,
    %get3A_115 = arith.constant 48 : index
    %get3A_116 = tpu.vector_load %arg7[%get3A_115] {strides = array<i32>} : memref<10000xi32, #tpu.memory_space<vmem>>, vector<16xi32>,
    %get3A_117 = vector.shape_cast %get3A_116 : vector<16xi32> to vector<16xi32>
    %swap3A_118 = arith.constant 48 : index
    %swap3A_119 = tpu.vector_load %arg9[%swap3A_118] {strides = array<i32>} : memref<80xi32, #tpu.memory_space<vmem>>, vector<16xi32>,
    %swap3A_120 = vector.shape_cast %swap3A_119 : vector<16xi32> to vector<16xi32>
    %swap3A_121 = vector.shape_cast %get3A_117 : vector<16xi32> to vector<16xi32>
    tpu.vector_store %arg9[%swap3A_118], %swap3A_121 {strides = array<i32>} : memref<80xi32, #tpu.memory_space<vmem>>, vector<16xi32>,
    %get3A_122 = arith.constant 48 : index
    %get3A_123 = tpu.vector_load %arg8[%get3A_122] {strides = array<i32>} : memref<10000xi32, #tpu.memory_space<vmem>>, vector<16xi32>,
    %get3A_124 = vector.shape_cast %get3A_123 : vector<16xi32> to vector<16xi32>
    %swap3A_125 = arith.constant 48 : index
    %swap3A_126 = tpu.vector_load %arg11[%swap3A_125] {strides = array<i32>} : memref<80xi32, #tpu.memory_space<vmem>>, vector<16xi32>,
    %swap3A_127 = vector.shape_cast %swap3A_126 : vector<16xi32> to vector<16xi32>
    %swap3A_128 = vector.shape_cast %get3A_124 : vector<16xi32> to vector<16xi32>
    tpu.vector_store %arg11[%swap3A_125], %swap3A_128 {strides = array<i32>} : memref<80xi32, #tpu.memory_space<vmem>>, vector<16xi32>,
    %get3A_129 = arith.constant 64 : index
    %get3A_130 = tpu.vector_load %arg7[%get3A_129] {strides = array<i32>} : memref<10000xi32, #tpu.memory_space<vmem>>, vector<16xi32>,
    %get3A_131 = vector.shape_cast %get3A_130 : vector<16xi32> to vector<16xi32>
    %swap3A_132 = arith.constant 64 : index
    %swap3A_133 = tpu.vector_load %arg9[%swap3A_132] {strides = array<i32>} : memref<80xi32, #tpu.memory_space<vmem>>, vector<16xi32>,
    %swap3A_134 = vector.shape_cast %swap3A_133 : vector<16xi32> to vector<16xi32>
    %swap3A_135 = vector.shape_cast %get3A_131 : vector<16xi32> to vector<16xi32>
    tpu.vector_store %arg9[%swap3A_132], %swap3A_135 {strides = array<i32>} : memref<80xi32, #tpu.memory_space<vmem>>, vector<16xi32>,
    %get3A_136 = arith.constant 64 : index
    %get3A_137 = tpu.vector_load %arg8[%get3A_136] {strides = array<i32>} : memref<10000xi32, #tpu.memory_space<vmem>>, vector<16xi32>,
    %get3A_138 = vector.shape_cast %get3A_137 : vector<16xi32> to vector<16xi32>
    %swap3A_139 = arith.constant 64 : index
    %swap3A_140 = tpu.vector_load %arg11[%swap3A_139] {strides = array<i32>} : memref<80xi32, #tpu.memory_space<vmem>>, vector<16xi32>,
    %swap3A_141 = vector.shape_cast %swap3A_140 : vector<16xi32> to vector<16xi32>
    %swap3A_142 = vector.shape_cast %get3A_138 : vector<16xi32> to vector<16xi32>
    tpu.vector_store %arg11[%swap3A_139], %swap3A_142 {strides = array<i32>} : memref<80xi32, #tpu.memory_space<vmem>>, vector<16xi32>,
    %dma_start3A_143 = arith.constant 0 : i32
    %dma_start3A_144 = arith.constant 0 : i32
    %dma_start3A_145 = tpu.memref_slice %arg2[%dma_start3A_143, %dma_start3A_144] : memref<10000x128xf32, #tpu.memory_space<hbm>> -> memref<10000x128xf32, #tpu.memory_space<hbm>>
    tpu.enqueue_indirect_dma source(%dma_start3A_145 : memref<10000x128xf32, #tpu.memory_space<hbm>>) target(%arg13 : memref<80x128xf32, #tpu.memory_space<vmem>>) offsets(%arg9 : memref<80xi32, #tpu.memory_space<vmem>>) semaphore(%arg15 : memref<!tpu.dma_semaphore, #tpu.memory_space<semaphore_mem>>)
    %get3A_146 = arith.constant 80 : index
    %get3A_147 = tpu.vector_load %arg7[%get3A_146] {strides = array<i32>} : memref<10000xi32, #tpu.memory_space<vmem>>, vector<16xi32>,
    %get3A_148 = vector.shape_cast %get3A_147 : vector<16xi32> to vector<16xi32>
    %swap3A_149 = arith.constant 0 : index
    %swap3A_150 = tpu.vector_load %arg10[%swap3A_149] {strides = array<i32>} : memref<80xi32, #tpu.memory_space<vmem>>, vector<16xi32>,
    %swap3A_151 = vector.shape_cast %swap3A_150 : vector<16xi32> to vector<16xi32>
    %swap3A_152 = vector.shape_cast %get3A_148 : vector<16xi32> to vector<16xi32>
    tpu.vector_store %arg10[%swap3A_149], %swap3A_152 {strides = array<i32>} : memref<80xi32, #tpu.memory_space<vmem>>, vector<16xi32>,
    %get3A_153 = arith.constant 80 : index
    %get3A_154 = tpu.vector_load %arg8[%get3A_153] {strides = array<i32>} : memref<10000xi32, #tpu.memory_space<vmem>>, vector<16xi32>,
    %get3A_155 = vector.shape_cast %get3A_154 : vector<16xi32> to vector<16xi32>
    %swap3A_156 = arith.constant 0 : index
    %swap3A_157 = tpu.vector_load %arg12[%swap3A_156] {strides = array<i32>} : memref<80xi32, #tpu.memory_space<vmem>>, vector<16xi32>,
    %swap3A_158 = vector.shape_cast %swap3A_157 : vector<16xi32> to vector<16xi32>
    %swap3A_159 = vector.shape_cast %get3A_155 : vector<16xi32> to vector<16xi32>
    tpu.vector_store %arg12[%swap3A_156], %swap3A_159 {strides = array<i32>} : memref<80xi32, #tpu.memory_space<vmem>>, vector<16xi32>,
    %get3A_160 = arith.constant 96 : index
    %get3A_161 = tpu.vector_load %arg7[%get3A_160] {strides = array<i32>} : memref<10000xi32, #tpu.memory_space<vmem>>, vector<16xi32>,
    %get3A_162 = vector.shape_cast %get3A_161 : vector<16xi32> to vector<16xi32>
    %swap3A_163 = arith.constant 16 : index
    %swap3A_164 = tpu.vector_load %arg10[%swap3A_163] {strides = array<i32>} : memref<80xi32, #tpu.memory_space<vmem>>, vector<16xi32>,
    %swap3A_165 = vector.shape_cast %swap3A_164 : vector<16xi32> to vector<16xi32>
    %swap3A_166 = vector.shape_cast %get3A_162 : vector<16xi32> to vector<16xi32>
    tpu.vector_store %arg10[%swap3A_163], %swap3A_166 {strides = array<i32>} : memref<80xi32, #tpu.memory_space<vmem>>, vector<16xi32>,
    %get3A_167 = arith.constant 96 : index
    %get3A_168 = tpu.vector_load %arg8[%get3A_167] {strides = array<i32>} : memref<10000xi32, #tpu.memory_space<vmem>>, vector<16xi32>,
    %get3A_169 = vector.shape_cast %get3A_168 : vector<16xi32> to vector<16xi32>
    %swap3A_170 = arith.constant 16 : index
    %swap3A_171 = tpu.vector_load %arg12[%swap3A_170] {strides = array<i32>} : memref<80xi32, #tpu.memory_space<vmem>>, vector<16xi32>,
    %swap3A_172 = vector.shape_cast %swap3A_171 : vector<16xi32> to vector<16xi32>
    %swap3A_173 = vector.shape_cast %get3A_169 : vector<16xi32> to vector<16xi32>
    tpu.vector_store %arg12[%swap3A_170], %swap3A_173 {strides = array<i32>} : memref<80xi32, #tpu.memory_space<vmem>>, vector<16xi32>,
    %get3A_174 = arith.constant 112 : index
    %get3A_175 = tpu.vector_load %arg7[%get3A_174] {strides = array<i32>} : memref<10000xi32, #tpu.memory_space<vmem>>, vector<16xi32>,
    %get3A_176 = vector.shape_cast %get3A_175 : vector<16xi32> to vector<16xi32>
    %swap3A_177 = arith.constant 32 : index
    %swap3A_178 = tpu.vector_load %arg10[%swap3A_177] {strides = array<i32>} : memref<80xi32, #tpu.memory_space<vmem>>, vector<16xi32>,
    %swap3A_179 = vector.shape_cast %swap3A_178 : vector<16xi32> to vector<16xi32>
    %swap3A_180 = vector.shape_cast %get3A_176 : vector<16xi32> to vector<16xi32>
    tpu.vector_store %arg10[%swap3A_177], %swap3A_180 {strides = array<i32>} : memref<80xi32, #tpu.memory_space<vmem>>, vector<16xi32>,
    %get3A_181 = arith.constant 112 : index
    %get3A_182 = tpu.vector_load %arg8[%get3A_181] {strides = array<i32>} : memref<10000xi32, #tpu.memory_space<vmem>>, vector<16xi32>,
    %get3A_183 = vector.shape_cast %get3A_182 : vector<16xi32> to vector<16xi32>
    %swap3A_184 = arith.constant 32 : index
    %swap3A_185 = tpu.vector_load %arg12[%swap3A_184] {strides = array<i32>} : memref<80xi32, #tpu.memory_space<vmem>>, vector<16xi32>,
    %swap3A_186 = vector.shape_cast %swap3A_185 : vector<16xi32> to vector<16xi32>
    %swap3A_187 = vector.shape_cast %get3A_183 : vector<16xi32> to vector<16xi32>
    tpu.vector_store %arg12[%swap3A_184], %swap3A_187 {strides = array<i32>} : memref<80xi32, #tpu.memory_space<vmem>>, vector<16xi32>,
    %get3A_188 = arith.constant 128 : index
    %get3A_189 = tpu.vector_load %arg7[%get3A_188] {strides = array<i32>} : memref<10000xi32, #tpu.memory_space<vmem>>, vector<16xi32>,
    %get3A_190 = vector.shape_cast %get3A_189 : vector<16xi32> to vector<16xi32>
    %swap3A_191 = arith.constant 48 : index
    %swap3A_192 = tpu.vector_load %arg10[%swap3A_191] {strides = array<i32>} : memref<80xi32, #tpu.memory_space<vmem>>, vector<16xi32>,
    %swap3A_193 = vector.shape_cast %swap3A_192 : vector<16xi32> to vector<16xi32>
    %swap3A_194 = vector.shape_cast %get3A_190 : vector<16xi32> to vector<16xi32>
    tpu.vector_store %arg10[%swap3A_191], %swap3A_194 {strides = array<i32>} : memref<80xi32, #tpu.memory_space<vmem>>, vector<16xi32>,
    %get3A_195 = arith.constant 128 : index
    %get3A_196 = tpu.vector_load %arg8[%get3A_195] {strides = array<i32>} : memref<10000xi32, #tpu.memory_space<vmem>>, vector<16xi32>,
    %get3A_197 = vector.shape_cast %get3A_196 : vector<16xi32> to vector<16xi32>
    %swap3A_198 = arith.constant 48 : index
    %swap3A_199 = tpu.vector_load %arg12[%swap3A_198] {strides = array<i32>} : memref<80xi32, #tpu.memory_space<vmem>>, vector<16xi32>,
    %swap3A_200 = vector.shape_cast %swap3A_199 : vector<16xi32> to vector<16xi32>
    %swap3A_201 = vector.shape_cast %get3A_197 : vector<16xi32> to vector<16xi32>
    tpu.vector_store %arg12[%swap3A_198], %swap3A_201 {strides = array<i32>} : memref<80xi32, #tpu.memory_space<vmem>>, vector<16xi32>,
    %get3A_202 = arith.constant 144 : index
    %get3A_203 = tpu.vector_load %arg7[%get3A_202] {strides = array<i32>} : memref<10000xi32, #tpu.memory_space<vmem>>, vector<16xi32>,
    %get3A_204 = vector.shape_cast %get3A_203 : vector<16xi32> to vector<16xi32>
    %swap3A_205 = arith.constant 64 : index
    %swap3A_206 = tpu.vector_load %arg10[%swap3A_205] {strides = array<i32>} : memref<80xi32, #tpu.memory_space<vmem>>, vector<16xi32>,
    %swap3A_207 = vector.shape_cast %swap3A_206 : vector<16xi32> to vector<16xi32>
    %swap3A_208 = vector.shape_cast %get3A_204 : vector<16xi32> to vector<16xi32>
    tpu.vector_store %arg10[%swap3A_205], %swap3A_208 {strides = array<i32>} : memref<80xi32, #tpu.memory_space<vmem>>, vector<16xi32>,
    %get3A_209 = arith.constant 144 : index
    %get3A_210 = tpu.vector_load %arg8[%get3A_209] {strides = array<i32>} : memref<10000xi32, #tpu.memory_space<vmem>>, vector<16xi32>,
    %get3A_211 = vector.shape_cast %get3A_210 : vector<16xi32> to vector<16xi32>
    %swap3A_212 = arith.constant 64 : index
    %swap3A_213 = tpu.vector_load %arg12[%swap3A_212] {strides = array<i32>} : memref<80xi32, #tpu.memory_space<vmem>>, vector<16xi32>,
    %swap3A_214 = vector.shape_cast %swap3A_213 : vector<16xi32> to vector<16xi32>
    %swap3A_215 = vector.shape_cast %get3A_211 : vector<16xi32> to vector<16xi32>
    tpu.vector_store %arg12[%swap3A_212], %swap3A_215 {strides = array<i32>} : memref<80xi32, #tpu.memory_space<vmem>>, vector<16xi32>,
    %dma_start3A_216 = arith.constant 0 : i32
    %dma_start3A_217 = arith.constant 0 : i32
    %dma_start3A_218 = tpu.memref_slice %arg2[%dma_start3A_216, %dma_start3A_217] : memref<10000x128xf32, #tpu.memory_space<hbm>> -> memref<10000x128xf32, #tpu.memory_space<hbm>>
    tpu.enqueue_indirect_dma source(%dma_start3A_218 : memref<10000x128xf32, #tpu.memory_space<hbm>>) target(%arg14 : memref<80x128xf32, #tpu.memory_space<vmem>>) offsets(%arg10 : memref<80xi32, #tpu.memory_space<vmem>>) semaphore(%arg16 : memref<!tpu.dma_semaphore, #tpu.memory_space<semaphore_mem>>)
    %scan3A = arith.constant 0 : i32
    %scan3A_219 = arith.constant 0 : i32
    %scan3A_220 = arith.constant 63 : i32
    %scan3A_221 = arith.addi %scan3A_219, %scan3A_220 : i32
    %scan3A_222 = arith.constant 1 : i32
    scf.for %scan3A_238 = %scan3A_219 to %scan3A_221 step %scan3A_222  : i32 {
      %mul3A_239 = arith.constant 2 : i32
      %mul3A_240 = arith.muli %scan3A_238, %mul3A_239 : i32
      %add3A_241 = arith.constant 0 : i32
      %add3A_242 = arith.addi %mul3A_240, %add3A_241 : i32
      %lt3A = arith.constant 125 : i32
      %lt3A_243 = arith.cmpi slt, %add3A_242, %lt3A : i32
      %convert_element_type3A = arith.extui %lt3A_243 : i1 to i32
      %cond3A = arith.constant 0 : i32
      %cond3A_244 = arith.cmpi ne, %convert_element_type3A, %cond3A : i32
      scf.if %cond3A_244 {
        %dma_wait3A_276 = arith.constant 0 : i32
        %dma_wait3A_277 = arith.constant 0 : i32
        %dma_wait3A_278 = tpu.memref_slice %arg2[%dma_wait3A_276, %dma_wait3A_277] : memref<10000x128xf32, #tpu.memory_space<hbm>> -> memref<10000x128xf32, #tpu.memory_space<hbm>>
        tpu.wait_indirect_dma semaphore(%arg15 : memref<!tpu.dma_semaphore, #tpu.memory_space<semaphore_mem>>) src(%dma_wait3A_278 : memref<10000x128xf32, #tpu.memory_space<hbm>>) dst(%arg13 : memref<80x128xf32, #tpu.memory_space<vmem>>)
        %dma_start3A_279 = arith.constant 0 : i32
        %dma_start3A_280 = arith.constant 0 : i32
        %dma_start3A_281 = tpu.memref_slice %arg19[%dma_start3A_279, %dma_start3A_280] : memref<10240x128xf32, #tpu.memory_space<vmem_shared>> -> memref<10240x128xf32, #tpu.memory_space<vmem_shared>>
        tpu.enqueue_indirect_dma source(%arg13 : memref<80x128xf32, #tpu.memory_space<vmem>>) target(%dma_start3A_281 : memref<10240x128xf32, #tpu.memory_space<vmem_shared>>) offsets(%arg11 : memref<80xi32, #tpu.memory_space<vmem>>) semaphore(%arg17 : memref<!tpu.dma_semaphore, #tpu.memory_space<semaphore_mem>>) {add = true}
      } else {
      }
      %mul3A_245 = arith.constant 2 : i32
      %mul3A_246 = arith.muli %scan3A_238, %mul3A_245 : i32
      %add3A_247 = arith.constant 1 : i32
      %add3A_248 = arith.addi %mul3A_246, %add3A_247 : i32
      %lt3A_249 = arith.constant 125 : i32
      %lt3A_250 = arith.cmpi slt, %add3A_248, %lt3A_249 : i32
      %convert_element_type3A_251 = arith.extui %lt3A_250 : i1 to i32
      %cond3A_252 = arith.constant 0 : i32
      %cond3A_253 = arith.cmpi ne, %convert_element_type3A_251, %cond3A_252 : i32
      scf.if %cond3A_253 {
        %dma_wait3A_276 = arith.constant 0 : i32
        %dma_wait3A_277 = arith.constant 0 : i32
        %dma_wait3A_278 = tpu.memref_slice %arg2[%dma_wait3A_276, %dma_wait3A_277] : memref<10000x128xf32, #tpu.memory_space<hbm>> -> memref<10000x128xf32, #tpu.memory_space<hbm>>
        tpu.wait_indirect_dma semaphore(%arg16 : memref<!tpu.dma_semaphore, #tpu.memory_space<semaphore_mem>>) src(%dma_wait3A_278 : memref<10000x128xf32, #tpu.memory_space<hbm>>) dst(%arg14 : memref<80x128xf32, #tpu.memory_space<vmem>>)
        %dma_start3A_279 = arith.constant 0 : i32
        %dma_start3A_280 = arith.constant 0 : i32
        %dma_start3A_281 = tpu.memref_slice %arg19[%dma_start3A_279, %dma_start3A_280] : memref<10240x128xf32, #tpu.memory_space<vmem_shared>> -> memref<10240x128xf32, #tpu.memory_space<vmem_shared>>
        tpu.enqueue_indirect_dma source(%arg14 : memref<80x128xf32, #tpu.memory_space<vmem>>) target(%dma_start3A_281 : memref<10240x128xf32, #tpu.memory_space<vmem_shared>>) offsets(%arg12 : memref<80xi32, #tpu.memory_space<vmem>>) semaphore(%arg18 : memref<!tpu.dma_semaphore, #tpu.memory_space<semaphore_mem>>) {add = true}
      } else {
      }
      %mul3A_254 = arith.constant 2 : i32
      %mul3A_255 = arith.muli %scan3A_238, %mul3A_254 : i32
      %add3A_256 = arith.constant 0 : i32
      %add3A_257 = arith.addi %mul3A_255, %add3A_256 : i32
      %add3A_258 = arith.constant 2 : i32
      %add3A_259 = arith.addi %add3A_257, %add3A_258 : i32
      %lt3A_260 = arith.constant 125 : i32
      %lt3A_261 = arith.cmpi slt, %add3A_259, %lt3A_260 : i32
      %convert_element_type3A_262 = arith.extui %lt3A_261 : i1 to i32
      %cond3A_263 = arith.constant 0 : i32
      %cond3A_264 = arith.cmpi ne, %convert_element_type3A_262, %cond3A_263 : i32
      scf.if %cond3A_264 {
        %dma_wait3A_276 = arith.constant 0 : i32
        %dma_wait3A_277 = arith.constant 0 : i32
        %dma_wait3A_278 = tpu.memref_slice %arg19[%dma_wait3A_276, %dma_wait3A_277] : memref<10240x128xf32, #tpu.memory_space<vmem_shared>> -> memref<10240x128xf32, #tpu.memory_space<vmem_shared>>
        tpu.wait_indirect_dma semaphore(%arg17 : memref<!tpu.dma_semaphore, #tpu.memory_space<semaphore_mem>>) src(%arg13 : memref<80x128xf32, #tpu.memory_space<vmem>>) dst(%dma_wait3A_278 : memref<10240x128xf32, #tpu.memory_space<vmem_shared>>)
        %mul3A_279 = arith.constant 80 : i32
        %mul3A_280 = arith.muli %add3A_259, %mul3A_279 : i32
        %add3A_281 = arith.constant 0 : i32
        %add3A_282 = arith.addi %mul3A_280, %add3A_281 : i32
        %get3A_283 = arith.index_cast %add3A_282 : i32 to index
        %get3A_284 = tpu.vector_load %arg7[%get3A_283] {strides = array<i32>} : memref<10000xi32, #tpu.memory_space<vmem>>, vector<16xi32>,
        %swap3A_285 = arith.constant 0 : index
        %swap3A_286 = tpu.vector_load %arg9[%swap3A_285] {strides = array<i32>} : memref<80xi32, #tpu.memory_space<vmem>>, vector<16xi32>,
        %swap3A_287 = vector.shape_cast %swap3A_286 : vector<16xi32> to vector<16xi32>
        %swap3A_288 = vector.shape_cast %get3A_284 : vector<16xi32> to vector<16xi32>
        tpu.vector_store %arg9[%swap3A_285], %swap3A_288 {strides = array<i32>} : memref<80xi32, #tpu.memory_space<vmem>>, vector<16xi32>,
        %get3A_289 = arith.index_cast %add3A_282 : i32 to index
        %get3A_290 = tpu.vector_load %arg8[%get3A_289] {strides = array<i32>} : memref<10000xi32, #tpu.memory_space<vmem>>, vector<16xi32>,
        %swap3A_291 = arith.constant 0 : index
        %swap3A_292 = tpu.vector_load %arg11[%swap3A_291] {strides = array<i32>} : memref<80xi32, #tpu.memory_space<vmem>>, vector<16xi32>,
        %swap3A_293 = vector.shape_cast %swap3A_292 : vector<16xi32> to vector<16xi32>
        %swap3A_294 = vector.shape_cast %get3A_290 : vector<16xi32> to vector<16xi32>
        tpu.vector_store %arg11[%swap3A_291], %swap3A_294 {strides = array<i32>} : memref<80xi32, #tpu.memory_space<vmem>>, vector<16xi32>,
        %mul3A_295 = arith.constant 80 : i32
        %mul3A_296 = arith.muli %add3A_259, %mul3A_295 : i32
        %add3A_297 = arith.constant 16 : i32
        %add3A_298 = arith.addi %mul3A_296, %add3A_297 : i32
        %get3A_299 = arith.index_cast %add3A_298 : i32 to index
        %get3A_300 = tpu.vector_load %arg7[%get3A_299] {strides = array<i32>} : memref<10000xi32, #tpu.memory_space<vmem>>, vector<16xi32>,
        %swap3A_301 = arith.constant 16 : index
        %swap3A_302 = tpu.vector_load %arg9[%swap3A_301] {strides = array<i32>} : memref<80xi32, #tpu.memory_space<vmem>>, vector<16xi32>,
        %swap3A_303 = vector.shape_cast %swap3A_302 : vector<16xi32> to vector<16xi32>
        %swap3A_304 = vector.shape_cast %get3A_300 : vector<16xi32> to vector<16xi32>
        tpu.vector_store %arg9[%swap3A_301], %swap3A_304 {strides = array<i32>} : memref<80xi32, #tpu.memory_space<vmem>>, vector<16xi32>,
        %get3A_305 = arith.index_cast %add3A_298 : i32 to index
        %get3A_306 = tpu.vector_load %arg8[%get3A_305] {strides = array<i32>} : memref<10000xi32, #tpu.memory_space<vmem>>, vector<16xi32>,
        %swap3A_307 = arith.constant 16 : index
        %swap3A_308 = tpu.vector_load %arg11[%swap3A_307] {strides = array<i32>} : memref<80xi32, #tpu.memory_space<vmem>>, vector<16xi32>,
        %swap3A_309 = vector.shape_cast %swap3A_308 : vector<16xi32> to vector<16xi32>
        %swap3A_310 = vector.shape_cast %get3A_306 : vector<16xi32> to vector<16xi32>
        tpu.vector_store %arg11[%swap3A_307], %swap3A_310 {strides = array<i32>} : memref<80xi32, #tpu.memory_space<vmem>>, vector<16xi32>,
        %mul3A_311 = arith.constant 80 : i32
        %mul3A_312 = arith.muli %add3A_259, %mul3A_311 : i32
        %add3A_313 = arith.constant 32 : i32
        %add3A_314 = arith.addi %mul3A_312, %add3A_313 : i32
        %get3A_315 = arith.index_cast %add3A_314 : i32 to index
        %get3A_316 = tpu.vector_load %arg7[%get3A_315] {strides = array<i32>} : memref<10000xi32, #tpu.memory_space<vmem>>, vector<16xi32>,
        %swap3A_317 = arith.constant 32 : index
        %swap3A_318 = tpu.vector_load %arg9[%swap3A_317] {strides = array<i32>} : memref<80xi32, #tpu.memory_space<vmem>>, vector<16xi32>,
        %swap3A_319 = vector.shape_cast %swap3A_318 : vector<16xi32> to vector<16xi32>
        %swap3A_320 = vector.shape_cast %get3A_316 : vector<16xi32> to vector<16xi32>
        tpu.vector_store %arg9[%swap3A_317], %swap3A_320 {strides = array<i32>} : memref<80xi32, #tpu.memory_space<vmem>>, vector<16xi32>,
        %get3A_321 = arith.index_cast %add3A_314 : i32 to index
        %get3A_322 = tpu.vector_load %arg8[%get3A_321] {strides = array<i32>} : memref<10000xi32, #tpu.memory_space<vmem>>, vector<16xi32>,
        %swap3A_323 = arith.constant 32 : index
        %swap3A_324 = tpu.vector_load %arg11[%swap3A_323] {strides = array<i32>} : memref<80xi32, #tpu.memory_space<vmem>>, vector<16xi32>,
        %swap3A_325 = vector.shape_cast %swap3A_324 : vector<16xi32> to vector<16xi32>
        %swap3A_326 = vector.shape_cast %get3A_322 : vector<16xi32> to vector<16xi32>
        tpu.vector_store %arg11[%swap3A_323], %swap3A_326 {strides = array<i32>} : memref<80xi32, #tpu.memory_space<vmem>>, vector<16xi32>,
        %mul3A_327 = arith.constant 80 : i32
        %mul3A_328 = arith.muli %add3A_259, %mul3A_327 : i32
        %add3A_329 = arith.constant 48 : i32
        %add3A_330 = arith.addi %mul3A_328, %add3A_329 : i32
        %get3A_331 = arith.index_cast %add3A_330 : i32 to index
        %get3A_332 = tpu.vector_load %arg7[%get3A_331] {strides = array<i32>} : memref<10000xi32, #tpu.memory_space<vmem>>, vector<16xi32>,
        %swap3A_333 = arith.constant 48 : index
        %swap3A_334 = tpu.vector_load %arg9[%swap3A_333] {strides = array<i32>} : memref<80xi32, #tpu.memory_space<vmem>>, vector<16xi32>,
        %swap3A_335 = vector.shape_cast %swap3A_334 : vector<16xi32> to vector<16xi32>
        %swap3A_336 = vector.shape_cast %get3A_332 : vector<16xi32> to vector<16xi32>
        tpu.vector_store %arg9[%swap3A_333], %swap3A_336 {strides = array<i32>} : memref<80xi32, #tpu.memory_space<vmem>>, vector<16xi32>,
        %get3A_337 = arith.index_cast %add3A_330 : i32 to index
        %get3A_338 = tpu.vector_load %arg8[%get3A_337] {strides = array<i32>} : memref<10000xi32, #tpu.memory_space<vmem>>, vector<16xi32>,
        %swap3A_339 = arith.constant 48 : index
        %swap3A_340 = tpu.vector_load %arg11[%swap3A_339] {strides = array<i32>} : memref<80xi32, #tpu.memory_space<vmem>>, vector<16xi32>,
        %swap3A_341 = vector.shape_cast %swap3A_340 : vector<16xi32> to vector<16xi32>
        %swap3A_342 = vector.shape_cast %get3A_338 : vector<16xi32> to vector<16xi32>
        tpu.vector_store %arg11[%swap3A_339], %swap3A_342 {strides = array<i32>} : memref<80xi32, #tpu.memory_space<vmem>>, vector<16xi32>,
        %mul3A_343 = arith.constant 80 : i32
        %mul3A_344 = arith.muli %add3A_259, %mul3A_343 : i32
        %add3A_345 = arith.constant 64 : i32
        %add3A_346 = arith.addi %mul3A_344, %add3A_345 : i32
        %get3A_347 = arith.index_cast %add3A_346 : i32 to index
        %get3A_348 = tpu.vector_load %arg7[%get3A_347] {strides = array<i32>} : memref<10000xi32, #tpu.memory_space<vmem>>, vector<16xi32>,
        %swap3A_349 = arith.constant 64 : index
        %swap3A_350 = tpu.vector_load %arg9[%swap3A_349] {strides = array<i32>} : memref<80xi32, #tpu.memory_space<vmem>>, vector<16xi32>,
        %swap3A_351 = vector.shape_cast %swap3A_350 : vector<16xi32> to vector<16xi32>
        %swap3A_352 = vector.shape_cast %get3A_348 : vector<16xi32> to vector<16xi32>
        tpu.vector_store %arg9[%swap3A_349], %swap3A_352 {strides = array<i32>} : memref<80xi32, #tpu.memory_space<vmem>>, vector<16xi32>,
        %get3A_353 = arith.index_cast %add3A_346 : i32 to index
        %get3A_354 = tpu.vector_load %arg8[%get3A_353] {strides = array<i32>} : memref<10000xi32, #tpu.memory_space<vmem>>, vector<16xi32>,
        %swap3A_355 = arith.constant 64 : index
        %swap3A_356 = tpu.vector_load %arg11[%swap3A_355] {strides = array<i32>} : memref<80xi32, #tpu.memory_space<vmem>>, vector<16xi32>,
        %swap3A_357 = vector.shape_cast %swap3A_356 : vector<16xi32> to vector<16xi32>
        %swap3A_358 = vector.shape_cast %get3A_354 : vector<16xi32> to vector<16xi32>
        tpu.vector_store %arg11[%swap3A_355], %swap3A_358 {strides = array<i32>} : memref<80xi32, #tpu.memory_space<vmem>>, vector<16xi32>,
        %dma_start3A_359 = arith.constant 0 : i32
        %dma_start3A_360 = arith.constant 0 : i32
        %dma_start3A_361 = tpu.memref_slice %arg2[%dma_start3A_359, %dma_start3A_360] : memref<10000x128xf32, #tpu.memory_space<hbm>> -> memref<10000x128xf32, #tpu.memory_space<hbm>>
        tpu.enqueue_indirect_dma source(%dma_start3A_361 : memref<10000x128xf32, #tpu.memory_space<hbm>>) target(%arg13 : memref<80x128xf32, #tpu.memory_space<vmem>>) offsets(%arg9 : memref<80xi32, #tpu.memory_space<vmem>>) semaphore(%arg15 : memref<!tpu.dma_semaphore, #tpu.memory_space<semaphore_mem>>)
      } else {
      }
      %mul3A_265 = arith.constant 2 : i32
      %mul3A_266 = arith.muli %scan3A_238, %mul3A_265 : i32
      %add3A_267 = arith.constant 1 : i32
      %add3A_268 = arith.addi %mul3A_266, %add3A_267 : i32
      %add3A_269 = arith.constant 2 : i32
      %add3A_270 = arith.addi %add3A_268, %add3A_269 : i32
      %lt3A_271 = arith.constant 125 : i32
      %lt3A_272 = arith.cmpi slt, %add3A_270, %lt3A_271 : i32
      %convert_element_type3A_273 = arith.extui %lt3A_272 : i1 to i32
      %cond3A_274 = arith.constant 0 : i32
      %cond3A_275 = arith.cmpi ne, %convert_element_type3A_273, %cond3A_274 : i32
      scf.if %cond3A_275 {
        %dma_wait3A_276 = arith.constant 0 : i32
        %dma_wait3A_277 = arith.constant 0 : i32
        %dma_wait3A_278 = tpu.memref_slice %arg19[%dma_wait3A_276, %dma_wait3A_277] : memref<10240x128xf32, #tpu.memory_space<vmem_shared>> -> memref<10240x128xf32, #tpu.memory_space<vmem_shared>>
        tpu.wait_indirect_dma semaphore(%arg18 : memref<!tpu.dma_semaphore, #tpu.memory_space<semaphore_mem>>) src(%arg14 : memref<80x128xf32, #tpu.memory_space<vmem>>) dst(%dma_wait3A_278 : memref<10240x128xf32, #tpu.memory_space<vmem_shared>>)
        %mul3A_279 = arith.constant 80 : i32
        %mul3A_280 = arith.muli %add3A_270, %mul3A_279 : i32
        %add3A_281 = arith.constant 0 : i32
        %add3A_282 = arith.addi %mul3A_280, %add3A_281 : i32
        %get3A_283 = arith.index_cast %add3A_282 : i32 to index
        %get3A_284 = tpu.vector_load %arg7[%get3A_283] {strides = array<i32>} : memref<10000xi32, #tpu.memory_space<vmem>>, vector<16xi32>,
        %swap3A_285 = arith.constant 0 : index
        %swap3A_286 = tpu.vector_load %arg10[%swap3A_285] {strides = array<i32>} : memref<80xi32, #tpu.memory_space<vmem>>, vector<16xi32>,
        %swap3A_287 = vector.shape_cast %swap3A_286 : vector<16xi32> to vector<16xi32>
        %swap3A_288 = vector.shape_cast %get3A_284 : vector<16xi32> to vector<16xi32>
        tpu.vector_store %arg10[%swap3A_285], %swap3A_288 {strides = array<i32>} : memref<80xi32, #tpu.memory_space<vmem>>, vector<16xi32>,
        %get3A_289 = arith.index_cast %add3A_282 : i32 to index
        %get3A_290 = tpu.vector_load %arg8[%get3A_289] {strides = array<i32>} : memref<10000xi32, #tpu.memory_space<vmem>>, vector<16xi32>,
        %swap3A_291 = arith.constant 0 : index
        %swap3A_292 = tpu.vector_load %arg12[%swap3A_291] {strides = array<i32>} : memref<80xi32, #tpu.memory_space<vmem>>, vector<16xi32>,
        %swap3A_293 = vector.shape_cast %swap3A_292 : vector<16xi32> to vector<16xi32>
        %swap3A_294 = vector.shape_cast %get3A_290 : vector<16xi32> to vector<16xi32>
        tpu.vector_store %arg12[%swap3A_291], %swap3A_294 {strides = array<i32>} : memref<80xi32, #tpu.memory_space<vmem>>, vector<16xi32>,
        %mul3A_295 = arith.constant 80 : i32
        %mul3A_296 = arith.muli %add3A_270, %mul3A_295 : i32
        %add3A_297 = arith.constant 16 : i32
        %add3A_298 = arith.addi %mul3A_296, %add3A_297 : i32
        %get3A_299 = arith.index_cast %add3A_298 : i32 to index
        %get3A_300 = tpu.vector_load %arg7[%get3A_299] {strides = array<i32>} : memref<10000xi32, #tpu.memory_space<vmem>>, vector<16xi32>,
        %swap3A_301 = arith.constant 16 : index
        %swap3A_302 = tpu.vector_load %arg10[%swap3A_301] {strides = array<i32>} : memref<80xi32, #tpu.memory_space<vmem>>, vector<16xi32>,
        %swap3A_303 = vector.shape_cast %swap3A_302 : vector<16xi32> to vector<16xi32>
        %swap3A_304 = vector.shape_cast %get3A_300 : vector<16xi32> to vector<16xi32>
        tpu.vector_store %arg10[%swap3A_301], %swap3A_304 {strides = array<i32>} : memref<80xi32, #tpu.memory_space<vmem>>, vector<16xi32>,
        %get3A_305 = arith.index_cast %add3A_298 : i32 to index
        %get3A_306 = tpu.vector_load %arg8[%get3A_305] {strides = array<i32>} : memref<10000xi32, #tpu.memory_space<vmem>>, vector<16xi32>,
        %swap3A_307 = arith.constant 16 : index
        %swap3A_308 = tpu.vector_load %arg12[%swap3A_307] {strides = array<i32>} : memref<80xi32, #tpu.memory_space<vmem>>, vector<16xi32>,
        %swap3A_309 = vector.shape_cast %swap3A_308 : vector<16xi32> to vector<16xi32>
        %swap3A_310 = vector.shape_cast %get3A_306 : vector<16xi32> to vector<16xi32>
        tpu.vector_store %arg12[%swap3A_307], %swap3A_310 {strides = array<i32>} : memref<80xi32, #tpu.memory_space<vmem>>, vector<16xi32>,
        %mul3A_311 = arith.constant 80 : i32
        %mul3A_312 = arith.muli %add3A_270, %mul3A_311 : i32
        %add3A_313 = arith.constant 32 : i32
        %add3A_314 = arith.addi %mul3A_312, %add3A_313 : i32
        %get3A_315 = arith.index_cast %add3A_314 : i32 to index
        %get3A_316 = tpu.vector_load %arg7[%get3A_315] {strides = array<i32>} : memref<10000xi32, #tpu.memory_space<vmem>>, vector<16xi32>,
        %swap3A_317 = arith.constant 32 : index
        %swap3A_318 = tpu.vector_load %arg10[%swap3A_317] {strides = array<i32>} : memref<80xi32, #tpu.memory_space<vmem>>, vector<16xi32>,
        %swap3A_319 = vector.shape_cast %swap3A_318 : vector<16xi32> to vector<16xi32>
        %swap3A_320 = vector.shape_cast %get3A_316 : vector<16xi32> to vector<16xi32>
        tpu.vector_store %arg10[%swap3A_317], %swap3A_320 {strides = array<i32>} : memref<80xi32, #tpu.memory_space<vmem>>, vector<16xi32>,
        %get3A_321 = arith.index_cast %add3A_314 : i32 to index
        %get3A_322 = tpu.vector_load %arg8[%get3A_321] {strides = array<i32>} : memref<10000xi32, #tpu.memory_space<vmem>>, vector<16xi32>,
        %swap3A_323 = arith.constant 32 : index
        %swap3A_324 = tpu.vector_load %arg12[%swap3A_323] {strides = array<i32>} : memref<80xi32, #tpu.memory_space<vmem>>, vector<16xi32>,
        %swap3A_325 = vector.shape_cast %swap3A_324 : vector<16xi32> to vector<16xi32>
        %swap3A_326 = vector.shape_cast %get3A_322 : vector<16xi32> to vector<16xi32>
        tpu.vector_store %arg12[%swap3A_323], %swap3A_326 {strides = array<i32>} : memref<80xi32, #tpu.memory_space<vmem>>, vector<16xi32>,
        %mul3A_327 = arith.constant 80 : i32
        %mul3A_328 = arith.muli %add3A_270, %mul3A_327 : i32
        %add3A_329 = arith.constant 48 : i32
        %add3A_330 = arith.addi %mul3A_328, %add3A_329 : i32
        %get3A_331 = arith.index_cast %add3A_330 : i32 to index
        %get3A_332 = tpu.vector_load %arg7[%get3A_331] {strides = array<i32>} : memref<10000xi32, #tpu.memory_space<vmem>>, vector<16xi32>,
        %swap3A_333 = arith.constant 48 : index
        %swap3A_334 = tpu.vector_load %arg10[%swap3A_333] {strides = array<i32>} : memref<80xi32, #tpu.memory_space<vmem>>, vector<16xi32>,
        %swap3A_335 = vector.shape_cast %swap3A_334 : vector<16xi32> to vector<16xi32>
        %swap3A_336 = vector.shape_cast %get3A_332 : vector<16xi32> to vector<16xi32>
        tpu.vector_store %arg10[%swap3A_333], %swap3A_336 {strides = array<i32>} : memref<80xi32, #tpu.memory_space<vmem>>, vector<16xi32>,
        %get3A_337 = arith.index_cast %add3A_330 : i32 to index
        %get3A_338 = tpu.vector_load %arg8[%get3A_337] {strides = array<i32>} : memref<10000xi32, #tpu.memory_space<vmem>>, vector<16xi32>,
        %swap3A_339 = arith.constant 48 : index
        %swap3A_340 = tpu.vector_load %arg12[%swap3A_339] {strides = array<i32>} : memref<80xi32, #tpu.memory_space<vmem>>, vector<16xi32>,
        %swap3A_341 = vector.shape_cast %swap3A_340 : vector<16xi32> to vector<16xi32>
        %swap3A_342 = vector.shape_cast %get3A_338 : vector<16xi32> to vector<16xi32>
        tpu.vector_store %arg12[%swap3A_339], %swap3A_342 {strides = array<i32>} : memref<80xi32, #tpu.memory_space<vmem>>, vector<16xi32>,
        %mul3A_343 = arith.constant 80 : i32
        %mul3A_344 = arith.muli %add3A_270, %mul3A_343 : i32
        %add3A_345 = arith.constant 64 : i32
        %add3A_346 = arith.addi %mul3A_344, %add3A_345 : i32
        %get3A_347 = arith.index_cast %add3A_346 : i32 to index
        %get3A_348 = tpu.vector_load %arg7[%get3A_347] {strides = array<i32>} : memref<10000xi32, #tpu.memory_space<vmem>>, vector<16xi32>,
        %swap3A_349 = arith.constant 64 : index
        %swap3A_350 = tpu.vector_load %arg10[%swap3A_349] {strides = array<i32>} : memref<80xi32, #tpu.memory_space<vmem>>, vector<16xi32>,
        %swap3A_351 = vector.shape_cast %swap3A_350 : vector<16xi32> to vector<16xi32>
        %swap3A_352 = vector.shape_cast %get3A_348 : vector<16xi32> to vector<16xi32>
        tpu.vector_store %arg10[%swap3A_349], %swap3A_352 {strides = array<i32>} : memref<80xi32, #tpu.memory_space<vmem>>, vector<16xi32>,
        %get3A_353 = arith.index_cast %add3A_346 : i32 to index
        %get3A_354 = tpu.vector_load %arg8[%get3A_353] {strides = array<i32>} : memref<10000xi32, #tpu.memory_space<vmem>>, vector<16xi32>,
        %swap3A_355 = arith.constant 64 : index
        %swap3A_356 = tpu.vector_load %arg12[%swap3A_355] {strides = array<i32>} : memref<80xi32, #tpu.memory_space<vmem>>, vector<16xi32>,
        %swap3A_357 = vector.shape_cast %swap3A_356 : vector<16xi32> to vector<16xi32>
        %swap3A_358 = vector.shape_cast %get3A_354 : vector<16xi32> to vector<16xi32>
        tpu.vector_store %arg12[%swap3A_355], %swap3A_358 {strides = array<i32>} : memref<80xi32, #tpu.memory_space<vmem>>, vector<16xi32>,
        %dma_start3A_359 = arith.constant 0 : i32
        %dma_start3A_360 = arith.constant 0 : i32
        %dma_start3A_361 = tpu.memref_slice %arg2[%dma_start3A_359, %dma_start3A_360] : memref<10000x128xf32, #tpu.memory_space<hbm>> -> memref<10000x128xf32, #tpu.memory_space<hbm>>
        tpu.enqueue_indirect_dma source(%dma_start3A_361 : memref<10000x128xf32, #tpu.memory_space<hbm>>) target(%arg14 : memref<80x128xf32, #tpu.memory_space<vmem>>) offsets(%arg10 : memref<80xi32, #tpu.memory_space<vmem>>) semaphore(%arg16 : memref<!tpu.dma_semaphore, #tpu.memory_space<semaphore_mem>>)
      } else {
      }
    }
    %scan3A_223 = arith.constant 63 : i32
    %dma_wait3A_224 = arith.constant 0 : i32
    %dma_wait3A_225 = arith.constant 0 : i32
    %dma_wait3A_226 = tpu.memref_slice %arg19[%dma_wait3A_224, %dma_wait3A_225] : memref<10240x128xf32, #tpu.memory_space<vmem_shared>> -> memref<10240x128xf32, #tpu.memory_space<vmem_shared>>
    tpu.wait_indirect_dma semaphore(%arg17 : memref<!tpu.dma_semaphore, #tpu.memory_space<semaphore_mem>>) src(%arg13 : memref<80x128xf32, #tpu.memory_space<vmem>>) dst(%dma_wait3A_226 : memref<10240x128xf32, #tpu.memory_space<vmem_shared>>)
    %dma_wait3A_227 = arith.constant 0 : i32
    %dma_wait3A_228 = arith.constant 0 : i32
    %dma_wait3A_229 = tpu.memref_slice %arg19[%dma_wait3A_227, %dma_wait3A_228] : memref<10240x128xf32, #tpu.memory_space<vmem_shared>> -> memref<10240x128xf32, #tpu.memory_space<vmem_shared>>
    tpu.wait_indirect_dma semaphore(%arg18 : memref<!tpu.dma_semaphore, #tpu.memory_space<semaphore_mem>>) src(%arg14 : memref<80x128xf32, #tpu.memory_space<vmem>>) dst(%dma_wait3A_229 : memref<10240x128xf32, #tpu.memory_space<vmem_shared>>)
    %barrier3A_230 = arith.constant 0 : index
    tpu.barrier barrier_id(%barrier3A_230)
    %mul3A_231 = arith.constant 640 : i32
    %mul3A_232 = arith.muli %arg1, %mul3A_231 : i32
    %mul3A_233 = arith.constant 10240 : i32
    %mul3A_234 = arith.muli %arg0, %mul3A_233 : i32
    %mul3A_235 = arith.constant 640 : i32
    %mul3A_236 = arith.muli %arg1, %mul3A_235 : i32
    %add3A_237 = arith.addi %mul3A_234, %mul3A_236 : i32
    "tpu.region"() ({
      %run_scoped3A = tpu.sem_alloc : memref<!tpu.dma_semaphore, #tpu.memory_space<semaphore_mem>>
      %dma_start3A_238 = arith.constant 0 : i32
      %dma_start3A_239 = tpu.memref_slice %arg6[%add3A_237, %dma_start3A_238] : memref<20480x128xf32, #tpu.memory_space<hbm>> -> memref<640x128xf32, #tpu.memory_space<hbm>>
      %dma_start3A_240 = arith.constant 0 : i32
      %dma_start3A_241 = tpu.memref_slice %arg19[%mul3A_232, %dma_start3A_240] : memref<10240x128xf32, #tpu.memory_space<vmem_shared>> -> memref<640x128xf32, #tpu.memory_space<vmem_shared>>
      tpu.enqueue_dma source(%dma_start3A_241 : memref<640x128xf32, #tpu.memory_space<vmem_shared>>) target(%dma_start3A_239 : memref<640x128xf32, #tpu.memory_space<hbm>>) target_semaphore(%run_scoped3A : memref<!tpu.dma_semaphore, #tpu.memory_space<semaphore_mem>>)
      %dma_wait3A_242 = arith.constant 0 : i32
      %dma_wait3A_243 = tpu.memref_slice %arg6[%add3A_237, %dma_wait3A_242] : memref<20480x128xf32, #tpu.memory_space<hbm>> -> memref<640x128xf32, #tpu.memory_space<hbm>>
      %dma_wait3A_244 = arith.constant 0 : i32
      %dma_wait3A_245 = tpu.memref_slice %arg19[%mul3A_232, %dma_wait3A_244] : memref<10240x128xf32, #tpu.memory_space<vmem_shared>> -> memref<640x128xf32, #tpu.memory_space<vmem_shared>>
      tpu.wait_dma2 semaphore(%run_scoped3A : memref<!tpu.dma_semaphore, #tpu.memory_space<semaphore_mem>>) src(%dma_wait3A_245 : memref<640x128xf32, #tpu.memory_space<vmem_shared>>) dst(%dma_wait3A_243 : memref<640x128xf32, #tpu.memory_space<hbm>>)
      tpu.yield
    }) : () -> ()
    return
  }
}

#map = affine_map<(d0, d1) -> (0)>
#map1 = affine_map<(d0, d1) -> (0, 0, 0, 0)>
module attributes {stable_mosaic.version = 14 : i64} {
  func.func @_deg_body(%arg0: i32, %arg1: i32, %arg2: memref<320000xi32, #tpu.memory_space<hbm>>, %arg3: memref<320000xi32, #tpu.memory_space<hbm>>, %arg4: memref<10240xf32, #tpu.memory_space<hbm>>, %arg5: memref<2x32x1x10240xf32, #tpu.memory_space<hbm>>, %arg6: memref<10000xi32, #tpu.memory_space<vmem>>, %arg7: memref<10000xi32, #tpu.memory_space<vmem>>, %arg8: memref<10240xf32, #tpu.memory_space<vmem>>, %arg9: memref<10240xf32, #tpu.memory_space<vmem>>, %arg10: memref<!tpu.dma_semaphore, #tpu.memory_space<semaphore_mem>>, %arg11: memref<!tpu.dma_semaphore, #tpu.memory_space<semaphore_mem>>) attributes {dimension_semantics = [#tpu.dimension_semantics<core_parallel>, #tpu.dimension_semantics<subcore_parallel>], iteration_bounds = array<i64: 2, 16>, scalar_prefetch = 0 : i64, scratch_operands = 6 : i64, tpu.core_type = #tpu.core_type<sc_vector_subcore>, window_params = [{transform_indices = #map}, {transform_indices = #map}, {transform_indices = #map}, {transform_indices = #map1}]} {
    %mul3A = arith.constant 16 : i32
    %mul3A_0 = arith.muli %arg0, %mul3A : i32
    %add3A = arith.addi %mul3A_0, %arg1 : i32
    %mul3A_1 = arith.constant 10000 : i32
    %mul3A_2 = arith.muli %add3A, %mul3A_1 : i32
    %dma_start3A = tpu.memref_slice %arg2[%mul3A_2] : memref<320000xi32, #tpu.memory_space<hbm>> -> memref<10000xi32, #tpu.memory_space<hbm>>
    %dma_start3A_3 = tpu.memref_slice %arg2[%mul3A_2] : memref<320000xi32, #tpu.memory_space<hbm>> -> memref<10000xi32, #tpu.memory_space<hbm>>
    tpu.enqueue_dma source(%dma_start3A_3 : memref<10000xi32, #tpu.memory_space<hbm>>) target(%arg6 : memref<10000xi32, #tpu.memory_space<vmem>>) target_semaphore(%arg10 : memref<!tpu.dma_semaphore, #tpu.memory_space<semaphore_mem>>)
    %mul3A_4 = arith.constant 10000 : i32
    %mul3A_5 = arith.muli %add3A, %mul3A_4 : i32
    %dma_start3A_6 = tpu.memref_slice %arg3[%mul3A_5] : memref<320000xi32, #tpu.memory_space<hbm>> -> memref<10000xi32, #tpu.memory_space<hbm>>
    %dma_start3A_7 = tpu.memref_slice %arg3[%mul3A_5] : memref<320000xi32, #tpu.memory_space<hbm>> -> memref<10000xi32, #tpu.memory_space<hbm>>
    tpu.enqueue_dma source(%dma_start3A_7 : memref<10000xi32, #tpu.memory_space<hbm>>) target(%arg7 : memref<10000xi32, #tpu.memory_space<vmem>>) target_semaphore(%arg11 : memref<!tpu.dma_semaphore, #tpu.memory_space<semaphore_mem>>)
    "tpu.region"() ({
      %run_scoped3A_33 = tpu.sem_alloc : memref<!tpu.dma_semaphore, #tpu.memory_space<semaphore_mem>>
      tpu.enqueue_dma source(%arg4 : memref<10240xf32, #tpu.memory_space<hbm>>) target(%arg8 : memref<10240xf32, #tpu.memory_space<vmem>>) target_semaphore(%run_scoped3A_33 : memref<!tpu.dma_semaphore, #tpu.memory_space<semaphore_mem>>)
      tpu.wait_dma2 semaphore(%run_scoped3A_33 : memref<!tpu.dma_semaphore, #tpu.memory_space<semaphore_mem>>) src(%arg4 : memref<10240xf32, #tpu.memory_space<hbm>>) dst(%arg8 : memref<10240xf32, #tpu.memory_space<vmem>>)
      tpu.yield
    }) : () -> ()
    "tpu.region"() ({
      %run_scoped3A_33 = tpu.sem_alloc : memref<!tpu.dma_semaphore, #tpu.memory_space<semaphore_mem>>
      tpu.enqueue_dma source(%arg4 : memref<10240xf32, #tpu.memory_space<hbm>>) target(%arg9 : memref<10240xf32, #tpu.memory_space<vmem>>) target_semaphore(%run_scoped3A_33 : memref<!tpu.dma_semaphore, #tpu.memory_space<semaphore_mem>>)
      tpu.wait_dma2 semaphore(%run_scoped3A_33 : memref<!tpu.dma_semaphore, #tpu.memory_space<semaphore_mem>>) src(%arg4 : memref<10240xf32, #tpu.memory_space<hbm>>) dst(%arg9 : memref<10240xf32, #tpu.memory_space<vmem>>)
      tpu.yield
    }) : () -> ()
    %mul3A_8 = arith.constant 10000 : i32
    %mul3A_9 = arith.muli %add3A, %mul3A_8 : i32
    %dma_wait3A = tpu.memref_slice %arg2[%mul3A_9] : memref<320000xi32, #tpu.memory_space<hbm>> -> memref<10000xi32, #tpu.memory_space<hbm>>
    %dma_wait3A_10 = tpu.memref_slice %arg2[%mul3A_9] : memref<320000xi32, #tpu.memory_space<hbm>> -> memref<10000xi32, #tpu.memory_space<hbm>>
    tpu.wait_dma2 semaphore(%arg10 : memref<!tpu.dma_semaphore, #tpu.memory_space<semaphore_mem>>) src(%dma_wait3A_10 : memref<10000xi32, #tpu.memory_space<hbm>>) dst(%arg6 : memref<10000xi32, #tpu.memory_space<vmem>>)
    %mul3A_11 = arith.constant 10000 : i32
    %mul3A_12 = arith.muli %add3A, %mul3A_11 : i32
    %dma_wait3A_13 = tpu.memref_slice %arg3[%mul3A_12] : memref<320000xi32, #tpu.memory_space<hbm>> -> memref<10000xi32, #tpu.memory_space<hbm>>
    %dma_wait3A_14 = tpu.memref_slice %arg3[%mul3A_12] : memref<320000xi32, #tpu.memory_space<hbm>> -> memref<10000xi32, #tpu.memory_space<hbm>>
    tpu.wait_dma2 semaphore(%arg11 : memref<!tpu.dma_semaphore, #tpu.memory_space<semaphore_mem>>) src(%dma_wait3A_14 : memref<10000xi32, #tpu.memory_space<hbm>>) dst(%arg7 : memref<10000xi32, #tpu.memory_space<vmem>>)
    %scan3A = arith.constant 0 : i32
    %scan3A_15 = arith.constant 0 : i32
    %scan3A_16 = arith.constant 312 : i32
    %scan3A_17 = arith.addi %scan3A_15, %scan3A_16 : i32
    %scan3A_18 = arith.constant 1 : i32
    scf.for %scan3A_33 = %scan3A_15 to %scan3A_17 step %scan3A_18  : i32 {
      %mul3A_34 = arith.constant 2 : i32
      %mul3A_35 = arith.muli %mul3A_34, %scan3A_33 : i32
      %mul3A_36 = arith.constant 16 : i32
      %mul3A_37 = arith.muli %mul3A_35, %mul3A_36 : i32
      %get3A_38 = arith.index_cast %mul3A_37 : i32 to index
      %get3A_39 = tpu.vector_load %arg6[%get3A_38] {strides = array<i32>} : memref<10000xi32, #tpu.memory_space<vmem>>, vector<16xi32>,
      %broadcast_in_dim3A_40 = arith.constant true
      %broadcast_in_dim3A_41 = vector.broadcast %broadcast_in_dim3A_40 : i1 to vector<16xi1>
      %unique3A_42, %unique3A_43 = tpu.scan_count mask(%broadcast_in_dim3A_41 : vector<16xi1>) value(%get3A_39 : vector<16xi32>) : vector<16xi1>, vector<16xi32>
      %convert_element_type3A_44 = arith.sitofp %unique3A_43 : vector<16xi32> to vector<16xf32>
      tpu.vector_store_idx %arg8[%get3A_39], %convert_element_type3A_44 masked %unique3A_42 {add = true} : memref<10240xf32, #tpu.memory_space<vmem>>[vector<16xi32>], vector<16xf32>, vector<16xi1>
      %get3A_45 = arith.index_cast %mul3A_37 : i32 to index
      %get3A_46 = tpu.vector_load %arg7[%get3A_45] {strides = array<i32>} : memref<10000xi32, #tpu.memory_space<vmem>>, vector<16xi32>,
      %broadcast_in_dim3A_47 = arith.constant true
      %broadcast_in_dim3A_48 = vector.broadcast %broadcast_in_dim3A_47 : i1 to vector<16xi1>
      %unique3A_49, %unique3A_50 = tpu.scan_count mask(%broadcast_in_dim3A_48 : vector<16xi1>) value(%get3A_46 : vector<16xi32>) : vector<16xi1>, vector<16xi32>
      %convert_element_type3A_51 = arith.sitofp %unique3A_50 : vector<16xi32> to vector<16xf32>
      tpu.vector_store_idx %arg9[%get3A_46], %convert_element_type3A_51 masked %unique3A_49 {add = true} : memref<10240xf32, #tpu.memory_space<vmem>>[vector<16xi32>], vector<16xf32>, vector<16xi1>
      %mul3A_52 = arith.constant 2 : i32
      %mul3A_53 = arith.muli %mul3A_52, %scan3A_33 : i32
      %add3A_54 = arith.constant 1 : i32
      %add3A_55 = arith.addi %mul3A_53, %add3A_54 : i32
      %mul3A_56 = arith.constant 16 : i32
      %mul3A_57 = arith.muli %add3A_55, %mul3A_56 : i32
      %get3A_58 = arith.index_cast %mul3A_57 : i32 to index
      %get3A_59 = tpu.vector_load %arg6[%get3A_58] {strides = array<i32>} : memref<10000xi32, #tpu.memory_space<vmem>>, vector<16xi32>,
      %broadcast_in_dim3A_60 = arith.constant true
      %broadcast_in_dim3A_61 = vector.broadcast %broadcast_in_dim3A_60 : i1 to vector<16xi1>
      %unique3A_62, %unique3A_63 = tpu.scan_count mask(%broadcast_in_dim3A_61 : vector<16xi1>) value(%get3A_59 : vector<16xi32>) : vector<16xi1>, vector<16xi32>
      %convert_element_type3A_64 = arith.sitofp %unique3A_63 : vector<16xi32> to vector<16xf32>
      tpu.vector_store_idx %arg8[%get3A_59], %convert_element_type3A_64 masked %unique3A_62 {add = true} : memref<10240xf32, #tpu.memory_space<vmem>>[vector<16xi32>], vector<16xf32>, vector<16xi1>
      %get3A_65 = arith.index_cast %mul3A_57 : i32 to index
      %get3A_66 = tpu.vector_load %arg7[%get3A_65] {strides = array<i32>} : memref<10000xi32, #tpu.memory_space<vmem>>, vector<16xi32>,
      %broadcast_in_dim3A_67 = arith.constant true
      %broadcast_in_dim3A_68 = vector.broadcast %broadcast_in_dim3A_67 : i1 to vector<16xi1>
      %unique3A_69, %unique3A_70 = tpu.scan_count mask(%broadcast_in_dim3A_68 : vector<16xi1>) value(%get3A_66 : vector<16xi32>) : vector<16xi1>, vector<16xi32>
      %convert_element_type3A_71 = arith.sitofp %unique3A_70 : vector<16xi32> to vector<16xf32>
      tpu.vector_store_idx %arg9[%get3A_66], %convert_element_type3A_71 masked %unique3A_69 {add = true} : memref<10240xf32, #tpu.memory_space<vmem>>[vector<16xi32>], vector<16xf32>, vector<16xi1>
    }
    %scan3A_19 = arith.constant 312 : i32
    %get3A = arith.constant 9984 : index
    %get3A_20 = tpu.vector_load %arg6[%get3A] {strides = array<i32>} : memref<10000xi32, #tpu.memory_space<vmem>>, vector<16xi32>,
    %broadcast_in_dim3A = arith.constant true
    %broadcast_in_dim3A_21 = vector.broadcast %broadcast_in_dim3A : i1 to vector<16xi1>
    %unique3A, %unique3A_22 = tpu.scan_count mask(%broadcast_in_dim3A_21 : vector<16xi1>) value(%get3A_20 : vector<16xi32>) : vector<16xi1>, vector<16xi32>
    %convert_element_type3A = arith.sitofp %unique3A_22 : vector<16xi32> to vector<16xf32>
    tpu.vector_store_idx %arg8[%get3A_20], %convert_element_type3A masked %unique3A {add = true} : memref<10240xf32, #tpu.memory_space<vmem>>[vector<16xi32>], vector<16xf32>, vector<16xi1>
    %get3A_23 = arith.constant 9984 : index
    %get3A_24 = tpu.vector_load %arg7[%get3A_23] {strides = array<i32>} : memref<10000xi32, #tpu.memory_space<vmem>>, vector<16xi32>,
    %broadcast_in_dim3A_25 = arith.constant true
    %broadcast_in_dim3A_26 = vector.broadcast %broadcast_in_dim3A_25 : i1 to vector<16xi1>
    %unique3A_27, %unique3A_28 = tpu.scan_count mask(%broadcast_in_dim3A_26 : vector<16xi1>) value(%get3A_24 : vector<16xi32>) : vector<16xi1>, vector<16xi32>
    %convert_element_type3A_29 = arith.sitofp %unique3A_28 : vector<16xi32> to vector<16xf32>
    tpu.vector_store_idx %arg9[%get3A_24], %convert_element_type3A_29 masked %unique3A_27 {add = true} : memref<10240xf32, #tpu.memory_space<vmem>>[vector<16xi32>], vector<16xf32>, vector<16xi1>
    %run_scoped3A = arith.constant 0 : i32
    %run_scoped3A_30 = arith.constant 0 : i32
    "tpu.region"() ({
      %run_scoped3A_33 = tpu.sem_alloc : memref<!tpu.dma_semaphore, #tpu.memory_space<semaphore_mem>>
      %dma_start3A_34 = arith.constant 0 : i32
      %dma_start3A_35 = tpu.memref_slice %arg5[%run_scoped3A, %add3A, %run_scoped3A_30, %dma_start3A_34] : memref<2x32x1x10240xf32, #tpu.memory_space<hbm>> -> memref<1x1x1x10240xf32, #tpu.memory_space<hbm>>
      %dma_start3A_36 = tpu.memref_squeeze %dma_start3A_35 : memref<1x1x1x10240xf32, #tpu.memory_space<hbm>> -> memref<10240xf32, #tpu.memory_space<hbm>>
      %dma_start3A_37 = arith.constant 0 : i32
      %dma_start3A_38 = tpu.memref_slice %arg5[%run_scoped3A, %add3A, %run_scoped3A_30, %dma_start3A_37] : memref<2x32x1x10240xf32, #tpu.memory_space<hbm>> -> memref<1x1x1x10240xf32, #tpu.memory_space<hbm>>
      %dma_start3A_39 = tpu.memref_squeeze %dma_start3A_38 : memref<1x1x1x10240xf32, #tpu.memory_space<hbm>> -> memref<10240xf32, #tpu.memory_space<hbm>>
      tpu.enqueue_dma source(%arg8 : memref<10240xf32, #tpu.memory_space<vmem>>) target(%dma_start3A_39 : memref<10240xf32, #tpu.memory_space<hbm>>) target_semaphore(%run_scoped3A_33 : memref<!tpu.dma_semaphore, #tpu.memory_space<semaphore_mem>>)
      %dma_wait3A_40 = arith.constant 0 : i32
      %dma_wait3A_41 = tpu.memref_slice %arg5[%run_scoped3A, %add3A, %run_scoped3A_30, %dma_wait3A_40] : memref<2x32x1x10240xf32, #tpu.memory_space<hbm>> -> memref<1x1x1x10240xf32, #tpu.memory_space<hbm>>
      %dma_wait3A_42 = tpu.memref_squeeze %dma_wait3A_41 : memref<1x1x1x10240xf32, #tpu.memory_space<hbm>> -> memref<10240xf32, #tpu.memory_space<hbm>>
      %dma_wait3A_43 = arith.constant 0 : i32
      %dma_wait3A_44 = tpu.memref_slice %arg5[%run_scoped3A, %add3A, %run_scoped3A_30, %dma_wait3A_43] : memref<2x32x1x10240xf32, #tpu.memory_space<hbm>> -> memref<1x1x1x10240xf32, #tpu.memory_space<hbm>>
      %dma_wait3A_45 = tpu.memref_squeeze %dma_wait3A_44 : memref<1x1x1x10240xf32, #tpu.memory_space<hbm>> -> memref<10240xf32, #tpu.memory_space<hbm>>
      tpu.wait_dma2 semaphore(%run_scoped3A_33 : memref<!tpu.dma_semaphore, #tpu.memory_space<semaphore_mem>>) src(%arg8 : memref<10240xf32, #tpu.memory_space<vmem>>) dst(%dma_wait3A_45 : memref<10240xf32, #tpu.memory_space<hbm>>)
      tpu.yield
    }) : () -> ()
    %run_scoped3A_31 = arith.constant 1 : i32
    %run_scoped3A_32 = arith.constant 0 : i32
    "tpu.region"() ({
      %run_scoped3A_33 = tpu.sem_alloc : memref<!tpu.dma_semaphore, #tpu.memory_space<semaphore_mem>>
      %dma_start3A_34 = arith.constant 0 : i32
      %dma_start3A_35 = tpu.memref_slice %arg5[%run_scoped3A_31, %add3A, %run_scoped3A_32, %dma_start3A_34] : memref<2x32x1x10240xf32, #tpu.memory_space<hbm>> -> memref<1x1x1x10240xf32, #tpu.memory_space<hbm>>
      %dma_start3A_36 = tpu.memref_squeeze %dma_start3A_35 : memref<1x1x1x10240xf32, #tpu.memory_space<hbm>> -> memref<10240xf32, #tpu.memory_space<hbm>>
      %dma_start3A_37 = arith.constant 0 : i32
      %dma_start3A_38 = tpu.memref_slice %arg5[%run_scoped3A_31, %add3A, %run_scoped3A_32, %dma_start3A_37] : memref<2x32x1x10240xf32, #tpu.memory_space<hbm>> -> memref<1x1x1x10240xf32, #tpu.memory_space<hbm>>
      %dma_start3A_39 = tpu.memref_squeeze %dma_start3A_38 : memref<1x1x1x10240xf32, #tpu.memory_space<hbm>> -> memref<10240xf32, #tpu.memory_space<hbm>>
      tpu.enqueue_dma source(%arg9 : memref<10240xf32, #tpu.memory_space<vmem>>) target(%dma_start3A_39 : memref<10240xf32, #tpu.memory_space<hbm>>) target_semaphore(%run_scoped3A_33 : memref<!tpu.dma_semaphore, #tpu.memory_space<semaphore_mem>>)
      %dma_wait3A_40 = arith.constant 0 : i32
      %dma_wait3A_41 = tpu.memref_slice %arg5[%run_scoped3A_31, %add3A, %run_scoped3A_32, %dma_wait3A_40] : memref<2x32x1x10240xf32, #tpu.memory_space<hbm>> -> memref<1x1x1x10240xf32, #tpu.memory_space<hbm>>
      %dma_wait3A_42 = tpu.memref_squeeze %dma_wait3A_41 : memref<1x1x1x10240xf32, #tpu.memory_space<hbm>> -> memref<10240xf32, #tpu.memory_space<hbm>>
      %dma_wait3A_43 = arith.constant 0 : i32
      %dma_wait3A_44 = tpu.memref_slice %arg5[%run_scoped3A_31, %add3A, %run_scoped3A_32, %dma_wait3A_43] : memref<2x32x1x10240xf32, #tpu.memory_space<hbm>> -> memref<1x1x1x10240xf32, #tpu.memory_space<hbm>>
      %dma_wait3A_45 = tpu.memref_squeeze %dma_wait3A_44 : memref<1x1x1x10240xf32, #tpu.memory_space<hbm>> -> memref<10240xf32, #tpu.memory_space<hbm>>
      tpu.wait_dma2 semaphore(%run_scoped3A_33 : memref<!tpu.dma_semaphore, #tpu.memory_space<semaphore_mem>>) src(%arg9 : memref<10240xf32, #tpu.memory_space<vmem>>) dst(%dma_wait3A_45 : memref<10240xf32, #tpu.memory_space<hbm>>)
      tpu.yield
    }) : () -> ()
    return
  }
}

module attributes {stable_mosaic.version = 14 : i64} {
  func.func @_prep_body(%arg0: i32, %arg1: memref<2048x128xf32, #tpu.memory_space<vmem>>, %arg2: memref<64x2048xf32, #tpu.memory_space<vmem>>, %arg3: memref<2048x128xf32, #tpu.memory_space<vmem>>, %arg4: memref<2048x1xf32, #tpu.memory_space<vmem>>, %arg5: memref<2048x1xf32, #tpu.memory_space<vmem>>) attributes {dimension_semantics = [#tpu.dimension_semantics<arbitrary>], iteration_bounds = array<i64: 5>, scalar_prefetch = 0 : i64, scratch_operands = 0 : i64, tpu.core_type = #tpu.core_type<tc>, window_params = [{transform_indices = @transform_0, window_bounds = array<i64: 2048, 128>}, {transform_indices = @transform_1, window_bounds = array<i64: 64, 2048>}, {transform_indices = @transform_2, window_bounds = array<i64: 2048, 128>}, {transform_indices = @transform_3, window_bounds = array<i64: 2048, 1>}, {transform_indices = @transform_4, window_bounds = array<i64: 2048, 1>}]} {
    %get3A = arith.constant 0 : index
    %get3A_0 = arith.constant 0 : index
    %get3A_1 = vector.load %arg2[%get3A, %get3A_0] : memref<64x2048xf32, #tpu.memory_space<vmem>>, vector<64x2048xf32>
    %slice3A = vector.extract_strided_slice %get3A_1 {offsets = [0, 0], sizes = [32, 2048], strides = [1, 1]} : vector<64x2048xf32> to vector<32x2048xf32>
    %reduce_sum3A = arith.constant dense<0.000000e+00> : vector<2048xf32>
    %reduce_sum3A_2 = vector.multi_reduction <add>, %slice3A, %reduce_sum3A [0] : vector<32x2048xf32> to vector<2048xf32>
    %gt3A = arith.constant 0.000000e+00 : f32
    %gt3A_3 = vector.broadcast %gt3A : f32 to vector<2048xf32>
    %gt3A_4 = arith.cmpf ogt, %reduce_sum3A_2, %gt3A_3 : vector<2048xf32>
    %rsqrt3A = math.rsqrt %reduce_sum3A_2 : vector<2048xf32>
    %jit3A = arith.constant 0.000000e+00 : f32
    %broadcast_in_dim3A = vector.broadcast %jit3A : f32 to vector<2048xf32>
    %select_n3A = arith.select %gt3A_4, %rsqrt3A, %broadcast_in_dim3A : vector<2048xi1>, vector<2048xf32>
    %broadcast_in_dim3A_5 = vector.shape_cast %select_n3A : vector<2048xf32> to vector<2048x1xf32>
    %slice3A_6 = vector.extract_strided_slice %get3A_1 {offsets = [32, 0], sizes = [32, 2048], strides = [1, 1]} : vector<64x2048xf32> to vector<32x2048xf32>
    %reduce_sum3A_7 = arith.constant dense<0.000000e+00> : vector<2048xf32>
    %reduce_sum3A_8 = vector.multi_reduction <add>, %slice3A_6, %reduce_sum3A_7 [0] : vector<32x2048xf32> to vector<2048xf32>
    %gt3A_9 = arith.constant 0.000000e+00 : f32
    %gt3A_10 = vector.broadcast %gt3A_9 : f32 to vector<2048xf32>
    %gt3A_11 = arith.cmpf ogt, %reduce_sum3A_8, %gt3A_10 : vector<2048xf32>
    %rsqrt3A_12 = math.rsqrt %reduce_sum3A_8 : vector<2048xf32>
    %jit3A_13 = arith.constant 0.000000e+00 : f32
    %broadcast_in_dim3A_14 = vector.broadcast %jit3A_13 : f32 to vector<2048xf32>
    %select_n3A_15 = arith.select %gt3A_11, %rsqrt3A_12, %broadcast_in_dim3A_14 : vector<2048xi1>, vector<2048xf32>
    %broadcast_in_dim3A_16 = vector.shape_cast %select_n3A_15 : vector<2048xf32> to vector<2048x1xf32>
    %swap3A = arith.constant 0 : index
    %swap3A_17 = arith.constant 0 : index
    %swap3A_18 = vector.load %arg4[%swap3A, %swap3A_17] : memref<2048x1xf32, #tpu.memory_space<vmem>>, vector<2048x1xf32>
    tpu.vector_store %arg4[%swap3A, %swap3A_17], %broadcast_in_dim3A_5 {strides = array<i32>} : memref<2048x1xf32, #tpu.memory_space<vmem>>, vector<2048x1xf32>,
    %swap3A_19 = arith.constant 0 : index
    %swap3A_20 = arith.constant 0 : index
    %swap3A_21 = vector.load %arg5[%swap3A_19, %swap3A_20] : memref<2048x1xf32, #tpu.memory_space<vmem>>, vector<2048x1xf32>
    tpu.vector_store %arg5[%swap3A_19, %swap3A_20], %broadcast_in_dim3A_16 {strides = array<i32>} : memref<2048x1xf32, #tpu.memory_space<vmem>>, vector<2048x1xf32>,
    %get3A_22 = arith.constant 0 : index
    %get3A_23 = arith.constant 0 : index
    %get3A_24 = vector.load %arg1[%get3A_22, %get3A_23] : memref<2048x128xf32, #tpu.memory_space<vmem>>, vector<2048x128xf32>
    %mul3A = vector.broadcast %broadcast_in_dim3A_5 : vector<2048x1xf32> to vector<2048x128xf32>
    %mul3A_25 = arith.mulf %get3A_24, %mul3A : vector<2048x128xf32>
    %swap3A_26 = arith.constant 0 : index
    %swap3A_27 = arith.constant 0 : index
    %swap3A_28 = vector.load %arg3[%swap3A_26, %swap3A_27] : memref<2048x128xf32, #tpu.memory_space<vmem>>, vector<2048x128xf32>
    tpu.vector_store %arg3[%swap3A_26, %swap3A_27], %mul3A_25 {strides = array<i32>} : memref<2048x128xf32, #tpu.memory_space<vmem>>, vector<2048x128xf32>,
    return
  }
  func.func @transform_0(%arg0: i32) -> (i32, i32) {
    %c0_i32 = arith.constant 0 : i32
    %c0_i32_0 = arith.constant 0 : i32
    return %arg0, %c0_i32 : i32, i32
  }
  func.func @transform_1(%arg0: i32) -> (i32, i32) {
    %c0_i32 = arith.constant 0 : i32
    %c0_i32_0 = arith.constant 0 : i32
    return %c0_i32, %arg0 : i32, i32
  }
  func.func @transform_2(%arg0: i32) -> (i32, i32) {
    %c0_i32 = arith.constant 0 : i32
    %c0_i32_0 = arith.constant 0 : i32
    return %arg0, %c0_i32 : i32, i32
  }
  func.func @transform_3(%arg0: i32) -> (i32, i32) {
    %c0_i32 = arith.constant 0 : i32
    %c0_i32_0 = arith.constant 0 : i32
    return %arg0, %c0_i32 : i32, i32
  }
  func.func @transform_4(%arg0: i32) -> (i32, i32) {
    %c0_i32 = arith.constant 0 : i32
    %c0_i32_0 = arith.constant 0 : i32
    return %arg0, %c0_i32 : i32, i32
  }
}

module attributes {stable_mosaic.version = 14 : i64} {
  func.func @_mid_body(%arg0: i32, %arg1: memref<2x2048x128xf32, #tpu.memory_space<vmem>>, %arg2: memref<2048x1xf32, #tpu.memory_space<vmem>>, %arg3: memref<2048x1xf32, #tpu.memory_space<vmem>>, %arg4: memref<128x256xf32, #tpu.memory_space<vmem>>, %arg5: memref<1x256xf32, #tpu.memory_space<vmem>>, %arg6: memref<256x128xf32, #tpu.memory_space<vmem>>, %arg7: memref<2048x128xf32, #tpu.memory_space<vmem>>) attributes {dimension_semantics = [#tpu.dimension_semantics<arbitrary>], iteration_bounds = array<i64: 5>, scalar_prefetch = 0 : i64, scratch_operands = 0 : i64, tpu.core_type = #tpu.core_type<tc>, window_params = [{transform_indices = @transform_0, window_bounds = array<i64: 2, 2048, 128>}, {transform_indices = @transform_1, window_bounds = array<i64: 2048, 1>}, {transform_indices = @transform_2, window_bounds = array<i64: 2048, 1>}, {pipeline_mode = #tpu.pipeline_mode<synchronous>, transform_indices = @transform_3, window_bounds = array<i64: 128, 256>}, {pipeline_mode = #tpu.pipeline_mode<synchronous>, transform_indices = @transform_4, window_bounds = array<i64: 1, 256>}, {pipeline_mode = #tpu.pipeline_mode<synchronous>, transform_indices = @transform_5, window_bounds = array<i64: 256, 128>}, {transform_indices = @transform_6, window_bounds = array<i64: 2048, 128>}]} {
    %get3A = arith.constant 0 : index
    %get3A_0 = arith.constant 0 : index
    %get3A_1 = arith.constant 0 : index
    %get3A_2 = vector.load %arg1[%get3A, %get3A_0, %get3A_1] : memref<2x2048x128xf32, #tpu.memory_space<vmem>>, vector<1x2048x128xf32>
    %get3A_3 = vector.shape_cast %get3A_2 : vector<1x2048x128xf32> to vector<2048x128xf32>
    %get3A_4 = arith.constant 1 : index
    %get3A_5 = arith.constant 0 : index
    %get3A_6 = arith.constant 0 : index
    %get3A_7 = vector.load %arg1[%get3A_4, %get3A_5, %get3A_6] : memref<2x2048x128xf32, #tpu.memory_space<vmem>>, vector<1x2048x128xf32>
    %get3A_8 = vector.shape_cast %get3A_7 : vector<1x2048x128xf32> to vector<2048x128xf32>
    %add3A = arith.addf %get3A_3, %get3A_8 : vector<2048x128xf32>
    %get3A_9 = arith.constant 0 : index
    %get3A_10 = arith.constant 0 : index
    %get3A_11 = vector.load %arg3[%get3A_9, %get3A_10] : memref<2048x1xf32, #tpu.memory_space<vmem>>, vector<2048x1xf32>
    %mul3A = vector.broadcast %get3A_11 : vector<2048x1xf32> to vector<2048x128xf32>
    %mul3A_12 = arith.mulf %add3A, %mul3A : vector<2048x128xf32>
    %get3A_13 = arith.constant 0 : index
    %get3A_14 = arith.constant 0 : index
    %get3A_15 = vector.load %arg4[%get3A_13, %get3A_14] : memref<128x256xf32, #tpu.memory_space<vmem>>, vector<128x256xf32>
    %dot_general3A = arith.constant dense<0.000000e+00> : vector<2048x256xf32>
    %dot_general3A_16 = tpu.matmul %mul3A_12, %get3A_15, %dot_general3A {dimension_numbers = #tpu.dot_dimension_numbers<[1], [0], [0], [1], [0, 0, 1, 1], [], []>, transpose_lhs_hint = false} : vector<2048x128xf32>, vector<128x256xf32>, vector<2048x256xf32> -> vector<2048x256xf32>
    %get3A_17 = arith.constant 0 : index
    %get3A_18 = arith.constant 0 : index
    %get3A_19 = vector.load %arg5[%get3A_17, %get3A_18] : memref<1x256xf32, #tpu.memory_space<vmem>>, vector<1x256xf32>
    %add3A_20 = vector.broadcast %get3A_19 : vector<1x256xf32> to vector<2048x256xf32>
    %add3A_21 = arith.addf %dot_general3A_16, %add3A_20 : vector<2048x256xf32>
    %max3A = arith.constant 0.000000e+00 : f32
    %max3A_22 = vector.broadcast %max3A : f32 to vector<2048x256xf32>
    %max3A_23 = arith.maximumf %add3A_21, %max3A_22 : vector<2048x256xf32>
    %get3A_24 = arith.constant 0 : index
    %get3A_25 = arith.constant 0 : index
    %get3A_26 = vector.load %arg6[%get3A_24, %get3A_25] : memref<256x128xf32, #tpu.memory_space<vmem>>, vector<256x128xf32>
    %dot_general3A_27 = arith.constant dense<0.000000e+00> : vector<2048x128xf32>
    %dot_general3A_28 = tpu.matmul %max3A_23, %get3A_26, %dot_general3A_27 {dimension_numbers = #tpu.dot_dimension_numbers<[1], [0], [0], [1], [0, 0, 1, 1], [], []>, transpose_lhs_hint = false} : vector<2048x256xf32>, vector<256x128xf32>, vector<2048x128xf32> -> vector<2048x128xf32>
    %get3A_29 = arith.constant 0 : index
    %get3A_30 = arith.constant 0 : index
    %get3A_31 = vector.load %arg2[%get3A_29, %get3A_30] : memref<2048x1xf32, #tpu.memory_space<vmem>>, vector<2048x1xf32>
    %mul3A_32 = vector.broadcast %get3A_31 : vector<2048x1xf32> to vector<2048x128xf32>
    %mul3A_33 = arith.mulf %dot_general3A_28, %mul3A_32 : vector<2048x128xf32>
    %swap3A = arith.constant 0 : index
    %swap3A_34 = arith.constant 0 : index
    %swap3A_35 = vector.load %arg7[%swap3A, %swap3A_34] : memref<2048x128xf32, #tpu.memory_space<vmem>>, vector<2048x128xf32>
    tpu.vector_store %arg7[%swap3A, %swap3A_34], %mul3A_33 {strides = array<i32>} : memref<2048x128xf32, #tpu.memory_space<vmem>>, vector<2048x128xf32>,
    return
  }
  func.func @transform_0(%arg0: i32) -> (i32, i32, i32) {
    %c0_i32 = arith.constant 0 : i32
    %c0_i32_0 = arith.constant 0 : i32
    %c0_i32_1 = arith.constant 0 : i32
    return %c0_i32, %arg0, %c0_i32_0 : i32, i32, i32
  }
  func.func @transform_1(%arg0: i32) -> (i32, i32) {
    %c0_i32 = arith.constant 0 : i32
    %c0_i32_0 = arith.constant 0 : i32
    return %arg0, %c0_i32 : i32, i32
  }
  func.func @transform_2(%arg0: i32) -> (i32, i32) {
    %c0_i32 = arith.constant 0 : i32
    %c0_i32_0 = arith.constant 0 : i32
    return %arg0, %c0_i32 : i32, i32
  }
  func.func @transform_3(%arg0: i32) -> (i32, i32) {
    %c0_i32 = arith.constant 0 : i32
    %c0_i32_0 = arith.constant 0 : i32
    %c0_i32_1 = arith.constant 0 : i32
    return %c0_i32, %c0_i32_0 : i32, i32
  }
  func.func @transform_4(%arg0: i32) -> (i32, i32) {
    %c0_i32 = arith.constant 0 : i32
    %c0_i32_0 = arith.constant 0 : i32
    %c0_i32_1 = arith.constant 0 : i32
    return %c0_i32, %c0_i32_0 : i32, i32
  }
  func.func @transform_5(%arg0: i32) -> (i32, i32) {
    %c0_i32 = arith.constant 0 : i32
    %c0_i32_0 = arith.constant 0 : i32
    %c0_i32_1 = arith.constant 0 : i32
    return %c0_i32, %c0_i32_0 : i32, i32
  }
  func.func @transform_6(%arg0: i32) -> (i32, i32) {
    %c0_i32 = arith.constant 0 : i32
    %c0_i32_0 = arith.constant 0 : i32
    return %arg0, %c0_i32 : i32, i32
  }
}

module attributes {stable_mosaic.version = 14 : i64} {
  func.func @_head_body(%arg0: i32, %arg1: memref<2x2048x128xf32, #tpu.memory_space<vmem>>, %arg2: memref<2048x1xf32, #tpu.memory_space<vmem>>, %arg3: memref<1x128xf32, #tpu.memory_space<vmem>>, %arg4: memref<128x64xf32, #tpu.memory_space<vmem>>, %arg5: memref<1x64xf32, #tpu.memory_space<vmem>>, %arg6: memref<64x1xf32, #tpu.memory_space<vmem>>, %arg7: memref<1x1xf32, #tpu.memory_space<vmem>>, %arg8: memref<2048x1xf32, #tpu.memory_space<vmem>>) attributes {dimension_semantics = [#tpu.dimension_semantics<arbitrary>], iteration_bounds = array<i64: 5>, scalar_prefetch = 0 : i64, scratch_operands = 0 : i64, tpu.core_type = #tpu.core_type<tc>, window_params = [{transform_indices = @transform_0, window_bounds = array<i64: 2, 2048, 128>}, {transform_indices = @transform_1, window_bounds = array<i64: 2048, 1>}, {pipeline_mode = #tpu.pipeline_mode<synchronous>, transform_indices = @transform_2, window_bounds = array<i64: 1, 128>}, {pipeline_mode = #tpu.pipeline_mode<synchronous>, transform_indices = @transform_3, window_bounds = array<i64: 128, 64>}, {pipeline_mode = #tpu.pipeline_mode<synchronous>, transform_indices = @transform_4, window_bounds = array<i64: 1, 64>}, {pipeline_mode = #tpu.pipeline_mode<synchronous>, transform_indices = @transform_5, window_bounds = array<i64: 64, 1>}, {pipeline_mode = #tpu.pipeline_mode<synchronous>, transform_indices = @transform_6, window_bounds = array<i64: 1, 1>}, {transform_indices = @transform_7, window_bounds = array<i64: 2048, 1>}]} {
    %get3A = arith.constant 0 : index
    %get3A_0 = arith.constant 0 : index
    %get3A_1 = arith.constant 0 : index
    %get3A_2 = vector.load %arg1[%get3A, %get3A_0, %get3A_1] : memref<2x2048x128xf32, #tpu.memory_space<vmem>>, vector<1x2048x128xf32>
    %get3A_3 = vector.shape_cast %get3A_2 : vector<1x2048x128xf32> to vector<2048x128xf32>
    %get3A_4 = arith.constant 1 : index
    %get3A_5 = arith.constant 0 : index
    %get3A_6 = arith.constant 0 : index
    %get3A_7 = vector.load %arg1[%get3A_4, %get3A_5, %get3A_6] : memref<2x2048x128xf32, #tpu.memory_space<vmem>>, vector<1x2048x128xf32>
    %get3A_8 = vector.shape_cast %get3A_7 : vector<1x2048x128xf32> to vector<2048x128xf32>
    %add3A = arith.addf %get3A_3, %get3A_8 : vector<2048x128xf32>
    %get3A_9 = arith.constant 0 : index
    %get3A_10 = arith.constant 0 : index
    %get3A_11 = vector.load %arg2[%get3A_9, %get3A_10] : memref<2048x1xf32, #tpu.memory_space<vmem>>, vector<2048x1xf32>
    %mul3A = vector.broadcast %get3A_11 : vector<2048x1xf32> to vector<2048x128xf32>
    %mul3A_12 = arith.mulf %add3A, %mul3A : vector<2048x128xf32>
    %get3A_13 = arith.constant 0 : index
    %get3A_14 = arith.constant 0 : index
    %get3A_15 = vector.load %arg3[%get3A_13, %get3A_14] : memref<1x128xf32, #tpu.memory_space<vmem>>, vector<1x128xf32>
    %add3A_16 = vector.broadcast %get3A_15 : vector<1x128xf32> to vector<2048x128xf32>
    %add3A_17 = arith.addf %mul3A_12, %add3A_16 : vector<2048x128xf32>
    %get3A_18 = arith.constant 0 : index
    %get3A_19 = arith.constant 0 : index
    %get3A_20 = vector.load %arg4[%get3A_18, %get3A_19] : memref<128x64xf32, #tpu.memory_space<vmem>>, vector<128x64xf32>
    %dot_general3A = arith.constant dense<0.000000e+00> : vector<2048x64xf32>
    %dot_general3A_21 = tpu.matmul %add3A_17, %get3A_20, %dot_general3A {dimension_numbers = #tpu.dot_dimension_numbers<[1], [0], [0], [1], [0, 0, 1, 1], [], []>, transpose_lhs_hint = false} : vector<2048x128xf32>, vector<128x64xf32>, vector<2048x64xf32> -> vector<2048x64xf32>
    %get3A_22 = arith.constant 0 : index
    %get3A_23 = arith.constant 0 : index
    %get3A_24 = vector.load %arg5[%get3A_22, %get3A_23] : memref<1x64xf32, #tpu.memory_space<vmem>>, vector<1x64xf32>
    %add3A_25 = vector.broadcast %get3A_24 : vector<1x64xf32> to vector<2048x64xf32>
    %add3A_26 = arith.addf %dot_general3A_21, %add3A_25 : vector<2048x64xf32>
    %max3A = arith.constant 0.000000e+00 : f32
    %max3A_27 = vector.broadcast %max3A : f32 to vector<2048x64xf32>
    %max3A_28 = arith.maximumf %add3A_26, %max3A_27 : vector<2048x64xf32>
    %get3A_29 = arith.constant 0 : index
    %get3A_30 = arith.constant 0 : index
    %get3A_31 = vector.load %arg6[%get3A_29, %get3A_30] : memref<64x1xf32, #tpu.memory_space<vmem>>, vector<64x1xf32>
    %dot_general3A_32 = arith.constant dense<0.000000e+00> : vector<2048x1xf32>
    %dot_general3A_33 = tpu.matmul %max3A_28, %get3A_31, %dot_general3A_32 {dimension_numbers = #tpu.dot_dimension_numbers<[1], [0], [0], [1], [0, 0, 1, 1], [], []>, transpose_lhs_hint = false} : vector<2048x64xf32>, vector<64x1xf32>, vector<2048x1xf32> -> vector<2048x1xf32>
    %get3A_34 = arith.constant 0 : index
    %get3A_35 = arith.constant 0 : index
    %get3A_36 = vector.load %arg7[%get3A_34, %get3A_35] : memref<1x1xf32, #tpu.memory_space<vmem>>, vector<1x1xf32>
    %add3A_37 = vector.broadcast %get3A_36 : vector<1x1xf32> to vector<2048x1xf32>
    %add3A_38 = arith.addf %dot_general3A_33, %add3A_37 : vector<2048x1xf32>
    %swap3A = arith.constant 0 : index
    %swap3A_39 = arith.constant 0 : index
    %swap3A_40 = vector.load %arg8[%swap3A, %swap3A_39] : memref<2048x1xf32, #tpu.memory_space<vmem>>, vector<2048x1xf32>
    tpu.vector_store %arg8[%swap3A, %swap3A_39], %add3A_38 {strides = array<i32>} : memref<2048x1xf32, #tpu.memory_space<vmem>>, vector<2048x1xf32>,
    return
  }
  func.func @transform_0(%arg0: i32) -> (i32, i32, i32) {
    %c0_i32 = arith.constant 0 : i32
    %c0_i32_0 = arith.constant 0 : i32
    %c0_i32_1 = arith.constant 0 : i32
    return %c0_i32, %arg0, %c0_i32_0 : i32, i32, i32
  }
  func.func @transform_1(%arg0: i32) -> (i32, i32) {
    %c0_i32 = arith.constant 0 : i32
    %c0_i32_0 = arith.constant 0 : i32
    return %arg0, %c0_i32 : i32, i32
  }
  func.func @transform_2(%arg0: i32) -> (i32, i32) {
    %c0_i32 = arith.constant 0 : i32
    %c0_i32_0 = arith.constant 0 : i32
    %c0_i32_1 = arith.constant 0 : i32
    return %c0_i32, %c0_i32_0 : i32, i32
  }
  func.func @transform_3(%arg0: i32) -> (i32, i32) {
    %c0_i32 = arith.constant 0 : i32
    %c0_i32_0 = arith.constant 0 : i32
    %c0_i32_1 = arith.constant 0 : i32
    return %c0_i32, %c0_i32_0 : i32, i32
  }
  func.func @transform_4(%arg0: i32) -> (i32, i32) {
    %c0_i32 = arith.constant 0 : i32
    %c0_i32_0 = arith.constant 0 : i32
    %c0_i32_1 = arith.constant 0 : i32
    return %c0_i32, %c0_i32_0 : i32, i32
  }
  func.func @transform_5(%arg0: i32) -> (i32, i32) {
    %c0_i32 = arith.constant 0 : i32
    %c0_i32_0 = arith.constant 0 : i32
    %c0_i32_1 = arith.constant 0 : i32
    return %c0_i32, %c0_i32_0 : i32, i32
  }
  func.func @transform_6(%arg0: i32) -> (i32, i32) {
    %c0_i32 = arith.constant 0 : i32
    %c0_i32_0 = arith.constant 0 : i32
    %c0_i32_1 = arith.constant 0 : i32
    return %c0_i32, %c0_i32_0 : i32, i32
  }
  func.func @transform_7(%arg0: i32) -> (i32, i32) {
    %c0_i32 = arith.constant 0 : i32
    %c0_i32_0 = arith.constant 0 : i32
    return %arg0, %c0_i32 : i32, i32
  }
}

</mosaic_0001>

<sc_bundles>
// kernel: kernel.11.cloned.1.call-start
scs
__scs_entry_jumppad:
0x0: {  	(pc) =	sbr.rel $0x88, $3  }
0x1: {  	(tag) =	ssettag $0x0;
	lr =	simm.s32 $0x1  }
0x2: {  	[smem:$0x3F97] =	sst lr;
	_ =	strace $0xD0000000  }
0x3: {  	_ = 	snop  }
0x4: {  	_ = 	snop  }
0x5: {  	_ = 	snop  }
0x6: {  	_ = 	snop  }
0x7: {  	_ = 	snop  }
__scs_overlays_trampoline_lowered:
0x8: {  	[smem:$0x3FA6] =	sst s0  }
0x9: {  	[smem:$0x3FA7] =	sst s1  }
0xa: {  	[smem:$0x3FA8] =	sst s2  }
0xb: {  	[smem:$0x3FA9] =	sst s3  }
0xc: {  	[smem:$0x3FAA] =	sst s4  }
0xd: {  	[smem:$0x3FAB] =	sst s5  }
0xe: {  	[smem:$0x3FAC] =	sst s6  }
0xf: {  	[smem:$0x3FAD] =	sst s7  }
0x10: {  	[smem:$0x3FAE] =	sst s8  }
0x11: {  	[smem:$0x3FAF] =	sst s9;
	s0 =	simm.s32 @!p0 $0x0  }
0x12: {  	s1 =	sld [smem:$0x3F95];
	s0 =	simm.s32 @p0 $0x1  }
0x13: {  	[smem:$0x3FB0] =	sst s0;
	s0 =	simm.s32 @!p1 $0x0  }
0x14: {  	s2 =	sld [smem:$0x3F94];
	s0 =	simm.s32 @p1 $0x1  }
0x15: {  	[smem:$0x3FB1] =	sst s0;
	s0 =	simm.s32 @!p2 $0x0  }
0x16: {  	s3 =	sld [smem:$0x3FDB];
	s0 =	simm.s32 @p2 $0x1  }
0x17: {  	s4 =	simm.s32 $0x1BF5;
	[smem:$0x3FB3] =	sst s0  }
0x18: {  	s0 =	sld [smem:$0x3F96];
	_ =	swait.ge [sflag:s4], $0x0  }
0x19: {  	s7 =	sld [smem:$0x3F97]  }
0x1a: {  	s8 =	sadd.s32 $0xFFFFE003, lr  }
0x1b: {  	s9 =	sadd.s32 $0xFFFFFEF7, lr;
	s5 =	simm.s32 $0xFFFFFFFF;
	p2 =	slt.u32 s8, $0xFFFFF086  }
0x1c: {  	p1 =	slt.u32 s9, $0xF7A;
	s5 =	simm.s32 @!p2 $0x0  }
0x1d: {  	s5 =	simm.s32 @p1 $0x1;
	p0 =	seq.s32 s7, s2  }
0x1e: {  	s7 =	smul.u32 @!p0 $0xF7A, s2;
	p2 =	seq.s32 @!p0 s5, $0x0  }
0x1f: {  	s9 =	smul.u32 $0xF7A, s1;
	s8 =	simm.s32 @!p0 $0x1BF5;
	p2 =	por !p2, p0  }
0x20: {  	[sflag:s8] =	ssyncset.s32 @!p0 $0xFFFFF086;
	s6 =	sadd.s32 @!p0 s3, s7;
	s7 =	simm.s32 @!p0 $0x108  }
0x21: {  	s3 =	sadd.s32 s3, s9;
	s6 =	sadd.s32 @!p0 $0x88, s6;
	s7 =	simm.s32 @p2 $0x1082  }
0x22: {  	[simem:s7], [sflag:s8] =	dma.local @!p0 [hbm:s6], $0xF7A  }
0x23: {  	s9 =	sor.u32 $0xD0000000, s2;
	s6 =	simm.s32 $0x108;
	_ =	swait.ge @!p0 [sflag:s8], $0x0  }
0x24: {  	s3 =	sadd.s32 $0x88, s3;
	s6 =	simm.s32 @!p1 $0x1082;
	[sflag:s4] =	ssyncset.s32 $0xFFFFF086  }
0x25: {  	[simem:s6], [sflag:s4] =	dma.local [hbm:s3], $0xF7A  }
0x26: {  	[smem:$0x3F97] =	sst s1;
	(tag) =	ssettag s2;
	_ =	strace s9  }
0x27: {  	s1 =	sld [smem:$0x3FA7]  }
0x28: {  	s2 =	sld [smem:$0x3FA8]  }
0x29: {  	s4 =	sld [smem:$0x3FAA]  }
0x2a: {  	p0 =	seq.s32 s5, $0x0;
	s5 =	sld [smem:$0x3FAB]  }
0x2b: {  	s6 =	sld [smem:$0x3FAC]  }
0x2c: {  	s7 =	sld [smem:$0x3FAD]  }
0x2d: {  	s3 =	simm.s32 $0x108;
	s8 =	sld [smem:$0x3FAE]  }
0x2e: {  	s3 =	simm.s32 @!p0 $0x1082;
	s9 =	sld [smem:$0x3FAF]  }
0x2f: {  	lr =	sadd.s32 s0, s3;
	s0 =	sld [smem:$0x3FA6]  }
0x30: {  	s3 =	sld [smem:$0x3FA9]  }
0x31: {  	[smem:$0x3FB2] =	sst s10  }
0x32: {  	s10 =	sld [smem:$0x3FB0];
	_ =	sdelay $0x3  }
0x33: {  	p0 =	seq.s32 s10, $0x1;
	s10 =	sld [smem:$0x3FB2];
	_ =	sdelay $0x3  }
0x34: {  	[smem:$0x3FB2] =	sst s10  }
0x35: {  	s10 =	sld [smem:$0x3FB1];
	_ =	sdelay $0x3  }
0x36: {  	p1 =	seq.s32 s10, $0x1;
	s10 =	sld [smem:$0x3FB2];
	_ =	sdelay $0x3  }
0x37: {  	[smem:$0x3FB2] =	sst s10  }
0x38: {  	s10 =	sld [smem:$0x3FB3]  }
0x39: {  	_ = 	snop;
	(pc) =	sbr.ind lr, $3  }
0x3a: {  	_ = 	snop  }
0x3b: {  	_ = 	snop  }
0x3c: {  	p2 =	seq.s32 s10, $0x1;
	s10 =	sld [smem:$0x3FB2]  }
0x3d: {  	_ =	shalt  }
0x3e: {  	_ =	shalt  }
0x3f: {  	_ =	shalt  }
0x40: {  	_ =	shalt  }
0x41: {  	_ =	shalt  }
0x42: {  	_ =	shalt  }
0x43: {  	_ =	shalt  }
0x44: {  	_ =	shalt  }
0x45: {  	_ =	shalt  }
0x46: {  	_ =	shalt  }
0x47: {  	_ =	shalt  }
0x48: {  	_ =	shalt  }
0x49: {  	_ =	shalt  }
0x4a: {  	_ =	shalt  }
0x4b: {  	_ =	shalt  }
0x4c: {  	_ =	shalt  }
0x4d: {  	_ =	shalt  }
0x4e: {  	_ =	shalt  }
0x4f: {  	_ =	shalt  }
0x50: {  	_ =	shalt  }
0x51: {  	_ =	shalt  }
0x52: {  	_ =	shalt  }
0x53: {  	_ =	shalt  }
0x54: {  	_ =	shalt  }
0x55: {  	_ =	shalt  }
0x56: {  	_ =	shalt  }
0x57: {  	_ =	shalt  }
0x58: {  	_ =	shalt  }
0x59: {  	_ =	shalt  }
0x5a: {  	_ =	shalt  }
0x5b: {  	_ =	shalt  }
0x5c: {  	_ =	shalt  }
0x5d: {  	_ =	shalt  }
0x5e: {  	_ =	shalt  }
0x5f: {  	_ =	shalt  }
0x60: {  	_ =	shalt  }
0x61: {  	_ =	shalt  }
0x62: {  	_ =	shalt  }
0x63: {  	_ =	shalt  }
0x64: {  	_ =	shalt  }
0x65: {  	_ =	shalt  }
0x66: {  	_ =	shalt  }
0x67: {  	_ =	shalt  }
0x68: {  	_ =	shalt  }
0x69: {  	_ =	shalt  }
0x6a: {  	_ =	shalt  }
0x6b: {  	_ =	shalt  }
0x6c: {  	_ =	shalt  }
0x6d: {  	_ =	shalt  }
0x6e: {  	_ =	shalt  }
0x6f: {  	_ =	shalt  }
0x70: {  	_ =	shalt  }
0x71: {  	_ =	shalt  }
0x72: {  	_ =	shalt  }
0x73: {  	_ =	shalt  }
0x74: {  	_ =	shalt  }
0x75: {  	_ =	shalt  }
0x76: {  	_ =	shalt  }
0x77: {  	_ =	shalt  }
0x78: {  	_ =	shalt  }
0x79: {  	_ =	shalt  }
0x7a: {  	_ =	shalt  }
0x7b: {  	_ =	shalt  }
0x7c: {  	_ =	shalt  }
0x7d: {  	_ =	shalt  }
0x7e: {  	_ =	shalt  }
0x7f: {  	_ =	shalt  }
0x80: {  	_ =	shalt  }
0x81: {  	_ =	shalt  }
0x82: {  	_ =	shalt  }
0x83: {  	_ =	shalt  }
0x84: {  	_ =	shalt  }
0x85: {  	_ =	shalt  }
0x86: {  	_ =	shalt  }
0x87: {  	_ =	shalt  }
.Lfunc_end0:
.L_simem_size_0:
called_computation.1_lowered:
.L_overlay_start_0:
0x88: {  	s2 =	sld [smem:$0x3FD9]  }
0x89: {  	s3 =	sld [smem:$0x3FFE];
	_ =	sdelay $0x1  }
0x8a: {  	s1 =	srdreg.scid  }
0x8b: {  	s0 =	sand.u32 $0x1, s1  }
0x8c: {  	s16 =	sshll.u32 s0, $0xA;
	s2 =	sadd.s32 s3, s2  }
0x8d: {  	s2 =	sadd.s32 s2, s16  }
0x8e: {  	[smem:$0x3FBE] =	sst s2  }
0x8f: {  	_ = 	snop  }
0x90: {  	(tm) =	ssettm $0x1  }
0x91: {  	s17 =	sld [smem:$0x3FFB];
	_ =	sdelay $0x3  }
0x92: {  	_ =	strace s17  }
0x93: {  	s2 =	sld [smem:$0x3FFC];
	_ =	sdelay $0x3  }
0x94: {  	_ =	strace s2  }
0x95: {  	s2 =	sld [smem:$0x3FFD];
	_ =	sdelay $0x3  }
0x96: {  	_ =	strace s2  }
0x97: {  	_ =	strace $0x8FFFFFFF  }
0x98: {  	s18 =	sld [smem:$0x3FDB];
	_ =	sdelay $0x1  }
0x99: {  	s19 =	simm.s32 $_scs_section_size  }
0x9a: {  	s4 =	simm.s32 $_size__tile_overlayer_lowered;
	s5 =	simm.s32 $_tile_overlayer_lowered  }
0x9b: {  	s22 =	simm.s32 $0x1BFF;
	s21 =	sshll.u32 s5, $0x1;
	s2 =	sadd.s32 s19, s18  }
0x9c: {  	s6 =	simm.s32 $0x0;
	s20 =	sshll.u32 s4, $0x1;
	s4 =	sadd.s32 s21, s2  }
0x9d: {  	[timem:s6], [sflag:s22] =	dma.local [hbm:s4], s20  }
0x9e: {  	_ =	swait.ge [sflag:s22], s20  }
0x9f: {  	s3 =	ssub.s32 $0x0, s20;
	[sflag:s22] =	ssyncset.done $0x0  }
0xa0: {  	[sflag:s22] =	ssyncadd.s32 s3;
	_ =	sdelay $0x1  }
0xa1: {  	s23 =	simm.s32 $0x1B8B  }
0xa2: {  	_ =	swait.ge [sflag:s23], $0x1  }
0xa3: {  	[sflag:s23] =	ssyncset.done $0x0  }
0xa4: {  	s25 =	simm.s32 $0x1B8E;
	s24 =	sld [smem:$0x3FFE];
	[sflag:s23] =	ssyncadd.s32 $0xFFFFFFFF  }
0xa5: {  	s26 =	simm.s32 $execute0_lowered;
	[smem:$0x3FD2] =	sst s25  }
0xa6: {  	s4 =	sshll.u32 s26, $0x1;
	_ =	strace $0x80000049;
	[dreg:$0x1] =	wrdreg $0xFFFFFFFF  }
0xa7: {  	s28 =	simm.s32 $_size_execute0_lowered;
	s2 =	sadd.s32 s2, s4;
	[dreg:$0x0] =	wrdreg $0x0  }
0xa8: {  	s4 =	sshll.u32 s28, $0x1;
	[dreg:$0x2] =	wrdreg s2  }
0xa9: {  	[dreg:$0x3] =	wrdreg s4  }
0xaa: {  	[dreg:$0x4] =	wrdreg $0xC0  }
0xab: {  	_ =	task [dreg:s6], $0x5FFFF  }
0xac: {  	[dreg:$0x1] =	wrdreg $0xFFFFFFFF  }
0xad: {  	[dreg:$0x0] =	wrdreg $0x60  }
0xae: {  	[dreg:$0x2] =	wrdreg s24  }
0xaf: {  	[dreg:$0x3] =	wrdreg $0xA1000  }
0xb0: {  	[dreg:$0x4] =	wrdreg $0x9  }
0xb1: {  	_ =	task.clear_ibuf [dreg:s6], $0x5FFFF;
	_ =	strace $0x90000049  }
0xb2: {  	s29 =	simm.s32 $0x9;
	_ =	strace $0x8000004B  }
0xb3: {  	_ =	swait.ge [sflag:s29], $0x1  }
0xb4: {  	[sflag:s29] =	ssyncadd.s32 $0xFFFFFFFF  }
0xb5: {  	_ =	strace $0x9000004B  }
0xb6: {  	_ =	sfence  }
0xb7: {  	s30 =	sld [smem:$0x0];
	_ =	sdelay $0x2  }
0xb8: {  	s31 =	sshll.u32 s1, $0xD;
	s1 =	sshrl.u32 s1, $0x2  }
0xb9: {  	s3 =	sand.u32 $0x4000, s31;
	s1 =	sadd.s32 s1, s30  }
0xba: {  	s0 =	sor.u32 s3, s0;
	s1 =	sshll.u32 s1, $0x11  }
0xbb: {  	s0 =	sor.u32 s1, s0  }
0xbc: {  	s0 =	sadd.s32 $0x8F2B, s0  }
0xbd: {  	[sflag:s0] =	ssyncadd.remote.s32 $0x1  }
0xbe: {  	_ =	sfence.sel $0xFFFF  }
0xbf: {  	[dreg:$0x0] =	wrdreg $0xFFFFFFFF;
	(pc) =	sbr.abs _section_cstart, $3  }
0xc0: {  	[dreg:$0x1] =	wrdreg $0xFFFFFFFF  }
0xc1: {  	_ =	task.clear_ibuf [dreg:s6], $0x2FFFF;
	_ =	strace $0x9FFFFFFF  }
0xc2: {  	(tm) =	ssettm $0x7FFFFFFF  }
0xc3: {  	_ =	shalt  }
tec
execute0_lowered:
.L_overlay_start_1:
0x0: {  	(tag) =	ssettag $0x1  }
0x1: {  	s0 =	srdreg.scid;
	s1 =	rddreg [dreg:$0x0]  }
0x2: {  	s10 =	stileid.u32;
	s2 =	rddreg [dreg:$0x1];
	s23 =	simm.s32 $0x0  }
0x3: {  	s18 =	simm.s32 $0x1;
	s19 =	simm.s32 $0x2;
	s20 =	simm.s32 $0x3  }
0x4: {  	s21 =	simm.s32 $0x50;
	s22 =	simm.s32 $0x4F00;
	s28 =	simm.s32 $0x5080  }
0x5: {  	s29 =	simm.s32 $0x4;
	s30 =	simm.s32 $0x5;
	s31 =	simm.s32 $0x0  }
0x6: {  	s0 =	sand.u32 $0x1, s0;
	[smem:$0x7FF] =	sst s23;
	s6 =	smul.u32 $0x2800, s10  }
0x7: {  	s9 =	smul.u32 $0x50000, s10;
	s23 =	simm.s32 $0x5100;
	s3 =	sshll.u32 s0, $0x4  }
0x8: {  	_ =	strace $0x8000004A;
	s7 =	smul.u32 $0x28000, s0;
	s0 =	ssub.s32 $0x2, s0  }
0x9: {  	s4 =	sor.u32 s10, s3;
	s24 =	sshrl.u32 s0, $0x1;
	s25 =	sshrl.u32 s9, $0x2  }
0xa: {  	s5 =	smul.u32 $0x4E2, s4;
	s4 =	sadd.s32 $0x15E00, s1;
	s6 =	sadd.s32 s6, s7  }
0xb: {  	s0 =	ssub.s32 s0, s24;
	s12 =	sadd.s32 s25, s2;
	s7 =	sshll.u32 s10, $0x6  }
0xc: {  	s25 =	simm.s32 $0x7900;
	s9 =	sor.u32 $0x1C03, s7;
	s14 =	sadd.s32 $0x4000, s12  }
0xd: {  	s15 =	sadd.s32 $0x8000, s12;
	s16 =	sadd.s32 $0xC000, s12;
	s17 =	sadd.s32 $0x10000, s12  }
.Ltmp0:
0xe: {  	s11 =	smax.u32 s0, $0x1;
	s13 =	sshrl.u32 s12, $0x3;
	(pc) =	sbr.rel .LBB2_1-.Ltmp0, $4  }
0xf: {  	s8 =	sadd.s32 s5, s1;
	s5 =	sadd.s32 $0x3D000, s1;
	s1 =	sadd.s32 s6, s1  }
0x10: {  	s14 =	sshrl.u32 s14, $0x3;
	s15 =	sshrl.u32 s15, $0x3;
	s16 =	sshrl.u32 s16, $0x3  }
0x11: {  	s17 =	sshrl.u32 s17, $0x3;
	s26 =	sadd.s32 $0xC000, s8;
	s8 =	sadd.s32 $0x2200, s8  }
0x12: {  	s10 =	sadd.s32 $0x3D800, s1;
	[dreg:$0x3] =	wrdreg s26;
	s26 =	simm.s32 $0x5000  }
.LBB2_6:
0x13: {  	_ =	swait.ge [sflag:s20], $0x2800  }
0x14: {  	[sflag:s20] =	ssyncset.done $0x0  }
0x15: {  	[sflag:s20] =	ssyncadd.s32 $0xFFFFD800  }
0x16: {  	_ =	swait.ge [sflag:s29], $0x2800  }
0x17: {  	s31 =	sadd.s32 $0x1, s31;
	[sflag:s29] =	ssyncset.done $0x0  }
0x18: {  	p0 =	sne.s32 s31, s11;
	[sflag:s29] =	ssyncadd.s32 $0xFFFFD800  }
.Ltmp1:
0x19: {  	s0 =	sor.u32 $0x1C05, s7;
	[bflag:$0x0] =	sbarrier.arrive $0xFFFF;
	(pc) =	sbr.rel @!p0 .LBB2_7-.Ltmp1, $4  }
0x1a: {  	[hbm:s10], [sflag:s0] =	dma.local [spmem:s13], $0x2800  }
0x1b: {  	_ =	swait.ge [sflag:s30], $0x2800  }
0x1c: {  	[sflag:s30] =	ssyncset.done $0x0  }
0x1d: {  	[sflag:s30] =	ssyncadd.s32 $0xFFFFD800  }
.LBB2_1:
0x1e: {  	s0 =	simm.s32 $0x0;
	s1 =	rddreg [dreg:$0x3]  }
0x1f: {  	[tilespmem:s0], [sflag:$0x1] =	stream.linear.gather [hbm4b:s1+s0], $0x2710, $0x38;
	[tilespmem:$0x1E100] =	vst v63  }
0x20: {  	s12 =	simm.s32 $0x2780  }
0x21: {  	[tilespmem:s12], [sflag:$0x2] =	stream.linear.gather [hbm4b:s8+s0], $0x2710, $0x38;
	[tilespmem:$0x1E100] =	vst v63  }
0x22: {  	[spmem:s13], [sflag:s9] =	dma.local [hbm:s5], $0x800  }
0x23: {  	[spmem:s14], [sflag:s9] =	dma.local [hbm:s5], $0x800  }
0x24: {  	[spmem:s15], [sflag:s9] =	dma.local [hbm:s5], $0x800  }
0x25: {  	[spmem:s16], [sflag:s9] =	dma.local [hbm:s5], $0x800  }
0x26: {  	[spmem:s17], [sflag:s9] =	dma.local [hbm:s5], $0x800  }
0x27: {  	_ =	swait.ge [sflag:s18], $0x2710  }
0x28: {  	[sflag:s18] =	ssyncset.done $0x0  }
0x29: {  	[sflag:s18] =	ssyncadd.s32 $0xFFFFD8F0  }
0x2a: {  	_ =	swait.ge [sflag:s19], $0x2710  }
0x2b: {  	[sflag:s19] =	ssyncset.done $0x0  }
0x2c: {  	[sflag:s19] =	ssyncadd.s32 $0xFFFFD8F0  }
0x2d: {  	_ =	swait.ge [sflag:s20], $0x800  }
0x2e: {  	[sflag:s20] =	ssyncset.done $0x0  }
0x2f: {  	[sflag:s20] =	ssyncadd.s32 $0xFFFFF800  }
0x30: {  	_ =	swait.ge [sflag:s20], $0x800  }
0x31: {  	[sflag:s20] =	ssyncset.done $0x0  }
0x32: {  	[sflag:s20] =	ssyncadd.s32 $0xFFFFF800  }
0x33: {  	_ =	swait.ge [sflag:s20], $0x800  }
0x34: {  	[sflag:s20] =	ssyncset.done $0x0  }
0x35: {  	[sflag:s20] =	ssyncadd.s32 $0xFFFFF800  }
0x36: {  	_ =	swait.ge [sflag:s20], $0x800  }
0x37: {  	[sflag:s20] =	ssyncset.done $0x0  }
0x38: {  	[sflag:s20] =	ssyncadd.s32 $0xFFFFF800  }
0x39: {  	_ =	swait.ge [sflag:s20], $0x800  }
0x3a: {  	[sflag:s20] =	ssyncset.done $0x0  }
0x3b: {  	[sflag:s20] =	ssyncadd.s32 $0xFFFFF800  }
0x3c: {  	[bflag:$0x0] =	sbarrier.arrive $0xFFFF  }
0x3d: {  	v0 =	vld [tilespmem:$0x0]  }
0x3e: {  	v1 =	vld [tilespmem:$0x2780]  }
0x3f: {  	v2 =	vld [tilespmem:$0x10]  }
0x40: {  	v3 =	vld [tilespmem:$0x2790]  }
0x41: {  	v4 =	vld [tilespmem:$0x20]  }
0x42: {  	v49 =	vld [tilespmem:$0x27A0];
	[tilespmem:$0x4F00] =	vst v0  }
0x43: {  	v50 =	vld [tilespmem:$0x30];
	[tilespmem:$0x5000] =	vst v1  }
0x44: {  	v51 =	vld [tilespmem:$0x27B0];
	[tilespmem:$0x4F10] =	vst v2  }
0x45: {  	v52 =	vld [tilespmem:$0x40];
	[tilespmem:$0x5010] =	vst v3  }
0x46: {  	v53 =	vld [tilespmem:$0x27C0];
	[tilespmem:$0x4F20] =	vst v4  }
0x47: {  	[tilespmem:$0x5020] =	vst v49  }
0x48: {  	[tilespmem:$0x4F30] =	vst v50  }
0x49: {  	[tilespmem:$0x5030] =	vst v51  }
0x4a: {  	[tilespmem:$0x4F40] =	vst v52  }
0x4b: {  	[tilespmem:$0x5040] =	vst v53  }
0x4c: {  	[tilespmem:s23], [sflag:$0x1] =	stream.indirect.gather [hbm4b:s4+s21], $0x80, s22, s21, $0xb8;
	[tilespmem:$0x1E100] =	vst v63  }
0x4d: {  	v54 =	vld [tilespmem:$0x50]  }
0x4e: {  	v55 =	vld [tilespmem:$0x27D0]  }
0x4f: {  	v56 =	vld [tilespmem:$0x60]  }
0x50: {  	v57 =	vld [tilespmem:$0x27E0]  }
0x51: {  	v58 =	vld [tilespmem:$0x70]  }
0x52: {  	v59 =	vld [tilespmem:$0x27F0];
	[tilespmem:$0x4F80] =	vst v54  }
0x53: {  	v60 =	vld [tilespmem:$0x80];
	[tilespmem:$0x5080] =	vst v55  }
0x54: {  	v61 =	vld [tilespmem:$0x2800];
	[tilespmem:$0x4F90] =	vst v56  }
0x55: {  	v62 =	vld [tilespmem:$0x90];
	[tilespmem:$0x5090] =	vst v57  }
0x56: {  	v63 =	vld [tilespmem:$0x2810];
	[tilespmem:$0x4FA0] =	vst v58  }
0x57: {  	[tilespmem:$0x50A0] =	vst v59  }
.Ltmp2:
0x58: {  	[tilespmem:$0x4FB0] =	vst v60;
	(pc) =	sbr.rel .LBB2_2-.Ltmp2, $4  }
0x59: {  	[tilespmem:$0x50B0] =	vst v61  }
0x5a: {  	s24 =	simm.s32 $0x4F80;
	[tilespmem:$0x4FC0] =	vst v62  }
0x5b: {  	s1 =	simm.s32 $0x28B0;
	s0 =	simm.s32 $0x130;
	s12 =	simm.s32 $0x0;
	[tilespmem:$0x50C0] =	vst v63  }
0x5c: {  	[tilespmem:s25], [sflag:$0x2] =	stream.indirect.gather [hbm4b:s4+s21], $0x80, s24, s21, $0xb8;
	[tilespmem:$0x1E100] =	vst v63  }
.LBB2_3:
0x5d: {  	_ =	swait.ge [sflag:s19], $0x2800  }
0x5e: {  	[sflag:s19] =	ssyncset.done $0x0  }
0x5f: {  	[sflag:s19] =	ssyncadd.s32 $0xFFFFD800  }
0x60: {  	[spmem:s2] =	stream.indirect.scatter.add.f32 [tilespmem:s25], [sflag:$0x4], $0x80, s28, s21, $0xb8;
	[tilespmem:$0x1E100] =	vst v63  }
.LBB2_5:
0x61: {  	_ =	swait.ge [sflag:s20], $0x2800  }
0x62: {  	[sflag:s20] =	ssyncset.done $0x0  }
0x63: {  	[sflag:s20] =	ssyncadd.s32 $0xFFFFD800  }
0x64: {  	v0 =	vld [tilespmem:s0+$0xFFFFFF70];
	_ =	sdelay $0x4  }
0x65: {  	[tilespmem:$0x4F00] =	vst v0  }
0x66: {  	v0 =	vld [tilespmem:s1+$0xFFFFFF70];
	_ =	sdelay $0x4  }
0x67: {  	[tilespmem:$0x5000] =	vst v0  }
0x68: {  	v0 =	vld [tilespmem:s0+$0xFFFFFF80];
	_ =	sdelay $0x4  }
0x69: {  	[tilespmem:$0x4F10] =	vst v0  }
0x6a: {  	v0 =	vld [tilespmem:s1+$0xFFFFFF80];
	_ =	sdelay $0x4  }
0x6b: {  	[tilespmem:$0x5010] =	vst v0  }
0x6c: {  	v0 =	vld [tilespmem:s0+$0xFFFFFF90];
	_ =	sdelay $0x4  }
0x6d: {  	[tilespmem:$0x4F20] =	vst v0  }
0x6e: {  	v0 =	vld [tilespmem:s1+$0xFFFFFF90];
	_ =	sdelay $0x4  }
0x6f: {  	[tilespmem:$0x5020] =	vst v0  }
0x70: {  	v0 =	vld [tilespmem:s0+$0xFFFFFFA0];
	_ =	sdelay $0x4  }
0x71: {  	[tilespmem:$0x4F30] =	vst v0  }
0x72: {  	v0 =	vld [tilespmem:s1+$0xFFFFFFA0];
	_ =	sdelay $0x4  }
0x73: {  	[tilespmem:$0x5030] =	vst v0  }
0x74: {  	v0 =	vld [tilespmem:s0+$0xFFFFFFB0];
	_ =	sdelay $0x4  }
0x75: {  	[tilespmem:$0x4F40] =	vst v0  }
0x76: {  	v0 =	vld [tilespmem:s1+$0xFFFFFFB0];
	_ =	sdelay $0x3  }
0x77: {  	p0 =	sgt.u32 s12, $0x3C  }
0x78: {  	s24 =	simm.s32 @!p0 $0x4;
	[tilespmem:$0x5040] =	vst v0  }
0x79: {  	[tilespmem:s23], [sflag:$0x1] =	stream.indirect.gather [hbm4b:s4+s21], $0x80, s22, s21, $0xb8;
	[tilespmem:$0x1E100] =	vst v63  }
0x7a: {  	_ =	swait.ge @!p0 [sflag:s24], $0x2800  }
0x7b: {  	[sflag:s24] =	ssyncset.done @!p0 $0x0  }
0x7c: {  	[sflag:s24] =	ssyncadd.s32 @!p0 $0xFFFFD800  }
0x7d: {  	v0 =	vld @!p0 [tilespmem:s0+$0xFFFFFFC0];
	_ =	sdelay $0x4  }
0x7e: {  	[tilespmem:$0x4F80] =	vst @!p0 v0  }
0x7f: {  	v0 =	vld @!p0 [tilespmem:s1+$0xFFFFFFC0];
	_ =	sdelay $0x4  }
0x80: {  	[tilespmem:$0x5080] =	vst @!p0 v0  }
0x81: {  	v0 =	vld @!p0 [tilespmem:s0+$0xFFFFFFD0];
	_ =	sdelay $0x4  }
0x82: {  	[tilespmem:$0x4F90] =	vst @!p0 v0  }
0x83: {  	v0 =	vld @!p0 [tilespmem:s1+$0xFFFFFFD0];
	_ =	sdelay $0x4  }
0x84: {  	[tilespmem:$0x5090] =	vst @!p0 v0  }
0x85: {  	v0 =	vld @!p0 [tilespmem:s0+$0xFFFFFFE0];
	_ =	sdelay $0x4  }
0x86: {  	[tilespmem:$0x4FA0] =	vst @!p0 v0  }
0x87: {  	v0 =	vld @!p0 [tilespmem:s1+$0xFFFFFFE0];
	_ =	sdelay $0x4  }
0x88: {  	[tilespmem:$0x50A0] =	vst @!p0 v0  }
0x89: {  	v0 =	vld @!p0 [tilespmem:s0+$0xFFFFFFF0];
	_ =	sdelay $0x4  }
0x8a: {  	[tilespmem:$0x4FB0] =	vst @!p0 v0  }
0x8b: {  	v0 =	vld @!p0 [tilespmem:s1+$0xFFFFFFF0];
	_ =	sdelay $0x4  }
0x8c: {  	[tilespmem:$0x50B0] =	vst @!p0 v0  }
0x8d: {  	v0 =	vld @!p0 [tilespmem:s0+$0x0];
	_ =	sdelay $0x4  }
0x8e: {  	[tilespmem:$0x4FC0] =	vst @!p0 v0  }
0x8f: {  	v0 =	vld @!p0 [tilespmem:s1+$0x0];
	_ =	sdelay $0x3  }
0x90: {  	s12 =	sadd.s32 $0x1, s12  }
0x91: {  	s3 =	simm.s32 @!p0 $0x4F80;
	s6 =	simm.s32 @!p0 $0x7900;
	s24 =	simm.s32 @!p0 $0x50;
	[tilespmem:$0x50C0] =	vst @!p0 v0  }
0x92: {  	[tilespmem:s6], [sflag:$0x2] =	stream.indirect.gather @!p0 [hbm4b:s4+s24], $0x80, s3, s24, $0xb8;
	[tilespmem:$0x1E100] =	vst v63  }
0x93: {  	p0 =	sne.s32 s12, $0x3F  }
.Ltmp3:
0x94: {  	_ = 	snop;
	(pc) =	sbr.rel @!p0 .LBB2_6-.Ltmp3, $2  }
0x95: {  	_ =	sdelay $0x2  }
0x96: {  	s0 =	sadd.s32 $0xA0, s0;
	s1 =	sadd.s32 $0xA0, s1  }
.LBB2_2:
0x97: {  	p0 =	sgt.u32 s12, $0x3D  }
.Ltmp4:
0x98: {  	_ = 	snop;
	(pc) =	sbr.rel @!p0 .LBB2_3-.Ltmp4, $4  }
0x99: {  	_ =	swait.ge [sflag:s18], $0x2800  }
0x9a: {  	[sflag:s18] =	ssyncset.done $0x0  }
0x9b: {  	[sflag:s18] =	ssyncadd.s32 $0xFFFFD800  }
0x9c: {  	[spmem:s2] =	stream.indirect.scatter.add.f32 [tilespmem:s23], [sflag:$0x3], $0x80, s26, s21, $0xb8;
	[tilespmem:$0x1E100] =	vst v63  }
0x9d: {  	p0 =	seq.s32 s12, $0x3E  }
.Ltmp5:
0x9e: {  	_ = 	snop;
	(pc) =	sbr.rel @!p0 .LBB2_5-.Ltmp5, $4  }
.Ltmp6:
0x9f: {  	_ = 	snop;
	(pc) =	sbr.rel @p0 .LBB2_6-.Ltmp6, $4  }
0xa0: {  	_ = 	snop  }
0xa1: {  	_ = 	snop  }
0xa2: {  	_ = 	snop  }
0xa3: {  	_ = 	snop  }
.LBB2_7:
0xa4: {  	_ =	sfence.sel $0x180000  }
0xa5: {  	[bflag:$0x0] =	sbarrier.arrive $0xFFFF  }
0xa6: {  	_ =	strace $0x9000004A  }
0xa7: {  	s0 =	stileid.u32;
	[bflag:$0x2] =	sbarrier.arrive $0xFFFF  }
0xa8: {  	p0 =	sne.s32 s0, $0x0;
	s0 =	rddreg [dreg:$0x2]  }
0xa9: {  	s0 =	sadd.s32 @!p0 $0x100000, s0  }
0xaa: {  	[sflag:s0] =	ssyncadd.tile.s32 @!p0 $0x1;
	_ =	shalt  }
.Lfunc_end2:
_tile_overlayer_lowered:
.L_overlay_start_2:
0xab: {  	(tag) =	ssettag $0x2  }
0xac: {  	s0 =	rddreg [dreg:$0x0];
	s2 =	stileid.u32  }
0xad: {  	s1 =	rddreg [dreg:$0x1];
	p0 =	sne.s32 s2, $0x0  }
0xae: {  	s3 =	rddreg [dreg:$0x2];
	[bflag:$0x3] =	sbarrier.arrive $0xFFFF;
	s2 =	simm.s32 @!p0 $0x1C05  }
0xaf: {  	[timem:s3], [sflag:s2] =	dma.local @!p0 [hbm:s0], s1  }
0xb0: {  	s0 =	simm.s32 @!p0 $0x5  }
0xb1: {  	_ =	swait.ge @!p0 [sflag:s0], s1  }
0xb2: {  	s1 =	ssub.s32 @!p0 $0x0, s1;
	[sflag:s0] =	ssyncset.done @!p0 $0x0  }
0xb3: {  	[sflag:s0] =	ssyncadd.s32 @!p0 s1  }
0xb4: {  	[bflag:$0x3] =	sbarrier.arrive $0xFFFF  }
0xb5: {  	_ =	shalt  }

// kernel: kernel.14.cloned.1.call-start
scs
__scs_entry_jumppad:
0x0: {  	(pc) =	sbr.rel $0x88, $3  }
0x1: {  	(tag) =	ssettag $0x0;
	lr =	simm.s32 $0x1  }
0x2: {  	[smem:$0x3F97] =	sst lr;
	_ =	strace $0xD0000000  }
0x3: {  	_ = 	snop  }
0x4: {  	_ = 	snop  }
0x5: {  	_ = 	snop  }
0x6: {  	_ = 	snop  }
0x7: {  	_ = 	snop  }
__scs_overlays_trampoline_lowered:
0x8: {  	[smem:$0x3FA6] =	sst s0  }
0x9: {  	[smem:$0x3FA7] =	sst s1  }
0xa: {  	[smem:$0x3FA8] =	sst s2  }
0xb: {  	[smem:$0x3FA9] =	sst s3  }
0xc: {  	[smem:$0x3FAA] =	sst s4  }
0xd: {  	[smem:$0x3FAB] =	sst s5  }
0xe: {  	[smem:$0x3FAC] =	sst s6  }
0xf: {  	[smem:$0x3FAD] =	sst s7  }
0x10: {  	[smem:$0x3FAE] =	sst s8  }
0x11: {  	[smem:$0x3FAF] =	sst s9;
	s0 =	simm.s32 @!p0 $0x0  }
0x12: {  	s1 =	sld [smem:$0x3F95];
	s0 =	simm.s32 @p0 $0x1  }
0x13: {  	[smem:$0x3FB0] =	sst s0;
	s0 =	simm.s32 @!p1 $0x0  }
0x14: {  	s2 =	sld [smem:$0x3F94];
	s0 =	simm.s32 @p1 $0x1  }
0x15: {  	[smem:$0x3FB1] =	sst s0;
	s0 =	simm.s32 @!p2 $0x0  }
0x16: {  	s3 =	sld [smem:$0x3FDB];
	s0 =	simm.s32 @p2 $0x1  }
0x17: {  	s4 =	simm.s32 $0x1BF5;
	[smem:$0x3FB3] =	sst s0  }
0x18: {  	s0 =	sld [smem:$0x3F96];
	_ =	swait.ge [sflag:s4], $0x0  }
0x19: {  	s7 =	sld [smem:$0x3F97]  }
0x1a: {  	s8 =	sadd.s32 $0xFFFFE003, lr  }
0x1b: {  	s9 =	sadd.s32 $0xFFFFFEF7, lr;
	s5 =	simm.s32 $0xFFFFFFFF;
	p2 =	slt.u32 s8, $0xFFFFF086  }
0x1c: {  	p1 =	slt.u32 s9, $0xF7A;
	s5 =	simm.s32 @!p2 $0x0  }
0x1d: {  	s5 =	simm.s32 @p1 $0x1;
	p0 =	seq.s32 s7, s2  }
0x1e: {  	s7 =	smul.u32 @!p0 $0xF7A, s2;
	p2 =	seq.s32 @!p0 s5, $0x0  }
0x1f: {  	s9 =	smul.u32 $0xF7A, s1;
	s8 =	simm.s32 @!p0 $0x1BF5;
	p2 =	por !p2, p0  }
0x20: {  	[sflag:s8] =	ssyncset.s32 @!p0 $0xFFFFF086;
	s6 =	sadd.s32 @!p0 s3, s7;
	s7 =	simm.s32 @!p0 $0x108  }
0x21: {  	s3 =	sadd.s32 s3, s9;
	s6 =	sadd.s32 @!p0 $0x88, s6;
	s7 =	simm.s32 @p2 $0x1082  }
0x22: {  	[simem:s7], [sflag:s8] =	dma.local @!p0 [hbm:s6], $0xF7A  }
0x23: {  	s9 =	sor.u32 $0xD0000000, s2;
	s6 =	simm.s32 $0x108;
	_ =	swait.ge @!p0 [sflag:s8], $0x0  }
0x24: {  	s3 =	sadd.s32 $0x88, s3;
	s6 =	simm.s32 @!p1 $0x1082;
	[sflag:s4] =	ssyncset.s32 $0xFFFFF086  }
0x25: {  	[simem:s6], [sflag:s4] =	dma.local [hbm:s3], $0xF7A  }
0x26: {  	[smem:$0x3F97] =	sst s1;
	(tag) =	ssettag s2;
	_ =	strace s9  }
0x27: {  	s1 =	sld [smem:$0x3FA7]  }
0x28: {  	s2 =	sld [smem:$0x3FA8]  }
0x29: {  	s4 =	sld [smem:$0x3FAA]  }
0x2a: {  	p0 =	seq.s32 s5, $0x0;
	s5 =	sld [smem:$0x3FAB]  }
0x2b: {  	s6 =	sld [smem:$0x3FAC]  }
0x2c: {  	s7 =	sld [smem:$0x3FAD]  }
0x2d: {  	s3 =	simm.s32 $0x108;
	s8 =	sld [smem:$0x3FAE]  }
0x2e: {  	s3 =	simm.s32 @!p0 $0x1082;
	s9 =	sld [smem:$0x3FAF]  }
0x2f: {  	lr =	sadd.s32 s0, s3;
	s0 =	sld [smem:$0x3FA6]  }
0x30: {  	s3 =	sld [smem:$0x3FA9]  }
0x31: {  	[smem:$0x3FB2] =	sst s10  }
0x32: {  	s10 =	sld [smem:$0x3FB0];
	_ =	sdelay $0x3  }
0x33: {  	p0 =	seq.s32 s10, $0x1;
	s10 =	sld [smem:$0x3FB2];
	_ =	sdelay $0x3  }
0x34: {  	[smem:$0x3FB2] =	sst s10  }
0x35: {  	s10 =	sld [smem:$0x3FB1];
	_ =	sdelay $0x3  }
0x36: {  	p1 =	seq.s32 s10, $0x1;
	s10 =	sld [smem:$0x3FB2];
	_ =	sdelay $0x3  }
0x37: {  	[smem:$0x3FB2] =	sst s10  }
0x38: {  	s10 =	sld [smem:$0x3FB3]  }
0x39: {  	_ = 	snop;
	(pc) =	sbr.ind lr, $3  }
0x3a: {  	_ = 	snop  }
0x3b: {  	_ = 	snop  }
0x3c: {  	p2 =	seq.s32 s10, $0x1;
	s10 =	sld [smem:$0x3FB2]  }
0x3d: {  	_ =	shalt  }
0x3e: {  	_ =	shalt  }
0x3f: {  	_ =	shalt  }
0x40: {  	_ =	shalt  }
0x41: {  	_ =	shalt  }
0x42: {  	_ =	shalt  }
0x43: {  	_ =	shalt  }
0x44: {  	_ =	shalt  }
0x45: {  	_ =	shalt  }
0x46: {  	_ =	shalt  }
0x47: {  	_ =	shalt  }
0x48: {  	_ =	shalt  }
0x49: {  	_ =	shalt  }
0x4a: {  	_ =	shalt  }
0x4b: {  	_ =	shalt  }
0x4c: {  	_ =	shalt  }
0x4d: {  	_ =	shalt  }
0x4e: {  	_ =	shalt  }
0x4f: {  	_ =	shalt  }
0x50: {  	_ =	shalt  }
0x51: {  	_ =	shalt  }
0x52: {  	_ =	shalt  }
0x53: {  	_ =	shalt  }
0x54: {  	_ =	shalt  }
0x55: {  	_ =	shalt  }
0x56: {  	_ =	shalt  }
0x57: {  	_ =	shalt  }
0x58: {  	_ =	shalt  }
0x59: {  	_ =	shalt  }
0x5a: {  	_ =	shalt  }
0x5b: {  	_ =	shalt  }
0x5c: {  	_ =	shalt  }
0x5d: {  	_ =	shalt  }
0x5e: {  	_ =	shalt  }
0x5f: {  	_ =	shalt  }
0x60: {  	_ =	shalt  }
0x61: {  	_ =	shalt  }
0x62: {  	_ =	shalt  }
0x63: {  	_ =	shalt  }
0x64: {  	_ =	shalt  }
0x65: {  	_ =	shalt  }
0x66: {  	_ =	shalt  }
0x67: {  	_ =	shalt  }
0x68: {  	_ =	shalt  }
0x69: {  	_ =	shalt  }
0x6a: {  	_ =	shalt  }
0x6b: {  	_ =	shalt  }
0x6c: {  	_ =	shalt  }
0x6d: {  	_ =	shalt  }
0x6e: {  	_ =	shalt  }
0x6f: {  	_ =	shalt  }
0x70: {  	_ =	shalt  }
0x71: {  	_ =	shalt  }
0x72: {  	_ =	shalt  }
0x73: {  	_ =	shalt  }
0x74: {  	_ =	shalt  }
0x75: {  	_ =	shalt  }
0x76: {  	_ =	shalt  }
0x77: {  	_ =	shalt  }
0x78: {  	_ =	shalt  }
0x79: {  	_ =	shalt  }
0x7a: {  	_ =	shalt  }
0x7b: {  	_ =	shalt  }
0x7c: {  	_ =	shalt  }
0x7d: {  	_ =	shalt  }
0x7e: {  	_ =	shalt  }
0x7f: {  	_ =	shalt  }
0x80: {  	_ =	shalt  }
0x81: {  	_ =	shalt  }
0x82: {  	_ =	shalt  }
0x83: {  	_ =	shalt  }
0x84: {  	_ =	shalt  }
0x85: {  	_ =	shalt  }
0x86: {  	_ =	shalt  }
0x87: {  	_ =	shalt  }
.Lfunc_end0:
.L_simem_size_0:
called_computation.2_lowered:
.L_overlay_start_0:
0x88: {  	s2 =	sld [smem:$0x3FD9]  }
0x89: {  	s3 =	sld [smem:$0x3FFE];
	_ =	sdelay $0x1  }
0x8a: {  	s1 =	srdreg.scid  }
0x8b: {  	s0 =	sand.u32 $0x1, s1  }
0x8c: {  	s16 =	sshll.u32 s0, $0xA;
	s2 =	sadd.s32 s3, s2  }
0x8d: {  	s2 =	sadd.s32 s2, s16  }
0x8e: {  	[smem:$0x3FBE] =	sst s2  }
0x8f: {  	_ = 	snop  }
0x90: {  	(tm) =	ssettm $0x1  }
0x91: {  	s17 =	sld [smem:$0x3FFB];
	_ =	sdelay $0x3  }
0x92: {  	_ =	strace s17  }
0x93: {  	s2 =	sld [smem:$0x3FFC];
	_ =	sdelay $0x3  }
0x94: {  	_ =	strace s2  }
0x95: {  	s2 =	sld [smem:$0x3FFD];
	_ =	sdelay $0x3  }
0x96: {  	_ =	strace s2  }
0x97: {  	_ =	strace $0x8FFFFFFF  }
0x98: {  	s18 =	sld [smem:$0x3FDB];
	_ =	sdelay $0x1  }
0x99: {  	s19 =	simm.s32 $_scs_section_size  }
0x9a: {  	s4 =	simm.s32 $_size__tile_overlayer_lowered;
	s5 =	simm.s32 $_tile_overlayer_lowered  }
0x9b: {  	s22 =	simm.s32 $0x1BFF;
	s21 =	sshll.u32 s5, $0x1;
	s2 =	sadd.s32 s19, s18  }
0x9c: {  	s6 =	simm.s32 $0x0;
	s20 =	sshll.u32 s4, $0x1;
	s4 =	sadd.s32 s21, s2  }
0x9d: {  	[timem:s6], [sflag:s22] =	dma.local [hbm:s4], s20  }
0x9e: {  	_ =	swait.ge [sflag:s22], s20  }
0x9f: {  	s3 =	ssub.s32 $0x0, s20;
	[sflag:s22] =	ssyncset.done $0x0  }
0xa0: {  	[sflag:s22] =	ssyncadd.s32 s3;
	_ =	sdelay $0x1  }
0xa1: {  	s23 =	simm.s32 $0x1B8B  }
0xa2: {  	_ =	swait.ge [sflag:s23], $0x1  }
0xa3: {  	[sflag:s23] =	ssyncset.done $0x0  }
0xa4: {  	s25 =	simm.s32 $0x1B8E;
	s24 =	sld [smem:$0x3FFE];
	[sflag:s23] =	ssyncadd.s32 $0xFFFFFFFF  }
0xa5: {  	s26 =	simm.s32 $execute0_lowered;
	[smem:$0x3FD2] =	sst s25  }
0xa6: {  	s4 =	sshll.u32 s26, $0x1;
	_ =	strace $0x8000004C;
	[dreg:$0x1] =	wrdreg $0xFFFFFFFF  }
0xa7: {  	s28 =	simm.s32 $_size_execute0_lowered;
	s2 =	sadd.s32 s2, s4;
	[dreg:$0x0] =	wrdreg $0x0  }
0xa8: {  	s4 =	sshll.u32 s28, $0x1;
	[dreg:$0x2] =	wrdreg s2  }
0xa9: {  	[dreg:$0x3] =	wrdreg s4  }
0xaa: {  	[dreg:$0x4] =	wrdreg $0xC0  }
0xab: {  	_ =	task [dreg:s6], $0x5FFFF  }
0xac: {  	[dreg:$0x1] =	wrdreg $0xFFFFFFFF  }
0xad: {  	[dreg:$0x0] =	wrdreg $0x60  }
0xae: {  	[dreg:$0x2] =	wrdreg s24  }
0xaf: {  	[dreg:$0x3] =	wrdreg $0xA1000  }
0xb0: {  	[dreg:$0x4] =	wrdreg $0x9  }
0xb1: {  	_ =	task.clear_ibuf [dreg:s6], $0x5FFFF;
	_ =	strace $0x9000004C  }
0xb2: {  	s29 =	simm.s32 $0x9;
	_ =	strace $0x8000004E  }
0xb3: {  	_ =	swait.ge [sflag:s29], $0x1  }
0xb4: {  	[sflag:s29] =	ssyncadd.s32 $0xFFFFFFFF  }
0xb5: {  	_ =	strace $0x9000004E  }
0xb6: {  	_ =	sfence  }
0xb7: {  	s30 =	sld [smem:$0x0];
	_ =	sdelay $0x2  }
0xb8: {  	s31 =	sshll.u32 s1, $0xD;
	s1 =	sshrl.u32 s1, $0x2  }
0xb9: {  	s3 =	sand.u32 $0x4000, s31;
	s1 =	sadd.s32 s1, s30  }
0xba: {  	s0 =	sor.u32 s3, s0;
	s1 =	sshll.u32 s1, $0x11  }
0xbb: {  	s0 =	sor.u32 s1, s0  }
0xbc: {  	s0 =	sadd.s32 $0x8F2B, s0  }
0xbd: {  	[sflag:s0] =	ssyncadd.remote.s32 $0x1  }
0xbe: {  	_ =	sfence.sel $0xFFFF  }
0xbf: {  	[dreg:$0x0] =	wrdreg $0xFFFFFFFF;
	(pc) =	sbr.abs _section_cstart, $3  }
0xc0: {  	[dreg:$0x1] =	wrdreg $0xFFFFFFFF  }
0xc1: {  	_ =	task.clear_ibuf [dreg:s6], $0x2FFFF;
	_ =	strace $0x9FFFFFFF  }
0xc2: {  	(tm) =	ssettm $0x7FFFFFFF  }
0xc3: {  	_ =	shalt  }
tec
execute0_lowered:
.L_overlay_start_1:
0x0: {  	(tag) =	ssettag $0x1  }
0x1: {  	s0 =	srdreg.scid;
	s1 =	rddreg [dreg:$0x0]  }
0x2: {  	s10 =	stileid.u32;
	s2 =	rddreg [dreg:$0x1];
	s23 =	simm.s32 $0x0  }
0x3: {  	s18 =	simm.s32 $0x1;
	s19 =	simm.s32 $0x2;
	s20 =	simm.s32 $0x3  }
0x4: {  	s21 =	simm.s32 $0x50;
	s22 =	simm.s32 $0x4F00;
	s28 =	simm.s32 $0x5080  }
0x5: {  	s29 =	simm.s32 $0x4;
	s30 =	simm.s32 $0x5;
	s31 =	simm.s32 $0x0  }
0x6: {  	s0 =	sand.u32 $0x1, s0;
	[smem:$0x7FF] =	sst s23;
	s6 =	smul.u32 $0x2800, s10  }
0x7: {  	s9 =	smul.u32 $0x50000, s10;
	s23 =	simm.s32 $0x5100;
	s3 =	sshll.u32 s0, $0x4  }
0x8: {  	_ =	strace $0x8000004D;
	s7 =	smul.u32 $0x28000, s0;
	s0 =	ssub.s32 $0x2, s0  }
0x9: {  	s4 =	sor.u32 s10, s3;
	s24 =	sshrl.u32 s0, $0x1;
	s25 =	sshrl.u32 s9, $0x2  }
0xa: {  	s5 =	smul.u32 $0x4E2, s4;
	s4 =	sadd.s32 $0x15E00, s1;
	s6 =	sadd.s32 s6, s7  }
0xb: {  	s0 =	ssub.s32 s0, s24;
	s12 =	sadd.s32 s25, s2;
	s7 =	sshll.u32 s10, $0x6  }
0xc: {  	s25 =	simm.s32 $0x7900;
	s9 =	sor.u32 $0x1C03, s7;
	s14 =	sadd.s32 $0x4000, s12  }
0xd: {  	s15 =	sadd.s32 $0x8000, s12;
	s16 =	sadd.s32 $0xC000, s12;
	s17 =	sadd.s32 $0x10000, s12  }
.Ltmp0:
0xe: {  	s11 =	smax.u32 s0, $0x1;
	s13 =	sshrl.u32 s12, $0x3;
	(pc) =	sbr.rel .LBB2_1-.Ltmp0, $4  }
0xf: {  	s8 =	sadd.s32 s5, s1;
	s5 =	sadd.s32 $0x3D000, s1;
	s1 =	sadd.s32 s6, s1  }
0x10: {  	s14 =	sshrl.u32 s14, $0x3;
	s15 =	sshrl.u32 s15, $0x3;
	s16 =	sshrl.u32 s16, $0x3  }
0x11: {  	s17 =	sshrl.u32 s17, $0x3;
	s26 =	sadd.s32 $0xC000, s8;
	s8 =	sadd.s32 $0x2200, s8  }
0x12: {  	s10 =	sadd.s32 $0x3D800, s1;
	[dreg:$0x3] =	wrdreg s26;
	s26 =	simm.s32 $0x5000  }
.LBB2_6:
0x13: {  	_ =	swait.ge [sflag:s20], $0x2800  }
0x14: {  	[sflag:s20] =	ssyncset.done $0x0  }
0x15: {  	[sflag:s20] =	ssyncadd.s32 $0xFFFFD800  }
0x16: {  	_ =	swait.ge [sflag:s29], $0x2800  }
0x17: {  	s31 =	sadd.s32 $0x1, s31;
	[sflag:s29] =	ssyncset.done $0x0  }
0x18: {  	p0 =	sne.s32 s31, s11;
	[sflag:s29] =	ssyncadd.s32 $0xFFFFD800  }
.Ltmp1:
0x19: {  	s0 =	sor.u32 $0x1C05, s7;
	[bflag:$0x0] =	sbarrier.arrive $0xFFFF;
	(pc) =	sbr.rel @!p0 .LBB2_7-.Ltmp1, $4  }
0x1a: {  	[hbm:s10], [sflag:s0] =	dma.local [spmem:s13], $0x2800  }
0x1b: {  	_ =	swait.ge [sflag:s30], $0x2800  }
0x1c: {  	[sflag:s30] =	ssyncset.done $0x0  }
0x1d: {  	[sflag:s30] =	ssyncadd.s32 $0xFFFFD800  }
.LBB2_1:
0x1e: {  	s0 =	simm.s32 $0x0;
	s1 =	rddreg [dreg:$0x3]  }
0x1f: {  	[tilespmem:s0], [sflag:$0x1] =	stream.linear.gather [hbm4b:s1+s0], $0x2710, $0x38;
	[tilespmem:$0x1E100] =	vst v63  }
0x20: {  	s12 =	simm.s32 $0x2780  }
0x21: {  	[tilespmem:s12], [sflag:$0x2] =	stream.linear.gather [hbm4b:s8+s0], $0x2710, $0x38;
	[tilespmem:$0x1E100] =	vst v63  }
0x22: {  	[spmem:s13], [sflag:s9] =	dma.local [hbm:s5], $0x800  }
0x23: {  	[spmem:s14], [sflag:s9] =	dma.local [hbm:s5], $0x800  }
0x24: {  	[spmem:s15], [sflag:s9] =	dma.local [hbm:s5], $0x800  }
0x25: {  	[spmem:s16], [sflag:s9] =	dma.local [hbm:s5], $0x800  }
0x26: {  	[spmem:s17], [sflag:s9] =	dma.local [hbm:s5], $0x800  }
0x27: {  	_ =	swait.ge [sflag:s18], $0x2710  }
0x28: {  	[sflag:s18] =	ssyncset.done $0x0  }
0x29: {  	[sflag:s18] =	ssyncadd.s32 $0xFFFFD8F0  }
0x2a: {  	_ =	swait.ge [sflag:s19], $0x2710  }
0x2b: {  	[sflag:s19] =	ssyncset.done $0x0  }
0x2c: {  	[sflag:s19] =	ssyncadd.s32 $0xFFFFD8F0  }
0x2d: {  	_ =	swait.ge [sflag:s20], $0x800  }
0x2e: {  	[sflag:s20] =	ssyncset.done $0x0  }
0x2f: {  	[sflag:s20] =	ssyncadd.s32 $0xFFFFF800  }
0x30: {  	_ =	swait.ge [sflag:s20], $0x800  }
0x31: {  	[sflag:s20] =	ssyncset.done $0x0  }
0x32: {  	[sflag:s20] =	ssyncadd.s32 $0xFFFFF800  }
0x33: {  	_ =	swait.ge [sflag:s20], $0x800  }
0x34: {  	[sflag:s20] =	ssyncset.done $0x0  }
0x35: {  	[sflag:s20] =	ssyncadd.s32 $0xFFFFF800  }
0x36: {  	_ =	swait.ge [sflag:s20], $0x800  }
0x37: {  	[sflag:s20] =	ssyncset.done $0x0  }
0x38: {  	[sflag:s20] =	ssyncadd.s32 $0xFFFFF800  }
0x39: {  	_ =	swait.ge [sflag:s20], $0x800  }
0x3a: {  	[sflag:s20] =	ssyncset.done $0x0  }
0x3b: {  	[sflag:s20] =	ssyncadd.s32 $0xFFFFF800  }
0x3c: {  	[bflag:$0x0] =	sbarrier.arrive $0xFFFF  }
0x3d: {  	v0 =	vld [tilespmem:$0x0]  }
0x3e: {  	v1 =	vld [tilespmem:$0x2780]  }
0x3f: {  	v2 =	vld [tilespmem:$0x10]  }
0x40: {  	v3 =	vld [tilespmem:$0x2790]  }
0x41: {  	v4 =	vld [tilespmem:$0x20]  }
0x42: {  	v49 =	vld [tilespmem:$0x27A0];
	[tilespmem:$0x4F00] =	vst v0  }
0x43: {  	v50 =	vld [tilespmem:$0x30];
	[tilespmem:$0x5000] =	vst v1  }
0x44: {  	v51 =	vld [tilespmem:$0x27B0];
	[tilespmem:$0x4F10] =	vst v2  }
0x45: {  	v52 =	vld [tilespmem:$0x40];
	[tilespmem:$0x5010] =	vst v3  }
0x46: {  	v53 =	vld [tilespmem:$0x27C0];
	[tilespmem:$0x4F20] =	vst v4  }
0x47: {  	[tilespmem:$0x5020] =	vst v49  }
0x48: {  	[tilespmem:$0x4F30] =	vst v50  }
0x49: {  	[tilespmem:$0x5030] =	vst v51  }
0x4a: {  	[tilespmem:$0x4F40] =	vst v52  }
0x4b: {  	[tilespmem:$0x5040] =	vst v53  }
0x4c: {  	[tilespmem:s23], [sflag:$0x1] =	stream.indirect.gather [hbm4b:s4+s21], $0x80, s22, s21, $0xb8;
	[tilespmem:$0x1E100] =	vst v63  }
0x4d: {  	v54 =	vld [tilespmem:$0x50]  }
0x4e: {  	v55 =	vld [tilespmem:$0x27D0]  }
0x4f: {  	v56 =	vld [tilespmem:$0x60]  }
0x50: {  	v57 =	vld [tilespmem:$0x27E0]  }
0x51: {  	v58 =	vld [tilespmem:$0x70]  }
0x52: {  	v59 =	vld [tilespmem:$0x27F0];
	[tilespmem:$0x4F80] =	vst v54  }
0x53: {  	v60 =	vld [tilespmem:$0x80];
	[tilespmem:$0x5080] =	vst v55  }
0x54: {  	v61 =	vld [tilespmem:$0x2800];
	[tilespmem:$0x4F90] =	vst v56  }
0x55: {  	v62 =	vld [tilespmem:$0x90];
	[tilespmem:$0x5090] =	vst v57  }
0x56: {  	v63 =	vld [tilespmem:$0x2810];
	[tilespmem:$0x4FA0] =	vst v58  }
0x57: {  	[tilespmem:$0x50A0] =	vst v59  }
.Ltmp2:
0x58: {  	[tilespmem:$0x4FB0] =	vst v60;
	(pc) =	sbr.rel .LBB2_2-.Ltmp2, $4  }
0x59: {  	[tilespmem:$0x50B0] =	vst v61  }
0x5a: {  	s24 =	simm.s32 $0x4F80;
	[tilespmem:$0x4FC0] =	vst v62  }
0x5b: {  	s1 =	simm.s32 $0x28B0;
	s0 =	simm.s32 $0x130;
	s12 =	simm.s32 $0x0;
	[tilespmem:$0x50C0] =	vst v63  }
0x5c: {  	[tilespmem:s25], [sflag:$0x2] =	stream.indirect.gather [hbm4b:s4+s21], $0x80, s24, s21, $0xb8;
	[tilespmem:$0x1E100] =	vst v63  }
.LBB2_3:
0x5d: {  	_ =	swait.ge [sflag:s19], $0x2800  }
0x5e: {  	[sflag:s19] =	ssyncset.done $0x0  }
0x5f: {  	[sflag:s19] =	ssyncadd.s32 $0xFFFFD800  }
0x60: {  	[spmem:s2] =	stream.indirect.scatter.add.f32 [tilespmem:s25], [sflag:$0x4], $0x80, s28, s21, $0xb8;
	[tilespmem:$0x1E100] =	vst v63  }
.LBB2_5:
0x61: {  	_ =	swait.ge [sflag:s20], $0x2800  }
0x62: {  	[sflag:s20] =	ssyncset.done $0x0  }
0x63: {  	[sflag:s20] =	ssyncadd.s32 $0xFFFFD800  }
0x64: {  	v0 =	vld [tilespmem:s0+$0xFFFFFF70];
	_ =	sdelay $0x4  }
0x65: {  	[tilespmem:$0x4F00] =	vst v0  }
0x66: {  	v0 =	vld [tilespmem:s1+$0xFFFFFF70];
	_ =	sdelay $0x4  }
0x67: {  	[tilespmem:$0x5000] =	vst v0  }
0x68: {  	v0 =	vld [tilespmem:s0+$0xFFFFFF80];
	_ =	sdelay $0x4  }
0x69: {  	[tilespmem:$0x4F10] =	vst v0  }
0x6a: {  	v0 =	vld [tilespmem:s1+$0xFFFFFF80];
	_ =	sdelay $0x4  }
0x6b: {  	[tilespmem:$0x5010] =	vst v0  }
0x6c: {  	v0 =	vld [tilespmem:s0+$0xFFFFFF90];
	_ =	sdelay $0x4  }
0x6d: {  	[tilespmem:$0x4F20] =	vst v0  }
0x6e: {  	v0 =	vld [tilespmem:s1+$0xFFFFFF90];
	_ =	sdelay $0x4  }
0x6f: {  	[tilespmem:$0x5020] =	vst v0  }
0x70: {  	v0 =	vld [tilespmem:s0+$0xFFFFFFA0];
	_ =	sdelay $0x4  }
0x71: {  	[tilespmem:$0x4F30] =	vst v0  }
0x72: {  	v0 =	vld [tilespmem:s1+$0xFFFFFFA0];
	_ =	sdelay $0x4  }
0x73: {  	[tilespmem:$0x5030] =	vst v0  }
0x74: {  	v0 =	vld [tilespmem:s0+$0xFFFFFFB0];
	_ =	sdelay $0x4  }
0x75: {  	[tilespmem:$0x4F40] =	vst v0  }
0x76: {  	v0 =	vld [tilespmem:s1+$0xFFFFFFB0];
	_ =	sdelay $0x3  }
0x77: {  	p0 =	sgt.u32 s12, $0x3C  }
0x78: {  	s24 =	simm.s32 @!p0 $0x4;
	[tilespmem:$0x5040] =	vst v0  }
0x79: {  	[tilespmem:s23], [sflag:$0x1] =	stream.indirect.gather [hbm4b:s4+s21], $0x80, s22, s21, $0xb8;
	[tilespmem:$0x1E100] =	vst v63  }
0x7a: {  	_ =	swait.ge @!p0 [sflag:s24], $0x2800  }
0x7b: {  	[sflag:s24] =	ssyncset.done @!p0 $0x0  }
0x7c: {  	[sflag:s24] =	ssyncadd.s32 @!p0 $0xFFFFD800  }
0x7d: {  	v0 =	vld @!p0 [tilespmem:s0+$0xFFFFFFC0];
	_ =	sdelay $0x4  }
0x7e: {  	[tilespmem:$0x4F80] =	vst @!p0 v0  }
0x7f: {  	v0 =	vld @!p0 [tilespmem:s1+$0xFFFFFFC0];
	_ =	sdelay $0x4  }
0x80: {  	[tilespmem:$0x5080] =	vst @!p0 v0  }
0x81: {  	v0 =	vld @!p0 [tilespmem:s0+$0xFFFFFFD0];
	_ =	sdelay $0x4  }
0x82: {  	[tilespmem:$0x4F90] =	vst @!p0 v0  }
0x83: {  	v0 =	vld @!p0 [tilespmem:s1+$0xFFFFFFD0];
	_ =	sdelay $0x4  }
0x84: {  	[tilespmem:$0x5090] =	vst @!p0 v0  }
0x85: {  	v0 =	vld @!p0 [tilespmem:s0+$0xFFFFFFE0];
	_ =	sdelay $0x4  }
0x86: {  	[tilespmem:$0x4FA0] =	vst @!p0 v0  }
0x87: {  	v0 =	vld @!p0 [tilespmem:s1+$0xFFFFFFE0];
	_ =	sdelay $0x4  }
0x88: {  	[tilespmem:$0x50A0] =	vst @!p0 v0  }
0x89: {  	v0 =	vld @!p0 [tilespmem:s0+$0xFFFFFFF0];
	_ =	sdelay $0x4  }
0x8a: {  	[tilespmem:$0x4FB0] =	vst @!p0 v0  }
0x8b: {  	v0 =	vld @!p0 [tilespmem:s1+$0xFFFFFFF0];
	_ =	sdelay $0x4  }
0x8c: {  	[tilespmem:$0x50B0] =	vst @!p0 v0  }
0x8d: {  	v0 =	vld @!p0 [tilespmem:s0+$0x0];
	_ =	sdelay $0x4  }
0x8e: {  	[tilespmem:$0x4FC0] =	vst @!p0 v0  }
0x8f: {  	v0 =	vld @!p0 [tilespmem:s1+$0x0];
	_ =	sdelay $0x3  }
0x90: {  	s12 =	sadd.s32 $0x1, s12  }
0x91: {  	s3 =	simm.s32 @!p0 $0x4F80;
	s6 =	simm.s32 @!p0 $0x7900;
	s24 =	simm.s32 @!p0 $0x50;
	[tilespmem:$0x50C0] =	vst @!p0 v0  }
0x92: {  	[tilespmem:s6], [sflag:$0x2] =	stream.indirect.gather @!p0 [hbm4b:s4+s24], $0x80, s3, s24, $0xb8;
	[tilespmem:$0x1E100] =	vst v63  }
0x93: {  	p0 =	sne.s32 s12, $0x3F  }
.Ltmp3:
0x94: {  	_ = 	snop;
	(pc) =	sbr.rel @!p0 .LBB2_6-.Ltmp3, $2  }
0x95: {  	_ =	sdelay $0x2  }
0x96: {  	s0 =	sadd.s32 $0xA0, s0;
	s1 =	sadd.s32 $0xA0, s1  }
.LBB2_2:
0x97: {  	p0 =	sgt.u32 s12, $0x3D  }
.Ltmp4:
0x98: {  	_ = 	snop;
	(pc) =	sbr.rel @!p0 .LBB2_3-.Ltmp4, $4  }
0x99: {  	_ =	swait.ge [sflag:s18], $0x2800  }
0x9a: {  	[sflag:s18] =	ssyncset.done $0x0  }
0x9b: {  	[sflag:s18] =	ssyncadd.s32 $0xFFFFD800  }
0x9c: {  	[spmem:s2] =	stream.indirect.scatter.add.f32 [tilespmem:s23], [sflag:$0x3], $0x80, s26, s21, $0xb8;
	[tilespmem:$0x1E100] =	vst v63  }
0x9d: {  	p0 =	seq.s32 s12, $0x3E  }
.Ltmp5:
0x9e: {  	_ = 	snop;
	(pc) =	sbr.rel @!p0 .LBB2_5-.Ltmp5, $4  }
.Ltmp6:
0x9f: {  	_ = 	snop;
	(pc) =	sbr.rel @p0 .LBB2_6-.Ltmp6, $4  }
0xa0: {  	_ = 	snop  }
0xa1: {  	_ = 	snop  }
0xa2: {  	_ = 	snop  }
0xa3: {  	_ = 	snop  }
.LBB2_7:
0xa4: {  	_ =	sfence.sel $0x180000  }
0xa5: {  	[bflag:$0x0] =	sbarrier.arrive $0xFFFF  }
0xa6: {  	_ =	strace $0x9000004D  }
0xa7: {  	s0 =	stileid.u32;
	[bflag:$0x2] =	sbarrier.arrive $0xFFFF  }
0xa8: {  	p0 =	sne.s32 s0, $0x0;
	s0 =	rddreg [dreg:$0x2]  }
0xa9: {  	s0 =	sadd.s32 @!p0 $0x100000, s0  }
0xaa: {  	[sflag:s0] =	ssyncadd.tile.s32 @!p0 $0x1;
	_ =	shalt  }
.Lfunc_end2:
_tile_overlayer_lowered:
.L_overlay_start_2:
0xab: {  	(tag) =	ssettag $0x2  }
0xac: {  	s0 =	rddreg [dreg:$0x0];
	s2 =	stileid.u32  }
0xad: {  	s1 =	rddreg [dreg:$0x1];
	p0 =	sne.s32 s2, $0x0  }
0xae: {  	s3 =	rddreg [dreg:$0x2];
	[bflag:$0x3] =	sbarrier.arrive $0xFFFF;
	s2 =	simm.s32 @!p0 $0x1C05  }
0xaf: {  	[timem:s3], [sflag:s2] =	dma.local @!p0 [hbm:s0], s1  }
0xb0: {  	s0 =	simm.s32 @!p0 $0x5  }
0xb1: {  	_ =	swait.ge @!p0 [sflag:s0], s1  }
0xb2: {  	s1 =	ssub.s32 @!p0 $0x0, s1;
	[sflag:s0] =	ssyncset.done @!p0 $0x0  }
0xb3: {  	[sflag:s0] =	ssyncadd.s32 @!p0 s1  }
0xb4: {  	[bflag:$0x3] =	sbarrier.arrive $0xFFFF  }
0xb5: {  	_ =	shalt  }

// kernel: kernel.8.cloned.1.call-start
scs
__scs_entry_jumppad:
0x0: {  	(pc) =	sbr.rel $0x88, $3  }
0x1: {  	(tag) =	ssettag $0x0;
	lr =	simm.s32 $0x1  }
0x2: {  	[smem:$0x3F97] =	sst lr;
	_ =	strace $0xD0000000  }
0x3: {  	_ = 	snop  }
0x4: {  	_ = 	snop  }
0x5: {  	_ = 	snop  }
0x6: {  	_ = 	snop  }
0x7: {  	_ = 	snop  }
__scs_overlays_trampoline_lowered:
0x8: {  	[smem:$0x3FA6] =	sst s0  }
0x9: {  	[smem:$0x3FA7] =	sst s1  }
0xa: {  	[smem:$0x3FA8] =	sst s2  }
0xb: {  	[smem:$0x3FA9] =	sst s3  }
0xc: {  	[smem:$0x3FAA] =	sst s4  }
0xd: {  	[smem:$0x3FAB] =	sst s5  }
0xe: {  	[smem:$0x3FAC] =	sst s6  }
0xf: {  	[smem:$0x3FAD] =	sst s7  }
0x10: {  	[smem:$0x3FAE] =	sst s8  }
0x11: {  	[smem:$0x3FAF] =	sst s9;
	s0 =	simm.s32 @!p0 $0x0  }
0x12: {  	s1 =	sld [smem:$0x3F95];
	s0 =	simm.s32 @p0 $0x1  }
0x13: {  	[smem:$0x3FB0] =	sst s0;
	s0 =	simm.s32 @!p1 $0x0  }
0x14: {  	s2 =	sld [smem:$0x3F94];
	s0 =	simm.s32 @p1 $0x1  }
0x15: {  	[smem:$0x3FB1] =	sst s0;
	s0 =	simm.s32 @!p2 $0x0  }
0x16: {  	s3 =	sld [smem:$0x3FDB];
	s0 =	simm.s32 @p2 $0x1  }
0x17: {  	s4 =	simm.s32 $0x1BF5;
	[smem:$0x3FB3] =	sst s0  }
0x18: {  	s0 =	sld [smem:$0x3F96];
	_ =	swait.ge [sflag:s4], $0x0  }
0x19: {  	s7 =	sld [smem:$0x3F97]  }
0x1a: {  	s8 =	sadd.s32 $0xFFFFE003, lr  }
0x1b: {  	s9 =	sadd.s32 $0xFFFFFEF7, lr;
	s5 =	simm.s32 $0xFFFFFFFF;
	p2 =	slt.u32 s8, $0xFFFFF086  }
0x1c: {  	p1 =	slt.u32 s9, $0xF7A;
	s5 =	simm.s32 @!p2 $0x0  }
0x1d: {  	s5 =	simm.s32 @p1 $0x1;
	p0 =	seq.s32 s7, s2  }
0x1e: {  	s7 =	smul.u32 @!p0 $0xF7A, s2;
	p2 =	seq.s32 @!p0 s5, $0x0  }
0x1f: {  	s9 =	smul.u32 $0xF7A, s1;
	s8 =	simm.s32 @!p0 $0x1BF5;
	p2 =	por !p2, p0  }
0x20: {  	[sflag:s8] =	ssyncset.s32 @!p0 $0xFFFFF086;
	s6 =	sadd.s32 @!p0 s3, s7;
	s7 =	simm.s32 @!p0 $0x108  }
0x21: {  	s3 =	sadd.s32 s3, s9;
	s6 =	sadd.s32 @!p0 $0x88, s6;
	s7 =	simm.s32 @p2 $0x1082  }
0x22: {  	[simem:s7], [sflag:s8] =	dma.local @!p0 [hbm:s6], $0xF7A  }
0x23: {  	s9 =	sor.u32 $0xD0000000, s2;
	s6 =	simm.s32 $0x108;
	_ =	swait.ge @!p0 [sflag:s8], $0x0  }
0x24: {  	s3 =	sadd.s32 $0x88, s3;
	s6 =	simm.s32 @!p1 $0x1082;
	[sflag:s4] =	ssyncset.s32 $0xFFFFF086  }
0x25: {  	[simem:s6], [sflag:s4] =	dma.local [hbm:s3], $0xF7A  }
0x26: {  	[smem:$0x3F97] =	sst s1;
	(tag) =	ssettag s2;
	_ =	strace s9  }
0x27: {  	s1 =	sld [smem:$0x3FA7]  }
0x28: {  	s2 =	sld [smem:$0x3FA8]  }
0x29: {  	s4 =	sld [smem:$0x3FAA]  }
0x2a: {  	p0 =	seq.s32 s5, $0x0;
	s5 =	sld [smem:$0x3FAB]  }
0x2b: {  	s6 =	sld [smem:$0x3FAC]  }
0x2c: {  	s7 =	sld [smem:$0x3FAD]  }
0x2d: {  	s3 =	simm.s32 $0x108;
	s8 =	sld [smem:$0x3FAE]  }
0x2e: {  	s3 =	simm.s32 @!p0 $0x1082;
	s9 =	sld [smem:$0x3FAF]  }
0x2f: {  	lr =	sadd.s32 s0, s3;
	s0 =	sld [smem:$0x3FA6]  }
0x30: {  	s3 =	sld [smem:$0x3FA9]  }
0x31: {  	[smem:$0x3FB2] =	sst s10  }
0x32: {  	s10 =	sld [smem:$0x3FB0];
	_ =	sdelay $0x3  }
0x33: {  	p0 =	seq.s32 s10, $0x1;
	s10 =	sld [smem:$0x3FB2];
	_ =	sdelay $0x3  }
0x34: {  	[smem:$0x3FB2] =	sst s10  }
0x35: {  	s10 =	sld [smem:$0x3FB1];
	_ =	sdelay $0x3  }
0x36: {  	p1 =	seq.s32 s10, $0x1;
	s10 =	sld [smem:$0x3FB2];
	_ =	sdelay $0x3  }
0x37: {  	[smem:$0x3FB2] =	sst s10  }
0x38: {  	s10 =	sld [smem:$0x3FB3]  }
0x39: {  	_ = 	snop;
	(pc) =	sbr.ind lr, $3  }
0x3a: {  	_ = 	snop  }
0x3b: {  	_ = 	snop  }
0x3c: {  	p2 =	seq.s32 s10, $0x1;
	s10 =	sld [smem:$0x3FB2]  }
0x3d: {  	_ =	shalt  }
0x3e: {  	_ =	shalt  }
0x3f: {  	_ =	shalt  }
0x40: {  	_ =	shalt  }
0x41: {  	_ =	shalt  }
0x42: {  	_ =	shalt  }
0x43: {  	_ =	shalt  }
0x44: {  	_ =	shalt  }
0x45: {  	_ =	shalt  }
0x46: {  	_ =	shalt  }
0x47: {  	_ =	shalt  }
0x48: {  	_ =	shalt  }
0x49: {  	_ =	shalt  }
0x4a: {  	_ =	shalt  }
0x4b: {  	_ =	shalt  }
0x4c: {  	_ =	shalt  }
0x4d: {  	_ =	shalt  }
0x4e: {  	_ =	shalt  }
0x4f: {  	_ =	shalt  }
0x50: {  	_ =	shalt  }
0x51: {  	_ =	shalt  }
0x52: {  	_ =	shalt  }
0x53: {  	_ =	shalt  }
0x54: {  	_ =	shalt  }
0x55: {  	_ =	shalt  }
0x56: {  	_ =	shalt  }
0x57: {  	_ =	shalt  }
0x58: {  	_ =	shalt  }
0x59: {  	_ =	shalt  }
0x5a: {  	_ =	shalt  }
0x5b: {  	_ =	shalt  }
0x5c: {  	_ =	shalt  }
0x5d: {  	_ =	shalt  }
0x5e: {  	_ =	shalt  }
0x5f: {  	_ =	shalt  }
0x60: {  	_ =	shalt  }
0x61: {  	_ =	shalt  }
0x62: {  	_ =	shalt  }
0x63: {  	_ =	shalt  }
0x64: {  	_ =	shalt  }
0x65: {  	_ =	shalt  }
0x66: {  	_ =	shalt  }
0x67: {  	_ =	shalt  }
0x68: {  	_ =	shalt  }
0x69: {  	_ =	shalt  }
0x6a: {  	_ =	shalt  }
0x6b: {  	_ =	shalt  }
0x6c: {  	_ =	shalt  }
0x6d: {  	_ =	shalt  }
0x6e: {  	_ =	shalt  }
0x6f: {  	_ =	shalt  }
0x70: {  	_ =	shalt  }
0x71: {  	_ =	shalt  }
0x72: {  	_ =	shalt  }
0x73: {  	_ =	shalt  }
0x74: {  	_ =	shalt  }
0x75: {  	_ =	shalt  }
0x76: {  	_ =	shalt  }
0x77: {  	_ =	shalt  }
0x78: {  	_ =	shalt  }
0x79: {  	_ =	shalt  }
0x7a: {  	_ =	shalt  }
0x7b: {  	_ =	shalt  }
0x7c: {  	_ =	shalt  }
0x7d: {  	_ =	shalt  }
0x7e: {  	_ =	shalt  }
0x7f: {  	_ =	shalt  }
0x80: {  	_ =	shalt  }
0x81: {  	_ =	shalt  }
0x82: {  	_ =	shalt  }
0x83: {  	_ =	shalt  }
0x84: {  	_ =	shalt  }
0x85: {  	_ =	shalt  }
0x86: {  	_ =	shalt  }
0x87: {  	_ =	shalt  }
.Lfunc_end0:
.L_simem_size_0:
called_computation_lowered:
.L_overlay_start_0:
0x88: {  	s2 =	sld [smem:$0x3FD9]  }
0x89: {  	s3 =	sld [smem:$0x3FFE];
	_ =	sdelay $0x1  }
0x8a: {  	s1 =	srdreg.scid  }
0x8b: {  	s0 =	sand.u32 $0x1, s1  }
0x8c: {  	s16 =	sshll.u32 s0, $0xA;
	s2 =	sadd.s32 s3, s2  }
0x8d: {  	s2 =	sadd.s32 s2, s16  }
0x8e: {  	[smem:$0x3FBE] =	sst s2  }
0x8f: {  	_ = 	snop  }
0x90: {  	(tm) =	ssettm $0x1  }
0x91: {  	s17 =	sld [smem:$0x3FFB];
	_ =	sdelay $0x3  }
0x92: {  	_ =	strace s17  }
0x93: {  	s2 =	sld [smem:$0x3FFC];
	_ =	sdelay $0x3  }
0x94: {  	_ =	strace s2  }
0x95: {  	s2 =	sld [smem:$0x3FFD];
	_ =	sdelay $0x3  }
0x96: {  	_ =	strace s2  }
0x97: {  	_ =	strace $0x8FFFFFFF  }
0x98: {  	s18 =	sld [smem:$0x3FDB];
	_ =	sdelay $0x1  }
0x99: {  	s19 =	simm.s32 $_scs_section_size  }
0x9a: {  	s4 =	simm.s32 $_size__tile_overlayer_lowered;
	s5 =	simm.s32 $_tile_overlayer_lowered  }
0x9b: {  	s22 =	simm.s32 $0x1BFF;
	s21 =	sshll.u32 s5, $0x1;
	s2 =	sadd.s32 s19, s18  }
0x9c: {  	s6 =	simm.s32 $0x0;
	s20 =	sshll.u32 s4, $0x1;
	s4 =	sadd.s32 s21, s2  }
0x9d: {  	[timem:s6], [sflag:s22] =	dma.local [hbm:s4], s20  }
0x9e: {  	_ =	swait.ge [sflag:s22], s20  }
0x9f: {  	s3 =	ssub.s32 $0x0, s20;
	[sflag:s22] =	ssyncset.done $0x0  }
0xa0: {  	[sflag:s22] =	ssyncadd.s32 s3;
	_ =	sdelay $0x1  }
0xa1: {  	s23 =	simm.s32 $0x1B8B  }
0xa2: {  	_ =	swait.ge [sflag:s23], $0x1  }
0xa3: {  	[sflag:s23] =	ssyncset.done $0x0  }
0xa4: {  	s25 =	simm.s32 $0x1B8E;
	s24 =	sld [smem:$0x3FFE];
	[sflag:s23] =	ssyncadd.s32 $0xFFFFFFFF  }
0xa5: {  	s26 =	simm.s32 $execute0_lowered;
	[smem:$0x3FD2] =	sst s25  }
0xa6: {  	s4 =	sshll.u32 s26, $0x1;
	_ =	strace $0x80000046;
	[dreg:$0x1] =	wrdreg $0xFFFFFFFF  }
0xa7: {  	s28 =	simm.s32 $_size_execute0_lowered;
	s2 =	sadd.s32 s2, s4;
	[dreg:$0x0] =	wrdreg $0x0  }
0xa8: {  	s4 =	sshll.u32 s28, $0x1;
	[dreg:$0x2] =	wrdreg s2  }
0xa9: {  	[dreg:$0x3] =	wrdreg s4  }
0xaa: {  	[dreg:$0x4] =	wrdreg $0xC0  }
0xab: {  	_ =	task [dreg:s6], $0x5FFFF  }
0xac: {  	[dreg:$0x1] =	wrdreg $0xFFFFFFFF  }
0xad: {  	[dreg:$0x0] =	wrdreg $0x60  }
0xae: {  	[dreg:$0x2] =	wrdreg s24  }
0xaf: {  	[dreg:$0x3] =	wrdreg $0x9  }
0xb0: {  	_ =	task.clear_ibuf [dreg:s6], $0x4FFFF;
	_ =	strace $0x90000046  }
0xb1: {  	s29 =	simm.s32 $0x9;
	_ =	strace $0x80000048  }
0xb2: {  	_ =	swait.ge [sflag:s29], $0x1  }
0xb3: {  	[sflag:s29] =	ssyncadd.s32 $0xFFFFFFFF  }
0xb4: {  	_ =	strace $0x90000048  }
0xb5: {  	_ =	sfence  }
0xb6: {  	s30 =	sld [smem:$0x0];
	_ =	sdelay $0x2  }
0xb7: {  	s31 =	sshll.u32 s1, $0xD;
	s1 =	sshrl.u32 s1, $0x2  }
0xb8: {  	s3 =	sand.u32 $0x4000, s31;
	s1 =	sadd.s32 s1, s30  }
0xb9: {  	s0 =	sor.u32 s3, s0;
	s1 =	sshll.u32 s1, $0x11  }
0xba: {  	s0 =	sor.u32 s1, s0  }
0xbb: {  	s0 =	sadd.s32 $0x8F2B, s0  }
0xbc: {  	[sflag:s0] =	ssyncadd.remote.s32 $0x1  }
0xbd: {  	_ =	sfence.sel $0xFFFF  }
0xbe: {  	[dreg:$0x0] =	wrdreg $0xFFFFFFFF;
	(pc) =	sbr.abs _section_cstart, $3  }
0xbf: {  	[dreg:$0x1] =	wrdreg $0xFFFFFFFF  }
0xc0: {  	_ =	task.clear_ibuf [dreg:s6], $0x2FFFF;
	_ =	strace $0x9FFFFFFF  }
0xc1: {  	(tm) =	ssettm $0x7FFFFFFF  }
tec
execute0_lowered:
.L_overlay_start_1:
0x0: {  	(tag) =	ssettag $0x1  }
0x1: {  	s0 =	srdreg.scid  }
0x2: {  	s4 =	rddreg [dreg:$0x0];
	s2 =	simm.s32 $0x0;
	s10 =	simm.s32 $0x4F00  }
0x3: {  	s11 =	simm.s32 $0x3;
	s12 =	simm.s32 $0x7700;
	s3 =	sand.u32 $0x1, s0  }
0x4: {  	s13 =	simm.s32 $0x1;
	s0 =	stileid.u32;
	s1 =	sshll.u32 s3, $0x4  }
0x5: {  	s14 =	simm.s32 $0x2;
	s15 =	simm.s32 $0x0;
	s5 =	sor.u32 s0, s1  }
0x6: {  	[smem:$0x7FF] =	sst s2;
	s7 =	ssub.s32 $0x2, s3;
	s6 =	smul.u32 $0x4E2, s5  }
0x7: {  	s3 =	sadd.s32 $0x15E00, s4;
	s8 =	sshrl.u32 s7, $0x1;
	s5 =	smul.u32 $0x2800, s5  }
0x8: {  	s1 =	rddreg [dreg:$0x1];
	_ =	strace $0x80000047;
	s8 =	ssub.s32 s7, s8  }
0x9: {  	s8 =	smax.u32 s8, $0x1;
	s6 =	sadd.s32 s6, s4;
	s5 =	sshrl.u32 s5, $0x3  }
0xa: {  	s9 =	sadd.s32 s5, s4;
	s4 =	sadd.s32 $0xC000, s6;
	s5 =	sadd.s32 $0x2200, s6  }
0xb: {  	s6 =	sadd.s32 $0x16400, s9;
	s7 =	sadd.s32 $0x20400, s9;
	s9 =	simm.s32 $0x2780  }
.LBB2_1:
0xc: {  	[tilespmem:s2], [sflag:$0x1] =	stream.linear.gather [hbm4b:s4+s2], $0x2710, $0x38;
	[tilespmem:$0x9F00] =	vst v63  }
0xd: {  	_ = 	snop  }
0xe: {  	[tilespmem:s9], [sflag:$0x2] =	stream.linear.gather [hbm4b:s5+s2], $0x2710, $0x38;
	[tilespmem:$0x9F00] =	vst v63  }
0xf: {  	_ = 	snop  }
0x10: {  	[tilespmem:s10], [sflag:$0x3] =	stream.linear.gather [hbm4b:s3+s2], $0x2800, $0x38;
	[tilespmem:$0x9F00] =	vst v63  }
0x11: {  	_ =	swait.ge [sflag:s11], $0x2800  }
0x12: {  	[sflag:s11] =	ssyncset.done $0x0  }
0x13: {  	[sflag:s11] =	ssyncadd.s32 $0xFFFFD800  }
0x14: {  	[tilespmem:s12], [sflag:$0x3] =	stream.linear.gather [hbm4b:s3+s2], $0x2800, $0x38;
	[tilespmem:$0x9F00] =	vst v63  }
0x15: {  	_ =	swait.ge [sflag:s11], $0x2800  }
0x16: {  	[sflag:s11] =	ssyncset.done $0x0  }
0x17: {  	[sflag:s11] =	ssyncadd.s32 $0xFFFFD800  }
0x18: {  	_ =	swait.ge [sflag:s13], $0x2710  }
0x19: {  	[sflag:s13] =	ssyncset.done $0x0  }
0x1a: {  	[sflag:s13] =	ssyncadd.s32 $0xFFFFD8F0  }
0x1b: {  	_ =	swait.ge [sflag:s14], $0x2710  }
0x1c: {  	[sflag:s14] =	ssyncset.done $0x0  }
0x1d: {  	s16 =	simm.s32 $0x0;
	[sflag:s14] =	ssyncadd.s32 $0xFFFFD8F0  }
.LBB2_2:
0x1e: {  	s17 =	sshra.s32 s16, $0x2  }
0x1f: {  	v0 =	vld [tilespmem:s17+$0x0];
	_ =	sdelay $0x4  }
0x20: {  	(xrf1) =	vunique.msk.u32 $0xffff, v0;
	_ =	sdelay $0xd  }
0x21: {  	_, v1, vm0 =	vpop (xrf1);
	_ =	sdelay $0x3  }
0x22: {  	v1 =	vcvt.s32.f32 v1;
	_ =	sdelay $0x1  }
0x23: {  	[tilespmem:v0+s10+$0x0] =	vst.idx.add.f32.msk vm0, v1  }
0x24: {  	v0 =	vld [tilespmem:s17+$0x2780];
	_ =	sdelay $0x4  }
0x25: {  	(xrf1) =	vunique.msk.u32 $0xffff, v0;
	_ =	sdelay $0xd  }
0x26: {  	_, v1, vm0 =	vpop (xrf1);
	_ =	sdelay $0x3  }
0x27: {  	v1 =	vcvt.s32.f32 v1;
	_ =	sdelay $0x1  }
0x28: {  	[tilespmem:v0+s12+$0x0] =	vst.idx.add.f32.msk vm0, v1  }
0x29: {  	v0 =	vld [tilespmem:s17+$0x10];
	_ =	sdelay $0x4  }
0x2a: {  	(xrf1) =	vunique.msk.u32 $0xffff, v0;
	_ =	sdelay $0xd  }
0x2b: {  	_, v1, vm0 =	vpop (xrf1);
	_ =	sdelay $0x3  }
0x2c: {  	v1 =	vcvt.s32.f32 v1;
	_ =	sdelay $0x1  }
0x2d: {  	[tilespmem:v0+s10+$0x0] =	vst.idx.add.f32.msk vm0, v1  }
0x2e: {  	v0 =	vld [tilespmem:s17+$0x2790];
	_ =	sdelay $0x4  }
0x2f: {  	(xrf1) =	vunique.msk.u32 $0xffff, v0;
	_ =	sdelay $0xd  }
0x30: {  	_, v1, vm0 =	vpop (xrf1)  }
0x31: {  	p0 =	sne.s32 s16, $0x9B80  }
.Ltmp0:
0x32: {  	_ = 	snop;
	(pc) =	sbr.rel @p0 .LBB2_2-.Ltmp0, $3  }
0x33: {  	_ = 	snop  }
0x34: {  	v1 =	vcvt.s32.f32 v1;
	_ =	sdelay $0x1  }
0x35: {  	s16 =	sadd.s32 $0x80, s16;
	[tilespmem:v0+s12+$0x0] =	vst.idx.add.f32.msk vm0, v1  }
0x36: {  	v0 =	vld [tilespmem:$0x2700];
	_ =	sdelay $0x4  }
0x37: {  	(xrf1) =	vunique.msk.u32 $0xffff, v0;
	_ =	sdelay $0xd  }
0x38: {  	_, v1, vm0 =	vpop (xrf1);
	_ =	sdelay $0x3  }
0x39: {  	v1 =	vcvt.s32.f32 v1;
	_ =	sdelay $0x1  }
0x3a: {  	[tilespmem:v0+s10+$0x0] =	vst.idx.add.f32.msk vm0, v1  }
0x3b: {  	v0 =	vld [tilespmem:$0x4E80];
	_ =	sdelay $0x4  }
0x3c: {  	(xrf1) =	vunique.msk.u32 $0xffff, v0;
	_ =	sdelay $0xd  }
0x3d: {  	_, v1, vm0 =	vpop (xrf1);
	_ =	sdelay $0x3  }
0x3e: {  	v1 =	vcvt.s32.f32 v1;
	_ =	sdelay $0x1  }
0x3f: {  	[tilespmem:v0+s12+$0x0] =	vst.idx.add.f32.msk vm0, v1  }
0x40: {  	[hbm4b:s6+s2] =	stream.linear.scatter [tilespmem:s10], [sflag:$0x3], $0x2800, $0x38;
	[tilespmem:$0x9F00] =	vst v63  }
0x41: {  	s15 =	sadd.s32 $0x1, s15;
	_ =	swait.ge [sflag:s11], $0x2800  }
0x42: {  	p0 =	sne.s32 s15, s8;
	[sflag:s11] =	ssyncset.done $0x0  }
.Ltmp1:
0x43: {  	[sflag:s11] =	ssyncadd.s32 $0xFFFFD800;
	(pc) =	sbr.rel @p0 .LBB2_1-.Ltmp1, $4  }
0x44: {  	[hbm4b:s7+s2] =	stream.linear.scatter [tilespmem:s12], [sflag:$0x3], $0x2800, $0x38;
	[tilespmem:$0x9F00] =	vst v63  }
0x45: {  	_ =	swait.ge [sflag:s11], $0x2800  }
0x46: {  	[sflag:s11] =	ssyncset.done $0x0  }
0x47: {  	[sflag:s11] =	ssyncadd.s32 $0xFFFFD800  }
0x48: {  	_ =	sfence.sel $0x180000  }
0x49: {  	[bflag:$0x0] =	sbarrier.arrive $0xFFFF  }
0x4a: {  	p0 =	sne.s32 s0, $0x0;
	_ =	strace $0x90000047  }
0x4b: {  	s0 =	sadd.s32 @!p0 $0x100000, s1;
	[bflag:$0x2] =	sbarrier.arrive $0xFFFF  }
0x4c: {  	[sflag:s0] =	ssyncadd.tile.s32 @!p0 $0x1;
	_ =	shalt  }
.Lfunc_end2:
_tile_overlayer_lowered:
.L_overlay_start_2:
0x4d: {  	(tag) =	ssettag $0x2  }
0x4e: {  	s0 =	rddreg [dreg:$0x0];
	s2 =	stileid.u32  }
0x4f: {  	s1 =	rddreg [dreg:$0x1];
	p0 =	sne.s32 s2, $0x0  }
0x50: {  	s3 =	rddreg [dreg:$0x2];
	[bflag:$0x3] =	sbarrier.arrive $0xFFFF;
	s2 =	simm.s32 @!p0 $0x1C03  }
0x51: {  	[timem:s3], [sflag:s2] =	dma.local @!p0 [hbm:s0], s1  }
0x52: {  	s0 =	simm.s32 @!p0 $0x3  }
0x53: {  	_ =	swait.ge @!p0 [sflag:s0], s1  }
0x54: {  	s1 =	ssub.s32 @!p0 $0x0, s1;
	[sflag:s0] =	ssyncset.done @!p0 $0x0  }
0x55: {  	[sflag:s0] =	ssyncadd.s32 @!p0 s1  }
0x56: {  	[bflag:$0x3] =	sbarrier.arrive $0xFFFF  }
0x57: {  	_ =	shalt  }

</sc_bundles>
